<compile_context>
chip_gen: v7x
topology: tpu7x:2x2x1
jax: 0.10.2.dev20260603
libtpu: 0.0.44.dev20260713+nightly
codegen_flags: <defaults>
</compile_context>

<pallas_src>
import functools
import jax
import jax.numpy as jnp
import numpy as np
from jax import lax
from jax.experimental import pallas as pl
from jax.experimental.pallas import tpu as pltpu
from jax.experimental.pallas import tpu_sc as plsc

_NC = 80
_B, _NT = 16, 32
_NTGT = _B * _NT
_NGATH = _NTGT * 85
_NW = 32
_CHUNK = _NGATH // _NW
_NSUB = 17
_SUBW = 80
_ANCHORS = [
    [(0.02, 0.03), (0.04, 0.07), (0.08, 0.06)],
    [(0.07, 0.15), (0.15, 0.11), (0.14, 0.29)],
    [(0.28, 0.22), (0.38, 0.48), (0.90, 0.78)],
]
_HW = [(80, 80), (40, 40), (20, 20)]


def _sigmoid(x):
    return jax.nn.sigmoid(x)


def _softplus_ref(x):
    return jnp.maximum(x, 0.0) + jnp.log1p(jnp.exp(-jnp.abs(x)))


def _focal0(x):
    e = jnp.exp(-jnp.abs(x))
    r = 1.0 / (1.0 + e)
    sp = jnp.maximum(x, 0.0) + jnp.log1p(e)
    s = jnp.where(x >= 0.0, r, e * r)
    return sp * s * s


def _focal1(x):
    e = jnp.exp(-jnp.abs(x))
    r = 1.0 / (1.0 + e)
    sp = jnp.maximum(x, 0.0) + jnp.log1p(e)
    q = jnp.where(x >= 0.0, e * r, r)
    return (sp - x) * q * q


def _build_kernel(t_ref, fout_ref, idx_ref):
    cls_f = t_ref[0]
    xc = t_ref[1]
    yc = t_ref[2]
    w = t_ref[3]
    h = t_ref[4]
    valid = (w > 0.0) & (h > 0.0)
    validf = valid.astype(jnp.float32)
    b_iota = lax.broadcasted_iota(jnp.int32, (_B, _NT), 0)
    c_iota = lax.broadcasted_iota(jnp.int32, (_B, _NT, 85), 2)
    for s in range(3):
        H, W = _HW[s]
        anchors = _ANCHORS[s]
        ious = []
        for (aw, ah) in anchors:
            inter = jnp.minimum(w, aw) * jnp.minimum(h, ah)
            ious.append(inter / (w * h + aw * ah - inter + 1e-6))
        best = jnp.zeros((_B, _NT), jnp.int32)
        ibest = ious[0]
        best = jnp.where(ious[1] > ibest, 1, best)
        ibest = jnp.maximum(ibest, ious[1])
        best = jnp.where(ious[2] > ibest, 2, best)
        aw_b = jnp.where(best == 0, anchors[0][0],
                         jnp.where(best == 1, anchors[1][0], anchors[2][0]))
        ah_b = jnp.where(best == 0, anchors[0][1],
                         jnp.where(best == 1, anchors[1][1], anchors[2][1]))
        gi = jnp.clip((xc * W).astype(jnp.int32), 0, W - 1)
        gj = jnp.clip((yc * H).astype(jnp.int32), 0, H - 1)
        flat = ((b_iota * 3 + best) * H + gj) * W + gi
        eq = (flat[:, None, :] == flat[:, :, None])
        later = (lax.broadcasted_iota(jnp.int32, (_NT, _NT), 1) >
                 lax.broadcasted_iota(jnp.int32, (_NT, _NT), 0))[None, :, :]
        kill = eq & later & valid[:, None, :]
        loses = jnp.sum(kill.astype(jnp.float32), axis=2) > 0.0
        winner = validf * (1.0 - loses.astype(jnp.float32))
        npos = jnp.sum(winner)
        tx = xc * W - gi.astype(jnp.float32)
        ty = yc * H - gj.astype(jnp.float32)
        tw = jnp.log(w / aw_b + 1e-6)
        th = jnp.log(h / ah_b + 1e-6)
        fout_ref[s, 0] = tx
        fout_ref[s, 1] = ty
        fout_ref[s, 2] = tw
        fout_ref[s, 3] = th
        fout_ref[s, 4] = winner
        fout_ref[s, 5] = cls_f
        fout_ref[s, 6] = jnp.full((_B, _NT), npos)
        base = ((b_iota * 255 + best * 85) * H + gj) * W + gi
        fout_ref[s, 7] = (base % 8).astype(jnp.float32)
        idx_ref[s] = (base // 8)[:, :, None] + c_iota * (H * W // 8)


def _run_build(targets):
    t5 = jnp.transpose(targets, (2, 0, 1))
    fout, idx = pl.pallas_call(
        _build_kernel,
        out_shape=(
            jax.ShapeDtypeStruct((3, 8, _B, _NT), jnp.float32),
            jax.ShapeDtypeStruct((3, _B, _NT, 85), jnp.int32),
        ),
    )(t5)
    return fout, idx


_NFULL = _CHUNK // 128
_TAIL = _CHUNK - _NFULL * 128


def _sc_gather_kernel(idx_hbm, p0_hbm, p1_hbm, p2_hbm, out_hbm,
                      idx_v, rows_v, sem):
    wid = lax.axis_index("s") * 2 + lax.axis_index("c")
    preds = [p0_hbm, p1_hbm, p2_hbm]
    for s in range(3):
        pltpu.sync_copy(idx_hbm.at[s, wid], idx_v.at[s])
    for s in range(3):
        pred = preds[s]

        def fire(j, carry, s=s, pred=pred):
            pltpu.make_async_copy(
                pred.at[idx_v.at[s, j]], rows_v.at[s, j], sem).start()
            return carry

        lax.fori_loop(0, _NSUB, fire, 0)
    for s in range(3):
        pred = preds[s]

        def drain(j, carry, s=s, pred=pred):
            pltpu.make_async_copy(
                pred.at[idx_v.at[s, j]], rows_v.at[s, j], sem).wait()
            return carry

        lax.fori_loop(0, _NSUB, drain, 0)
    for s in range(3):
        pltpu.sync_copy(rows_v.at[s], out_hbm.at[s, wid])


def _run_sc_gather(idx, preds_flat):
    idx_t = idx.reshape(3, _NW, _NSUB, _SUBW)
    mesh = plsc.VectorSubcoreMesh(core_axis_name="c", subcore_axis_name="s",
                                  num_cores=2, num_subcores=16)
    out = pl.kernel(
        _sc_gather_kernel,
        out_type=jax.ShapeDtypeStruct((3, _NW, _NSUB, _SUBW, 8), jnp.float32),
        mesh=mesh,
        scratch_types=[
            pltpu.VMEM((3, _NSUB, _SUBW), jnp.int32),
            pltpu.VMEM((3, _NSUB, _SUBW, 8), jnp.float32),
            pltpu.SemaphoreType.DMA,
        ],
        compiler_params=pltpu.CompilerParams(use_tc_tiling_on_sc=False),
    )(idx_t, *preds_flat)
    return out.reshape(3, _NTGT, 680)


def _loss_kernel(g_ref, f_ref, out_ref):
    g8 = g_ref[0]
    f = f_ref[0]
    o_i = f[:, 7:8].astype(jnp.int32)
    lane680 = lax.broadcasted_iota(jnp.int32, (_NTGT, 680), 1)
    m680 = (lane680 % 8 == o_i).astype(jnp.float32)
    sel = (lax.broadcasted_iota(jnp.int32, (680, 85), 0) // 8 ==
           lax.broadcasted_iota(jnp.int32, (680, 85), 1)).astype(jnp.float32)
    p = jnp.dot(g8 * m680, sel, preferred_element_type=jnp.float32)
    tx = f[:, 0:1]
    ty = f[:, 1:2]
    tw = f[:, 2:3]
    th = f[:, 3:4]
    win = f[:, 4:5]
    c_i = f[:, 5:6].astype(jnp.int32)
    d0 = _sigmoid(p[:, 0:1]) - tx
    d1 = _sigmoid(p[:, 1:2]) - ty
    v_xy = jnp.sum((d0 * d0 + d1 * d1) * win)
    d2 = p[:, 2:3] - tw
    d3 = p[:, 3:4] - th
    v_wh = jnp.sum((d2 * d2 + d3 * d3) * win)
    pobj = p[:, 4:5]
    v_op = jnp.sum(_focal1(pobj) * win)
    v_on = jnp.sum(_focal0(pobj) * win)
    pc = p[:, 5:85]
    tgt = (lax.broadcasted_iota(jnp.int32, (_NTGT, 80), 1) == c_i
           ).astype(jnp.float32)
    fc = tgt * _focal1(pc) + (1.0 - tgt) * _focal0(pc)
    v_cls = jnp.sum(fc * win)
    col = lax.broadcasted_iota(jnp.int32, (8, 128), 1)
    row = lax.broadcasted_iota(jnp.int32, (8, 128), 0)
    on_row = (row == 0).astype(jnp.float32)
    out_ref[0] = (jnp.where(col == 0, v_xy, 0.0) +
                  jnp.where(col == 1, v_wh, 0.0) +
                  jnp.where(col == 2, v_op, 0.0) +
                  jnp.where(col == 3, v_on, 0.0) +
                  jnp.where(col == 4, v_cls, 0.0)) * on_row


def _run_loss(gathered, f_s):
    out = pl.pallas_call(
        _loss_kernel,
        grid=(3,),
        in_specs=[
            pl.BlockSpec((1, _NTGT, 680), lambda s: (s, 0, 0)),
            pl.BlockSpec((1, _NTGT, 8), lambda s: (s, 0, 0)),
        ],
        out_specs=pl.BlockSpec((1, 8, 128), lambda s: (s, 0, 0)),
        out_shape=jax.ShapeDtypeStruct((3, 8, 128), jnp.float32),
        compiler_params=pltpu.CompilerParams(
            dimension_semantics=("arbitrary",)),
    )(gathered, f_s)
    return out[:, 0, :5]


def _dense_kernel(pred_ref, out_ref):
    a = pl.program_id(0)
    b = pl.program_id(1)

    @pl.when((a == 0) & (b == 0))
    def _():
        out_ref[...] = jnp.zeros_like(out_ref)

    x = pred_ref[0, 0]
    v = jnp.sum(_focal0(x))
    row = lax.broadcasted_iota(jnp.int32, (8, 128), 0)
    col = lax.broadcasted_iota(jnp.int32, (8, 128), 1)
    out_ref[...] += jnp.where((row == 0) & (col == 0), v, 0.0)


def _run_dense(pred, H, W):
    out = pl.pallas_call(
        _dense_kernel,
        grid=(3, _B),
        in_specs=[pl.BlockSpec((1, 1, H, W),
                               lambda a, b: (b, a * 85 + 4, 0, 0))],
        out_specs=pl.BlockSpec((8, 128), lambda a, b: (0, 0)),
        out_shape=jax.ShapeDtypeStruct((8, 128), jnp.float32),
        compiler_params=pltpu.CompilerParams(
            dimension_semantics=("arbitrary", "arbitrary")),
    )(pred)
    return out[0, 0]


def _finish(preds, gathered, fout):
    f_s = jnp.transpose(fout, (0, 2, 3, 1)).reshape(3, _NTGT, 8)
    sums = _run_loss(gathered, f_s)
    total = jnp.float32(0.0)
    for s in range(3):
        H, W = _HW[s]
        dense_neg = _run_dense(preds[s], H, W)
        npos_raw = fout[s, 6, 0, 0]
        npos = jnp.maximum(npos_raw, 1.0)
        N = jnp.float32(_B * 3 * H * W)
        nneg = jnp.maximum(N - npos_raw, 1.0)
        v_xy, v_wh, v_op, v_on, v_cls = (sums[s, 0], sums[s, 1], sums[s, 2],
                                         sums[s, 3], sums[s, 4])
        loss_box = (v_xy + v_wh) / (npos * 2.0)
        loss_obj_pos = v_op / npos
        loss_obj_neg = (dense_neg - v_on) / nneg
        loss_cls = v_cls / (npos * _NC)
        total = total + (5.0 * loss_box + loss_obj_pos +
                         0.5 * loss_obj_neg + loss_cls)
    return total / 3.0


def kernel(pred_s0, pred_s1, pred_s2, targets):
    preds = [pred_s0, pred_s1, pred_s2]
    fout, idx = _run_build(targets)
    preds_flat = [p.reshape(-1, 8) for p in preds]
    gathered = _run_sc_gather(idx, preds_flat)
    return _finish(preds, gathered, fout)

# --- scband reference (transcript-rebuilt; emitter-appended) ---
"""Pipeline reference for scband-yololoss-v2-1675037246085 (READ-ONLY COPY).

The authoritative reference and input builder live on the scoring server;
editing this copy changes nothing except your own understanding.
"""

import jax, jax.numpy as jnp
import numpy as np

NUM_CLASSES = 80
LAMBDA_BOX = 5.0
LAMBDA_OBJ = 1.0
LAMBDA_CLS = 1.0
LAMBDA_NOOBJ = 0.5
ANCHORS_NORM = [
    [(0.02, 0.03), (0.04, 0.07), (0.08, 0.06)],
    [(0.07, 0.15), (0.15, 0.11), (0.14, 0.29)],
    [(0.28, 0.22), (0.38, 0.48), (0.90, 0.78)],
]


def setup_inputs(seed: int = 0):
    key = jax.random.key(seed)
    k0, k1, k2, kc, kxy, kwh = jax.random.split(key, 6)
    B, NT = 16, 32
    C = 3 * (5 + NUM_CLASSES)
    pred_s0 = jax.random.normal(k0, (B, C, 80, 80), dtype=jnp.float32)
    pred_s1 = jax.random.normal(k1, (B, C, 40, 40), dtype=jnp.float32)
    pred_s2 = jax.random.normal(k2, (B, C, 20, 20), dtype=jnp.float32)
    cls = jax.random.randint(kc, (B, NT, 1), 0, NUM_CLASSES).astype(jnp.float32)
    xy = jax.random.uniform(kxy, (B, NT, 2), minval=0.02, maxval=0.98)
    wh = jax.random.uniform(kwh, (B, NT, 2), minval=0.02, maxval=0.5)
    targets = jnp.concatenate([cls, xy, wh], axis=-1)
    return {"pred_s0": pred_s0, "pred_s1": pred_s1, "pred_s2": pred_s2, "targets": targets}


def _focal_bce(pred, target, gamma=2.0):
    bce = jnp.maximum(pred, 0.0) - pred * target + jnp.log1p(jnp.exp(-jnp.abs(pred)))
    sig = jax.nn.sigmoid(pred)
    p_t = target * sig + (1.0 - target) * (1.0 - sig)
    return bce * (1.0 - p_t) ** gamma


def _build_targets(targets, anchors, B, H, W, nc):
    cls = targets[..., 0].astype(jnp.int32)
    xc, yc = targets[..., 1], targets[..., 2]
    w, h = targets[..., 3], targets[..., 4]
    valid = (w > 0) & (h > 0)
    aw, ah = anchors[:, 0], anchors[:, 1]
    inter = jnp.minimum(w[..., None], aw) * jnp.minimum(h[..., None], ah)
    iou = inter / (w[..., None] * h[..., None] + aw * ah - inter + 1e-6)
    best_a = jnp.argmax(iou, axis=-1)
    gi = jnp.clip((xc * W).astype(jnp.int32), 0, W - 1)
    gj = jnp.clip((yc * H).astype(jnp.int32), 0, H - 1)
    b_idx = jnp.broadcast_to(jnp.arange(B)[:, None], cls.shape)
    N = B * 3 * H * W
    flat = ((b_idx * 3 + best_a) * H + gj) * W + gi
    flat = jnp.where(valid, flat, N)
    fb = flat.reshape(-1)
    tx_v = (xc * W - gi.astype(jnp.float32)).reshape(-1)
    ty_v = (yc * H - gj.astype(jnp.float32)).reshape(-1)
    aw_b = aw[best_a]
    ah_b = ah[best_a]
    tw_v = jnp.log(w / aw_b + 1e-6).reshape(-1)
    th_v = jnp.log(h / ah_b + 1e-6).reshape(-1)
    onehot = jax.nn.one_hot(cls, nc, dtype=jnp.float32).reshape(-1, nc)
    obj = jnp.zeros((N,), jnp.bool_).at[fb].set(True, mode='drop').reshape(B, 3, H, W)
    tx = jnp.zeros((N,), jnp.float32).at[fb].set(tx_v, mode='drop').reshape(B, 3, H, W)
    ty = jnp.zeros((N,), jnp.float32).at[fb].set(ty_v, mode='drop').reshape(B, 3, H, W)
    tw = jnp.zeros((N,), jnp.float32).at[fb].set(tw_v, mode='drop').reshape(B, 3, H, W)
    th = jnp.zeros((N,), jnp.float32).at[fb].set(th_v, mode='drop').reshape(B, 3, H, W)
    tcls = jnp.zeros((N, nc), jnp.float32).at[fb].set(onehot, mode='drop').reshape(B, 3, H, W, nc)
    return obj, tx, ty, tw, th, tcls


def _scale_loss(pred_raw, targets, anchors, nc):
    B, C, H, W = pred_raw.shape
    pred = pred_raw.reshape(B, 3, 5 + nc, H, W).transpose(0, 1, 3, 4, 2)
    obj, tx, ty, tw, th, tcls = _build_targets(targets, anchors, B, H, W, nc)
    objf = obj.astype(jnp.float32)
    noobjf = 1.0 - objf
    npos = jnp.maximum(objf.sum(), 1.0)
    nneg = jnp.maximum(noobjf.sum(), 1.0)
    pred_xy = jax.nn.sigmoid(pred[..., 0:2])
    txy = jnp.stack([tx, ty], axis=-1)
    loss_xy = jnp.sum((pred_xy - txy) ** 2 * objf[..., None]) / (npos * 2.0)
    twh = jnp.stack([tw, th], axis=-1)
    loss_wh = jnp.sum((pred[..., 2:4] - twh) ** 2 * objf[..., None]) / (npos * 2.0)
    loss_box = loss_xy + loss_wh
    loss_cls = jnp.sum(_focal_bce(pred[..., 5:], tcls) * objf[..., None]) / (npos * nc)
    pred_obj = pred[..., 4]
    loss_obj_pos = jnp.sum(_focal_bce(pred_obj, jnp.ones_like(pred_obj)) * objf) / npos
    loss_obj_neg = jnp.sum(_focal_bce(pred_obj, jnp.zeros_like(pred_obj)) * noobjf) / nneg
    return LAMBDA_BOX * loss_box + LAMBDA_OBJ * loss_obj_pos + LAMBDA_NOOBJ * loss_obj_neg + LAMBDA_CLS * loss_cls


def reference(pred_s0, pred_s1, pred_s2, targets):
    preds = [pred_s0, pred_s1, pred_s2]
    total = jnp.float32(0.0)
    for i, p in enumerate(preds):
        anchors = jnp.asarray(np.array(ANCHORS_NORM[i], dtype=np.float32))
        total = total + _scale_loss(p, targets, anchors, NUM_CLASSES)
    return total / 3.0

if __name__ == "__main__":
    import jax
    _d = setup_inputs()
    print(jax.jit(kernel)(*tuple(_d.values())))

</pallas_src>

<mosaic_0001>
#map = affine_map<(d0, d1) -> (0, 0, 0, 0)>
#map1 = affine_map<(d0, d1) -> (0, 0)>
#map2 = affine_map<(d0, d1) -> (0, 0, 0, 0, 0)>
module attributes {stable_mosaic.version = 14 : i64} {
  func.func @_sc_gather_kernel(%arg0: i32, %arg1: i32, %arg2: memref<3x32x17x80xi32, #tpu.memory_space<hbm>>, %arg3: memref<3264000x8xf32, #tpu.memory_space<hbm>>, %arg4: memref<816000x8xf32, #tpu.memory_space<hbm>>, %arg5: memref<204000x8xf32, #tpu.memory_space<hbm>>, %arg6: memref<3x32x17x80x8xf32, #tpu.memory_space<hbm>>, %arg7: memref<3x17x80xi32, #tpu.memory_space<vmem>>, %arg8: memref<3x17x80x8xf32, #tpu.memory_space<vmem>>, %arg9: memref<!tpu.dma_semaphore, #tpu.memory_space<semaphore_mem>>) attributes {dimension_semantics = [#tpu.dimension_semantics<core_parallel>, #tpu.dimension_semantics<subcore_parallel>], iteration_bounds = array<i64: 2, 16>, scalar_prefetch = 0 : i64, scratch_operands = 3 : i64, tpu.core_type = #tpu.core_type<sc_vector_subcore>, window_params = [{transform_indices = #map}, {transform_indices = #map1}, {transform_indices = #map1}, {transform_indices = #map1}, {transform_indices = #map2}]} {
    %mul3A = arith.constant 2 : i32
    %mul3A_0 = arith.muli %arg1, %mul3A : i32
    %add3A = arith.addi %mul3A_0, %arg0 : i32
    %run_scoped3A = arith.constant 0 : i32
    %run_scoped3A_1 = arith.constant 0 : i32
    "tpu.region"() ({
      %run_scoped3A_47 = tpu.sem_alloc : memref<!tpu.dma_semaphore, #tpu.memory_space<semaphore_mem>>
      %dma_start3A = arith.constant 0 : i32
      %dma_start3A_48 = arith.constant 0 : i32
      %dma_start3A_49 = tpu.memref_slice %arg7[%run_scoped3A_1, %dma_start3A, %dma_start3A_48] : memref<3x17x80xi32, #tpu.memory_space<vmem>> -> memref<1x17x80xi32, #tpu.memory_space<vmem>>
      %dma_start3A_50 = tpu.memref_squeeze %dma_start3A_49 : memref<1x17x80xi32, #tpu.memory_space<vmem>> -> memref<17x80xi32, #tpu.memory_space<vmem>>
      %dma_start3A_51 = arith.constant 0 : i32
      %dma_start3A_52 = arith.constant 0 : i32
      %dma_start3A_53 = tpu.memref_slice %arg2[%run_scoped3A, %add3A, %dma_start3A_51, %dma_start3A_52] : memref<3x32x17x80xi32, #tpu.memory_space<hbm>> -> memref<1x1x17x80xi32, #tpu.memory_space<hbm>>
      %dma_start3A_54 = tpu.memref_squeeze %dma_start3A_53 : memref<1x1x17x80xi32, #tpu.memory_space<hbm>> -> memref<17x80xi32, #tpu.memory_space<hbm>>
      %dma_start3A_55 = arith.constant 0 : i32
      %dma_start3A_56 = arith.constant 0 : i32
      %dma_start3A_57 = tpu.memref_slice %arg7[%run_scoped3A_1, %dma_start3A_55, %dma_start3A_56] : memref<3x17x80xi32, #tpu.memory_space<vmem>> -> memref<1x17x80xi32, #tpu.memory_space<vmem>>
      %dma_start3A_58 = tpu.memref_squeeze %dma_start3A_57 : memref<1x17x80xi32, #tpu.memory_space<vmem>> -> memref<17x80xi32, #tpu.memory_space<vmem>>
      %dma_start3A_59 = arith.constant 0 : i32
      %dma_start3A_60 = arith.constant 0 : i32
      %dma_start3A_61 = tpu.memref_slice %arg2[%run_scoped3A, %add3A, %dma_start3A_59, %dma_start3A_60] : memref<3x32x17x80xi32, #tpu.memory_space<hbm>> -> memref<1x1x17x80xi32, #tpu.memory_space<hbm>>
      %dma_start3A_62 = tpu.memref_squeeze %dma_start3A_61 : memref<1x1x17x80xi32, #tpu.memory_space<hbm>> -> memref<17x80xi32, #tpu.memory_space<hbm>>
      tpu.enqueue_dma source(%dma_start3A_62 : memref<17x80xi32, #tpu.memory_space<hbm>>) target(%dma_start3A_58 : memref<17x80xi32, #tpu.memory_space<vmem>>) target_semaphore(%run_scoped3A_47 : memref<!tpu.dma_semaphore, #tpu.memory_space<semaphore_mem>>)
      %dma_wait3A = arith.constant 0 : i32
      %dma_wait3A_63 = arith.constant 0 : i32
      %dma_wait3A_64 = tpu.memref_slice %arg7[%run_scoped3A_1, %dma_wait3A, %dma_wait3A_63] : memref<3x17x80xi32, #tpu.memory_space<vmem>> -> memref<1x17x80xi32, #tpu.memory_space<vmem>>
      %dma_wait3A_65 = tpu.memref_squeeze %dma_wait3A_64 : memref<1x17x80xi32, #tpu.memory_space<vmem>> -> memref<17x80xi32, #tpu.memory_space<vmem>>
      %dma_wait3A_66 = arith.constant 0 : i32
      %dma_wait3A_67 = arith.constant 0 : i32
      %dma_wait3A_68 = tpu.memref_slice %arg2[%run_scoped3A, %add3A, %dma_wait3A_66, %dma_wait3A_67] : memref<3x32x17x80xi32, #tpu.memory_space<hbm>> -> memref<1x1x17x80xi32, #tpu.memory_space<hbm>>
      %dma_wait3A_69 = tpu.memref_squeeze %dma_wait3A_68 : memref<1x1x17x80xi32, #tpu.memory_space<hbm>> -> memref<17x80xi32, #tpu.memory_space<hbm>>
      %dma_wait3A_70 = arith.constant 0 : i32
      %dma_wait3A_71 = arith.constant 0 : i32
      %dma_wait3A_72 = tpu.memref_slice %arg7[%run_scoped3A_1, %dma_wait3A_70, %dma_wait3A_71] : memref<3x17x80xi32, #tpu.memory_space<vmem>> -> memref<1x17x80xi32, #tpu.memory_space<vmem>>
      %dma_wait3A_73 = tpu.memref_squeeze %dma_wait3A_72 : memref<1x17x80xi32, #tpu.memory_space<vmem>> -> memref<17x80xi32, #tpu.memory_space<vmem>>
      %dma_wait3A_74 = arith.constant 0 : i32
      %dma_wait3A_75 = arith.constant 0 : i32
      %dma_wait3A_76 = tpu.memref_slice %arg2[%run_scoped3A, %add3A, %dma_wait3A_74, %dma_wait3A_75] : memref<3x32x17x80xi32, #tpu.memory_space<hbm>> -> memref<1x1x17x80xi32, #tpu.memory_space<hbm>>
      %dma_wait3A_77 = tpu.memref_squeeze %dma_wait3A_76 : memref<1x1x17x80xi32, #tpu.memory_space<hbm>> -> memref<17x80xi32, #tpu.memory_space<hbm>>
      tpu.wait_dma2 semaphore(%run_scoped3A_47 : memref<!tpu.dma_semaphore, #tpu.memory_space<semaphore_mem>>) src(%dma_wait3A_77 : memref<17x80xi32, #tpu.memory_space<hbm>>) dst(%dma_wait3A_73 : memref<17x80xi32, #tpu.memory_space<vmem>>)
      tpu.yield
    }) : () -> ()
    %run_scoped3A_2 = arith.constant 1 : i32
    %run_scoped3A_3 = arith.constant 1 : i32
    "tpu.region"() ({
      %run_scoped3A_47 = tpu.sem_alloc : memref<!tpu.dma_semaphore, #tpu.memory_space<semaphore_mem>>
      %dma_start3A = arith.constant 0 : i32
      %dma_start3A_48 = arith.constant 0 : i32
      %dma_start3A_49 = tpu.memref_slice %arg7[%run_scoped3A_3, %dma_start3A, %dma_start3A_48] : memref<3x17x80xi32, #tpu.memory_space<vmem>> -> memref<1x17x80xi32, #tpu.memory_space<vmem>>
      %dma_start3A_50 = tpu.memref_squeeze %dma_start3A_49 : memref<1x17x80xi32, #tpu.memory_space<vmem>> -> memref<17x80xi32, #tpu.memory_space<vmem>>
      %dma_start3A_51 = arith.constant 0 : i32
      %dma_start3A_52 = arith.constant 0 : i32
      %dma_start3A_53 = tpu.memref_slice %arg2[%run_scoped3A_2, %add3A, %dma_start3A_51, %dma_start3A_52] : memref<3x32x17x80xi32, #tpu.memory_space<hbm>> -> memref<1x1x17x80xi32, #tpu.memory_space<hbm>>
      %dma_start3A_54 = tpu.memref_squeeze %dma_start3A_53 : memref<1x1x17x80xi32, #tpu.memory_space<hbm>> -> memref<17x80xi32, #tpu.memory_space<hbm>>
      %dma_start3A_55 = arith.constant 0 : i32
      %dma_start3A_56 = arith.constant 0 : i32
      %dma_start3A_57 = tpu.memref_slice %arg7[%run_scoped3A_3, %dma_start3A_55, %dma_start3A_56] : memref<3x17x80xi32, #tpu.memory_space<vmem>> -> memref<1x17x80xi32, #tpu.memory_space<vmem>>
      %dma_start3A_58 = tpu.memref_squeeze %dma_start3A_57 : memref<1x17x80xi32, #tpu.memory_space<vmem>> -> memref<17x80xi32, #tpu.memory_space<vmem>>
      %dma_start3A_59 = arith.constant 0 : i32
      %dma_start3A_60 = arith.constant 0 : i32
      %dma_start3A_61 = tpu.memref_slice %arg2[%run_scoped3A_2, %add3A, %dma_start3A_59, %dma_start3A_60] : memref<3x32x17x80xi32, #tpu.memory_space<hbm>> -> memref<1x1x17x80xi32, #tpu.memory_space<hbm>>
      %dma_start3A_62 = tpu.memref_squeeze %dma_start3A_61 : memref<1x1x17x80xi32, #tpu.memory_space<hbm>> -> memref<17x80xi32, #tpu.memory_space<hbm>>
      tpu.enqueue_dma source(%dma_start3A_62 : memref<17x80xi32, #tpu.memory_space<hbm>>) target(%dma_start3A_58 : memref<17x80xi32, #tpu.memory_space<vmem>>) target_semaphore(%run_scoped3A_47 : memref<!tpu.dma_semaphore, #tpu.memory_space<semaphore_mem>>)
      %dma_wait3A = arith.constant 0 : i32
      %dma_wait3A_63 = arith.constant 0 : i32
      %dma_wait3A_64 = tpu.memref_slice %arg7[%run_scoped3A_3, %dma_wait3A, %dma_wait3A_63] : memref<3x17x80xi32, #tpu.memory_space<vmem>> -> memref<1x17x80xi32, #tpu.memory_space<vmem>>
      %dma_wait3A_65 = tpu.memref_squeeze %dma_wait3A_64 : memref<1x17x80xi32, #tpu.memory_space<vmem>> -> memref<17x80xi32, #tpu.memory_space<vmem>>
      %dma_wait3A_66 = arith.constant 0 : i32
      %dma_wait3A_67 = arith.constant 0 : i32
      %dma_wait3A_68 = tpu.memref_slice %arg2[%run_scoped3A_2, %add3A, %dma_wait3A_66, %dma_wait3A_67] : memref<3x32x17x80xi32, #tpu.memory_space<hbm>> -> memref<1x1x17x80xi32, #tpu.memory_space<hbm>>
      %dma_wait3A_69 = tpu.memref_squeeze %dma_wait3A_68 : memref<1x1x17x80xi32, #tpu.memory_space<hbm>> -> memref<17x80xi32, #tpu.memory_space<hbm>>
      %dma_wait3A_70 = arith.constant 0 : i32
      %dma_wait3A_71 = arith.constant 0 : i32
      %dma_wait3A_72 = tpu.memref_slice %arg7[%run_scoped3A_3, %dma_wait3A_70, %dma_wait3A_71] : memref<3x17x80xi32, #tpu.memory_space<vmem>> -> memref<1x17x80xi32, #tpu.memory_space<vmem>>
      %dma_wait3A_73 = tpu.memref_squeeze %dma_wait3A_72 : memref<1x17x80xi32, #tpu.memory_space<vmem>> -> memref<17x80xi32, #tpu.memory_space<vmem>>
      %dma_wait3A_74 = arith.constant 0 : i32
      %dma_wait3A_75 = arith.constant 0 : i32
      %dma_wait3A_76 = tpu.memref_slice %arg2[%run_scoped3A_2, %add3A, %dma_wait3A_74, %dma_wait3A_75] : memref<3x32x17x80xi32, #tpu.memory_space<hbm>> -> memref<1x1x17x80xi32, #tpu.memory_space<hbm>>
      %dma_wait3A_77 = tpu.memref_squeeze %dma_wait3A_76 : memref<1x1x17x80xi32, #tpu.memory_space<hbm>> -> memref<17x80xi32, #tpu.memory_space<hbm>>
      tpu.wait_dma2 semaphore(%run_scoped3A_47 : memref<!tpu.dma_semaphore, #tpu.memory_space<semaphore_mem>>) src(%dma_wait3A_77 : memref<17x80xi32, #tpu.memory_space<hbm>>) dst(%dma_wait3A_73 : memref<17x80xi32, #tpu.memory_space<vmem>>)
      tpu.yield
    }) : () -> ()
    %run_scoped3A_4 = arith.constant 2 : i32
    %run_scoped3A_5 = arith.constant 2 : i32
    "tpu.region"() ({
      %run_scoped3A_47 = tpu.sem_alloc : memref<!tpu.dma_semaphore, #tpu.memory_space<semaphore_mem>>
      %dma_start3A = arith.constant 0 : i32
      %dma_start3A_48 = arith.constant 0 : i32
      %dma_start3A_49 = tpu.memref_slice %arg7[%run_scoped3A_5, %dma_start3A, %dma_start3A_48] : memref<3x17x80xi32, #tpu.memory_space<vmem>> -> memref<1x17x80xi32, #tpu.memory_space<vmem>>
      %dma_start3A_50 = tpu.memref_squeeze %dma_start3A_49 : memref<1x17x80xi32, #tpu.memory_space<vmem>> -> memref<17x80xi32, #tpu.memory_space<vmem>>
      %dma_start3A_51 = arith.constant 0 : i32
      %dma_start3A_52 = arith.constant 0 : i32
      %dma_start3A_53 = tpu.memref_slice %arg2[%run_scoped3A_4, %add3A, %dma_start3A_51, %dma_start3A_52] : memref<3x32x17x80xi32, #tpu.memory_space<hbm>> -> memref<1x1x17x80xi32, #tpu.memory_space<hbm>>
      %dma_start3A_54 = tpu.memref_squeeze %dma_start3A_53 : memref<1x1x17x80xi32, #tpu.memory_space<hbm>> -> memref<17x80xi32, #tpu.memory_space<hbm>>
      %dma_start3A_55 = arith.constant 0 : i32
      %dma_start3A_56 = arith.constant 0 : i32
      %dma_start3A_57 = tpu.memref_slice %arg7[%run_scoped3A_5, %dma_start3A_55, %dma_start3A_56] : memref<3x17x80xi32, #tpu.memory_space<vmem>> -> memref<1x17x80xi32, #tpu.memory_space<vmem>>
      %dma_start3A_58 = tpu.memref_squeeze %dma_start3A_57 : memref<1x17x80xi32, #tpu.memory_space<vmem>> -> memref<17x80xi32, #tpu.memory_space<vmem>>
      %dma_start3A_59 = arith.constant 0 : i32
      %dma_start3A_60 = arith.constant 0 : i32
      %dma_start3A_61 = tpu.memref_slice %arg2[%run_scoped3A_4, %add3A, %dma_start3A_59, %dma_start3A_60] : memref<3x32x17x80xi32, #tpu.memory_space<hbm>> -> memref<1x1x17x80xi32, #tpu.memory_space<hbm>>
      %dma_start3A_62 = tpu.memref_squeeze %dma_start3A_61 : memref<1x1x17x80xi32, #tpu.memory_space<hbm>> -> memref<17x80xi32, #tpu.memory_space<hbm>>
      tpu.enqueue_dma source(%dma_start3A_62 : memref<17x80xi32, #tpu.memory_space<hbm>>) target(%dma_start3A_58 : memref<17x80xi32, #tpu.memory_space<vmem>>) target_semaphore(%run_scoped3A_47 : memref<!tpu.dma_semaphore, #tpu.memory_space<semaphore_mem>>)
      %dma_wait3A = arith.constant 0 : i32
      %dma_wait3A_63 = arith.constant 0 : i32
      %dma_wait3A_64 = tpu.memref_slice %arg7[%run_scoped3A_5, %dma_wait3A, %dma_wait3A_63] : memref<3x17x80xi32, #tpu.memory_space<vmem>> -> memref<1x17x80xi32, #tpu.memory_space<vmem>>
      %dma_wait3A_65 = tpu.memref_squeeze %dma_wait3A_64 : memref<1x17x80xi32, #tpu.memory_space<vmem>> -> memref<17x80xi32, #tpu.memory_space<vmem>>
      %dma_wait3A_66 = arith.constant 0 : i32
      %dma_wait3A_67 = arith.constant 0 : i32
      %dma_wait3A_68 = tpu.memref_slice %arg2[%run_scoped3A_4, %add3A, %dma_wait3A_66, %dma_wait3A_67] : memref<3x32x17x80xi32, #tpu.memory_space<hbm>> -> memref<1x1x17x80xi32, #tpu.memory_space<hbm>>
      %dma_wait3A_69 = tpu.memref_squeeze %dma_wait3A_68 : memref<1x1x17x80xi32, #tpu.memory_space<hbm>> -> memref<17x80xi32, #tpu.memory_space<hbm>>
      %dma_wait3A_70 = arith.constant 0 : i32
      %dma_wait3A_71 = arith.constant 0 : i32
      %dma_wait3A_72 = tpu.memref_slice %arg7[%run_scoped3A_5, %dma_wait3A_70, %dma_wait3A_71] : memref<3x17x80xi32, #tpu.memory_space<vmem>> -> memref<1x17x80xi32, #tpu.memory_space<vmem>>
      %dma_wait3A_73 = tpu.memref_squeeze %dma_wait3A_72 : memref<1x17x80xi32, #tpu.memory_space<vmem>> -> memref<17x80xi32, #tpu.memory_space<vmem>>
      %dma_wait3A_74 = arith.constant 0 : i32
      %dma_wait3A_75 = arith.constant 0 : i32
      %dma_wait3A_76 = tpu.memref_slice %arg2[%run_scoped3A_4, %add3A, %dma_wait3A_74, %dma_wait3A_75] : memref<3x32x17x80xi32, #tpu.memory_space<hbm>> -> memref<1x1x17x80xi32, #tpu.memory_space<hbm>>
      %dma_wait3A_77 = tpu.memref_squeeze %dma_wait3A_76 : memref<1x1x17x80xi32, #tpu.memory_space<hbm>> -> memref<17x80xi32, #tpu.memory_space<hbm>>
      tpu.wait_dma2 semaphore(%run_scoped3A_47 : memref<!tpu.dma_semaphore, #tpu.memory_space<semaphore_mem>>) src(%dma_wait3A_77 : memref<17x80xi32, #tpu.memory_space<hbm>>) dst(%dma_wait3A_73 : memref<17x80xi32, #tpu.memory_space<vmem>>)
      tpu.yield
    }) : () -> ()
    %scan3A = arith.constant 0 : i32
    %scan3A_6 = arith.constant 0 : i32
    %scan3A_7 = arith.constant 17 : i32
    %scan3A_8 = arith.addi %scan3A_6, %scan3A_7 : i32
    %scan3A_9 = arith.constant 1 : i32
    scf.for %scan3A_47 = %scan3A_6 to %scan3A_8 step %scan3A_9  : i32 {
      %dma_start3A = arith.constant 0 : i32
      %dma_start3A_48 = arith.constant 0 : i32
      %dma_start3A_49 = arith.constant 0 : i32
      %dma_start3A_50 = arith.constant 0 : i32
      %dma_start3A_51 = tpu.memref_slice %arg8[%dma_start3A_48, %scan3A_47, %dma_start3A_49, %dma_start3A_50] : memref<3x17x80x8xf32, #tpu.memory_space<vmem>> -> memref<1x1x80x8xf32, #tpu.memory_space<vmem>>
      %dma_start3A_52 = tpu.memref_squeeze %dma_start3A_51 : memref<1x1x80x8xf32, #tpu.memory_space<vmem>> -> memref<80x8xf32, #tpu.memory_space<vmem>>
      %dma_start3A_53 = arith.constant 0 : i32
      %dma_start3A_54 = tpu.memref_slice %arg7[%dma_start3A, %scan3A_47, %dma_start3A_53] : memref<3x17x80xi32, #tpu.memory_space<vmem>> -> memref<1x1x80xi32, #tpu.memory_space<vmem>>
      %dma_start3A_55 = tpu.memref_squeeze %dma_start3A_54 : memref<1x1x80xi32, #tpu.memory_space<vmem>> -> memref<80xi32, #tpu.memory_space<vmem>>
      %dma_start3A_56 = arith.constant 0 : i32
      %dma_start3A_57 = arith.constant 0 : i32
      %dma_start3A_58 = tpu.memref_slice %arg3[%dma_start3A_56, %dma_start3A_57] : memref<3264000x8xf32, #tpu.memory_space<hbm>> -> memref<3264000x8xf32, #tpu.memory_space<hbm>>
      tpu.enqueue_indirect_dma source(%dma_start3A_58 : memref<3264000x8xf32, #tpu.memory_space<hbm>>) target(%dma_start3A_52 : memref<80x8xf32, #tpu.memory_space<vmem>>) offsets(%dma_start3A_55 : memref<80xi32, #tpu.memory_space<vmem>>) semaphore(%arg9 : memref<!tpu.dma_semaphore, #tpu.memory_space<semaphore_mem>>)
    }
    %scan3A_10 = arith.constant 17 : i32
    %scan3A_11 = arith.constant 0 : i32
    %scan3A_12 = arith.constant 0 : i32
    %scan3A_13 = arith.constant 17 : i32
    %scan3A_14 = arith.addi %scan3A_12, %scan3A_13 : i32
    %scan3A_15 = arith.constant 1 : i32
    scf.for %scan3A_47 = %scan3A_12 to %scan3A_14 step %scan3A_15  : i32 {
      %dma_start3A = arith.constant 1 : i32
      %dma_start3A_48 = arith.constant 1 : i32
      %dma_start3A_49 = arith.constant 0 : i32
      %dma_start3A_50 = arith.constant 0 : i32
      %dma_start3A_51 = tpu.memref_slice %arg8[%dma_start3A_48, %scan3A_47, %dma_start3A_49, %dma_start3A_50] : memref<3x17x80x8xf32, #tpu.memory_space<vmem>> -> memref<1x1x80x8xf32, #tpu.memory_space<vmem>>
      %dma_start3A_52 = tpu.memref_squeeze %dma_start3A_51 : memref<1x1x80x8xf32, #tpu.memory_space<vmem>> -> memref<80x8xf32, #tpu.memory_space<vmem>>
      %dma_start3A_53 = arith.constant 0 : i32
      %dma_start3A_54 = tpu.memref_slice %arg7[%dma_start3A, %scan3A_47, %dma_start3A_53] : memref<3x17x80xi32, #tpu.memory_space<vmem>> -> memref<1x1x80xi32, #tpu.memory_space<vmem>>
      %dma_start3A_55 = tpu.memref_squeeze %dma_start3A_54 : memref<1x1x80xi32, #tpu.memory_space<vmem>> -> memref<80xi32, #tpu.memory_space<vmem>>
      %dma_start3A_56 = arith.constant 0 : i32
      %dma_start3A_57 = arith.constant 0 : i32
      %dma_start3A_58 = tpu.memref_slice %arg4[%dma_start3A_56, %dma_start3A_57] : memref<816000x8xf32, #tpu.memory_space<hbm>> -> memref<816000x8xf32, #tpu.memory_space<hbm>>
      tpu.enqueue_indirect_dma source(%dma_start3A_58 : memref<816000x8xf32, #tpu.memory_space<hbm>>) target(%dma_start3A_52 : memref<80x8xf32, #tpu.memory_space<vmem>>) offsets(%dma_start3A_55 : memref<80xi32, #tpu.memory_space<vmem>>) semaphore(%arg9 : memref<!tpu.dma_semaphore, #tpu.memory_space<semaphore_mem>>)
    }
    %scan3A_16 = arith.constant 17 : i32
    %scan3A_17 = arith.constant 0 : i32
    %scan3A_18 = arith.constant 0 : i32
    %scan3A_19 = arith.constant 17 : i32
    %scan3A_20 = arith.addi %scan3A_18, %scan3A_19 : i32
    %scan3A_21 = arith.constant 1 : i32
    scf.for %scan3A_47 = %scan3A_18 to %scan3A_20 step %scan3A_21  : i32 {
      %dma_start3A = arith.constant 2 : i32
      %dma_start3A_48 = arith.constant 2 : i32
      %dma_start3A_49 = arith.constant 0 : i32
      %dma_start3A_50 = arith.constant 0 : i32
      %dma_start3A_51 = tpu.memref_slice %arg8[%dma_start3A_48, %scan3A_47, %dma_start3A_49, %dma_start3A_50] : memref<3x17x80x8xf32, #tpu.memory_space<vmem>> -> memref<1x1x80x8xf32, #tpu.memory_space<vmem>>
      %dma_start3A_52 = tpu.memref_squeeze %dma_start3A_51 : memref<1x1x80x8xf32, #tpu.memory_space<vmem>> -> memref<80x8xf32, #tpu.memory_space<vmem>>
      %dma_start3A_53 = arith.constant 0 : i32
      %dma_start3A_54 = tpu.memref_slice %arg7[%dma_start3A, %scan3A_47, %dma_start3A_53] : memref<3x17x80xi32, #tpu.memory_space<vmem>> -> memref<1x1x80xi32, #tpu.memory_space<vmem>>
      %dma_start3A_55 = tpu.memref_squeeze %dma_start3A_54 : memref<1x1x80xi32, #tpu.memory_space<vmem>> -> memref<80xi32, #tpu.memory_space<vmem>>
      %dma_start3A_56 = arith.constant 0 : i32
      %dma_start3A_57 = arith.constant 0 : i32
      %dma_start3A_58 = tpu.memref_slice %arg5[%dma_start3A_56, %dma_start3A_57] : memref<204000x8xf32, #tpu.memory_space<hbm>> -> memref<204000x8xf32, #tpu.memory_space<hbm>>
      tpu.enqueue_indirect_dma source(%dma_start3A_58 : memref<204000x8xf32, #tpu.memory_space<hbm>>) target(%dma_start3A_52 : memref<80x8xf32, #tpu.memory_space<vmem>>) offsets(%dma_start3A_55 : memref<80xi32, #tpu.memory_space<vmem>>) semaphore(%arg9 : memref<!tpu.dma_semaphore, #tpu.memory_space<semaphore_mem>>)
    }
    %scan3A_22 = arith.constant 17 : i32
    %scan3A_23 = arith.constant 0 : i32
    %scan3A_24 = arith.constant 0 : i32
    %scan3A_25 = arith.constant 17 : i32
    %scan3A_26 = arith.addi %scan3A_24, %scan3A_25 : i32
    %scan3A_27 = arith.constant 1 : i32
    scf.for %scan3A_47 = %scan3A_24 to %scan3A_26 step %scan3A_27  : i32 {
      %dma_wait3A = arith.constant 0 : i32
      %dma_wait3A_48 = arith.constant 0 : i32
      %dma_wait3A_49 = arith.constant 0 : i32
      %dma_wait3A_50 = arith.constant 0 : i32
      %dma_wait3A_51 = tpu.memref_slice %arg8[%dma_wait3A_48, %scan3A_47, %dma_wait3A_49, %dma_wait3A_50] : memref<3x17x80x8xf32, #tpu.memory_space<vmem>> -> memref<1x1x80x8xf32, #tpu.memory_space<vmem>>
      %dma_wait3A_52 = tpu.memref_squeeze %dma_wait3A_51 : memref<1x1x80x8xf32, #tpu.memory_space<vmem>> -> memref<80x8xf32, #tpu.memory_space<vmem>>
      %dma_wait3A_53 = arith.constant 0 : i32
      %dma_wait3A_54 = tpu.memref_slice %arg7[%dma_wait3A, %scan3A_47, %dma_wait3A_53] : memref<3x17x80xi32, #tpu.memory_space<vmem>> -> memref<1x1x80xi32, #tpu.memory_space<vmem>>
      %dma_wait3A_55 = tpu.memref_squeeze %dma_wait3A_54 : memref<1x1x80xi32, #tpu.memory_space<vmem>> -> memref<80xi32, #tpu.memory_space<vmem>>
      %dma_wait3A_56 = arith.constant 0 : i32
      %dma_wait3A_57 = arith.constant 0 : i32
      %dma_wait3A_58 = tpu.memref_slice %arg3[%dma_wait3A_56, %dma_wait3A_57] : memref<3264000x8xf32, #tpu.memory_space<hbm>> -> memref<3264000x8xf32, #tpu.memory_space<hbm>>
      tpu.wait_indirect_dma semaphore(%arg9 : memref<!tpu.dma_semaphore, #tpu.memory_space<semaphore_mem>>) src(%dma_wait3A_58 : memref<3264000x8xf32, #tpu.memory_space<hbm>>) dst(%dma_wait3A_52 : memref<80x8xf32, #tpu.memory_space<vmem>>)
    }
    %scan3A_28 = arith.constant 17 : i32
    %scan3A_29 = arith.constant 0 : i32
    %scan3A_30 = arith.constant 0 : i32
    %scan3A_31 = arith.constant 17 : i32
    %scan3A_32 = arith.addi %scan3A_30, %scan3A_31 : i32
    %scan3A_33 = arith.constant 1 : i32
    scf.for %scan3A_47 = %scan3A_30 to %scan3A_32 step %scan3A_33  : i32 {
      %dma_wait3A = arith.constant 1 : i32
      %dma_wait3A_48 = arith.constant 1 : i32
      %dma_wait3A_49 = arith.constant 0 : i32
      %dma_wait3A_50 = arith.constant 0 : i32
      %dma_wait3A_51 = tpu.memref_slice %arg8[%dma_wait3A_48, %scan3A_47, %dma_wait3A_49, %dma_wait3A_50] : memref<3x17x80x8xf32, #tpu.memory_space<vmem>> -> memref<1x1x80x8xf32, #tpu.memory_space<vmem>>
      %dma_wait3A_52 = tpu.memref_squeeze %dma_wait3A_51 : memref<1x1x80x8xf32, #tpu.memory_space<vmem>> -> memref<80x8xf32, #tpu.memory_space<vmem>>
      %dma_wait3A_53 = arith.constant 0 : i32
      %dma_wait3A_54 = tpu.memref_slice %arg7[%dma_wait3A, %scan3A_47, %dma_wait3A_53] : memref<3x17x80xi32, #tpu.memory_space<vmem>> -> memref<1x1x80xi32, #tpu.memory_space<vmem>>
      %dma_wait3A_55 = tpu.memref_squeeze %dma_wait3A_54 : memref<1x1x80xi32, #tpu.memory_space<vmem>> -> memref<80xi32, #tpu.memory_space<vmem>>
      %dma_wait3A_56 = arith.constant 0 : i32
      %dma_wait3A_57 = arith.constant 0 : i32
      %dma_wait3A_58 = tpu.memref_slice %arg4[%dma_wait3A_56, %dma_wait3A_57] : memref<816000x8xf32, #tpu.memory_space<hbm>> -> memref<816000x8xf32, #tpu.memory_space<hbm>>
      tpu.wait_indirect_dma semaphore(%arg9 : memref<!tpu.dma_semaphore, #tpu.memory_space<semaphore_mem>>) src(%dma_wait3A_58 : memref<816000x8xf32, #tpu.memory_space<hbm>>) dst(%dma_wait3A_52 : memref<80x8xf32, #tpu.memory_space<vmem>>)
    }
    %scan3A_34 = arith.constant 17 : i32
    %scan3A_35 = arith.constant 0 : i32
    %scan3A_36 = arith.constant 0 : i32
    %scan3A_37 = arith.constant 17 : i32
    %scan3A_38 = arith.addi %scan3A_36, %scan3A_37 : i32
    %scan3A_39 = arith.constant 1 : i32
    scf.for %scan3A_47 = %scan3A_36 to %scan3A_38 step %scan3A_39  : i32 {
      %dma_wait3A = arith.constant 2 : i32
      %dma_wait3A_48 = arith.constant 2 : i32
      %dma_wait3A_49 = arith.constant 0 : i32
      %dma_wait3A_50 = arith.constant 0 : i32
      %dma_wait3A_51 = tpu.memref_slice %arg8[%dma_wait3A_48, %scan3A_47, %dma_wait3A_49, %dma_wait3A_50] : memref<3x17x80x8xf32, #tpu.memory_space<vmem>> -> memref<1x1x80x8xf32, #tpu.memory_space<vmem>>
      %dma_wait3A_52 = tpu.memref_squeeze %dma_wait3A_51 : memref<1x1x80x8xf32, #tpu.memory_space<vmem>> -> memref<80x8xf32, #tpu.memory_space<vmem>>
      %dma_wait3A_53 = arith.constant 0 : i32
      %dma_wait3A_54 = tpu.memref_slice %arg7[%dma_wait3A, %scan3A_47, %dma_wait3A_53] : memref<3x17x80xi32, #tpu.memory_space<vmem>> -> memref<1x1x80xi32, #tpu.memory_space<vmem>>
      %dma_wait3A_55 = tpu.memref_squeeze %dma_wait3A_54 : memref<1x1x80xi32, #tpu.memory_space<vmem>> -> memref<80xi32, #tpu.memory_space<vmem>>
      %dma_wait3A_56 = arith.constant 0 : i32
      %dma_wait3A_57 = arith.constant 0 : i32
      %dma_wait3A_58 = tpu.memref_slice %arg5[%dma_wait3A_56, %dma_wait3A_57] : memref<204000x8xf32, #tpu.memory_space<hbm>> -> memref<204000x8xf32, #tpu.memory_space<hbm>>
      tpu.wait_indirect_dma semaphore(%arg9 : memref<!tpu.dma_semaphore, #tpu.memory_space<semaphore_mem>>) src(%dma_wait3A_58 : memref<204000x8xf32, #tpu.memory_space<hbm>>) dst(%dma_wait3A_52 : memref<80x8xf32, #tpu.memory_space<vmem>>)
    }
    %scan3A_40 = arith.constant 17 : i32
    %run_scoped3A_41 = arith.constant 0 : i32
    %run_scoped3A_42 = arith.constant 0 : i32
    "tpu.region"() ({
      %run_scoped3A_47 = tpu.sem_alloc : memref<!tpu.dma_semaphore, #tpu.memory_space<semaphore_mem>>
      %dma_start3A = arith.constant 0 : i32
      %dma_start3A_48 = arith.constant 0 : i32
      %dma_start3A_49 = arith.constant 0 : i32
      %dma_start3A_50 = tpu.memref_slice %arg8[%run_scoped3A_41, %dma_start3A, %dma_start3A_48, %dma_start3A_49] : memref<3x17x80x8xf32, #tpu.memory_space<vmem>> -> memref<1x17x80x8xf32, #tpu.memory_space<vmem>>
      %dma_start3A_51 = tpu.memref_squeeze %dma_start3A_50 : memref<1x17x80x8xf32, #tpu.memory_space<vmem>> -> memref<17x80x8xf32, #tpu.memory_space<vmem>>
      %dma_start3A_52 = arith.constant 0 : i32
      %dma_start3A_53 = arith.constant 0 : i32
      %dma_start3A_54 = arith.constant 0 : i32
      %dma_start3A_55 = tpu.memref_slice %arg6[%run_scoped3A_42, %add3A, %dma_start3A_52, %dma_start3A_53, %dma_start3A_54] : memref<3x32x17x80x8xf32, #tpu.memory_space<hbm>> -> memref<1x1x17x80x8xf32, #tpu.memory_space<hbm>>
      %dma_start3A_56 = tpu.memref_squeeze %dma_start3A_55 : memref<1x1x17x80x8xf32, #tpu.memory_space<hbm>> -> memref<17x80x8xf32, #tpu.memory_space<hbm>>
      %dma_start3A_57 = arith.constant 0 : i32
      %dma_start3A_58 = arith.constant 0 : i32
      %dma_start3A_59 = arith.constant 0 : i32
      %dma_start3A_60 = tpu.memref_slice %arg6[%run_scoped3A_42, %add3A, %dma_start3A_57, %dma_start3A_58, %dma_start3A_59] : memref<3x32x17x80x8xf32, #tpu.memory_space<hbm>> -> memref<1x1x17x80x8xf32, #tpu.memory_space<hbm>>
      %dma_start3A_61 = tpu.memref_squeeze %dma_start3A_60 : memref<1x1x17x80x8xf32, #tpu.memory_space<hbm>> -> memref<17x80x8xf32, #tpu.memory_space<hbm>>
      %dma_start3A_62 = arith.constant 0 : i32
      %dma_start3A_63 = arith.constant 0 : i32
      %dma_start3A_64 = arith.constant 0 : i32
      %dma_start3A_65 = tpu.memref_slice %arg8[%run_scoped3A_41, %dma_start3A_62, %dma_start3A_63, %dma_start3A_64] : memref<3x17x80x8xf32, #tpu.memory_space<vmem>> -> memref<1x17x80x8xf32, #tpu.memory_space<vmem>>
      %dma_start3A_66 = tpu.memref_squeeze %dma_start3A_65 : memref<1x17x80x8xf32, #tpu.memory_space<vmem>> -> memref<17x80x8xf32, #tpu.memory_space<vmem>>
      tpu.enqueue_dma source(%dma_start3A_66 : memref<17x80x8xf32, #tpu.memory_space<vmem>>) target(%dma_start3A_61 : memref<17x80x8xf32, #tpu.memory_space<hbm>>) target_semaphore(%run_scoped3A_47 : memref<!tpu.dma_semaphore, #tpu.memory_space<semaphore_mem>>)
      %dma_wait3A = arith.constant 0 : i32
      %dma_wait3A_67 = arith.constant 0 : i32
      %dma_wait3A_68 = arith.constant 0 : i32
      %dma_wait3A_69 = tpu.memref_slice %arg8[%run_scoped3A_41, %dma_wait3A, %dma_wait3A_67, %dma_wait3A_68] : memref<3x17x80x8xf32, #tpu.memory_space<vmem>> -> memref<1x17x80x8xf32, #tpu.memory_space<vmem>>
      %dma_wait3A_70 = tpu.memref_squeeze %dma_wait3A_69 : memref<1x17x80x8xf32, #tpu.memory_space<vmem>> -> memref<17x80x8xf32, #tpu.memory_space<vmem>>
      %dma_wait3A_71 = arith.constant 0 : i32
      %dma_wait3A_72 = arith.constant 0 : i32
      %dma_wait3A_73 = arith.constant 0 : i32
      %dma_wait3A_74 = tpu.memref_slice %arg6[%run_scoped3A_42, %add3A, %dma_wait3A_71, %dma_wait3A_72, %dma_wait3A_73] : memref<3x32x17x80x8xf32, #tpu.memory_space<hbm>> -> memref<1x1x17x80x8xf32, #tpu.memory_space<hbm>>
      %dma_wait3A_75 = tpu.memref_squeeze %dma_wait3A_74 : memref<1x1x17x80x8xf32, #tpu.memory_space<hbm>> -> memref<17x80x8xf32, #tpu.memory_space<hbm>>
      %dma_wait3A_76 = arith.constant 0 : i32
      %dma_wait3A_77 = arith.constant 0 : i32
      %dma_wait3A_78 = arith.constant 0 : i32
      %dma_wait3A_79 = tpu.memref_slice %arg6[%run_scoped3A_42, %add3A, %dma_wait3A_76, %dma_wait3A_77, %dma_wait3A_78] : memref<3x32x17x80x8xf32, #tpu.memory_space<hbm>> -> memref<1x1x17x80x8xf32, #tpu.memory_space<hbm>>
      %dma_wait3A_80 = tpu.memref_squeeze %dma_wait3A_79 : memref<1x1x17x80x8xf32, #tpu.memory_space<hbm>> -> memref<17x80x8xf32, #tpu.memory_space<hbm>>
      %dma_wait3A_81 = arith.constant 0 : i32
      %dma_wait3A_82 = arith.constant 0 : i32
      %dma_wait3A_83 = arith.constant 0 : i32
      %dma_wait3A_84 = tpu.memref_slice %arg8[%run_scoped3A_41, %dma_wait3A_81, %dma_wait3A_82, %dma_wait3A_83] : memref<3x17x80x8xf32, #tpu.memory_space<vmem>> -> memref<1x17x80x8xf32, #tpu.memory_space<vmem>>
      %dma_wait3A_85 = tpu.memref_squeeze %dma_wait3A_84 : memref<1x17x80x8xf32, #tpu.memory_space<vmem>> -> memref<17x80x8xf32, #tpu.memory_space<vmem>>
      tpu.wait_dma2 semaphore(%run_scoped3A_47 : memref<!tpu.dma_semaphore, #tpu.memory_space<semaphore_mem>>) src(%dma_wait3A_85 : memref<17x80x8xf32, #tpu.memory_space<vmem>>) dst(%dma_wait3A_80 : memref<17x80x8xf32, #tpu.memory_space<hbm>>)
      tpu.yield
    }) : () -> ()
    %run_scoped3A_43 = arith.constant 1 : i32
    %run_scoped3A_44 = arith.constant 1 : i32
    "tpu.region"() ({
      %run_scoped3A_47 = tpu.sem_alloc : memref<!tpu.dma_semaphore, #tpu.memory_space<semaphore_mem>>
      %dma_start3A = arith.constant 0 : i32
      %dma_start3A_48 = arith.constant 0 : i32
      %dma_start3A_49 = arith.constant 0 : i32
      %dma_start3A_50 = tpu.memref_slice %arg8[%run_scoped3A_43, %dma_start3A, %dma_start3A_48, %dma_start3A_49] : memref<3x17x80x8xf32, #tpu.memory_space<vmem>> -> memref<1x17x80x8xf32, #tpu.memory_space<vmem>>
      %dma_start3A_51 = tpu.memref_squeeze %dma_start3A_50 : memref<1x17x80x8xf32, #tpu.memory_space<vmem>> -> memref<17x80x8xf32, #tpu.memory_space<vmem>>
      %dma_start3A_52 = arith.constant 0 : i32
      %dma_start3A_53 = arith.constant 0 : i32
      %dma_start3A_54 = arith.constant 0 : i32
      %dma_start3A_55 = tpu.memref_slice %arg6[%run_scoped3A_44, %add3A, %dma_start3A_52, %dma_start3A_53, %dma_start3A_54] : memref<3x32x17x80x8xf32, #tpu.memory_space<hbm>> -> memref<1x1x17x80x8xf32, #tpu.memory_space<hbm>>
      %dma_start3A_56 = tpu.memref_squeeze %dma_start3A_55 : memref<1x1x17x80x8xf32, #tpu.memory_space<hbm>> -> memref<17x80x8xf32, #tpu.memory_space<hbm>>
      %dma_start3A_57 = arith.constant 0 : i32
      %dma_start3A_58 = arith.constant 0 : i32
      %dma_start3A_59 = arith.constant 0 : i32
      %dma_start3A_60 = tpu.memref_slice %arg6[%run_scoped3A_44, %add3A, %dma_start3A_57, %dma_start3A_58, %dma_start3A_59] : memref<3x32x17x80x8xf32, #tpu.memory_space<hbm>> -> memref<1x1x17x80x8xf32, #tpu.memory_space<hbm>>
      %dma_start3A_61 = tpu.memref_squeeze %dma_start3A_60 : memref<1x1x17x80x8xf32, #tpu.memory_space<hbm>> -> memref<17x80x8xf32, #tpu.memory_space<hbm>>
      %dma_start3A_62 = arith.constant 0 : i32
      %dma_start3A_63 = arith.constant 0 : i32
      %dma_start3A_64 = arith.constant 0 : i32
      %dma_start3A_65 = tpu.memref_slice %arg8[%run_scoped3A_43, %dma_start3A_62, %dma_start3A_63, %dma_start3A_64] : memref<3x17x80x8xf32, #tpu.memory_space<vmem>> -> memref<1x17x80x8xf32, #tpu.memory_space<vmem>>
      %dma_start3A_66 = tpu.memref_squeeze %dma_start3A_65 : memref<1x17x80x8xf32, #tpu.memory_space<vmem>> -> memref<17x80x8xf32, #tpu.memory_space<vmem>>
      tpu.enqueue_dma source(%dma_start3A_66 : memref<17x80x8xf32, #tpu.memory_space<vmem>>) target(%dma_start3A_61 : memref<17x80x8xf32, #tpu.memory_space<hbm>>) target_semaphore(%run_scoped3A_47 : memref<!tpu.dma_semaphore, #tpu.memory_space<semaphore_mem>>)
      %dma_wait3A = arith.constant 0 : i32
      %dma_wait3A_67 = arith.constant 0 : i32
      %dma_wait3A_68 = arith.constant 0 : i32
      %dma_wait3A_69 = tpu.memref_slice %arg8[%run_scoped3A_43, %dma_wait3A, %dma_wait3A_67, %dma_wait3A_68] : memref<3x17x80x8xf32, #tpu.memory_space<vmem>> -> memref<1x17x80x8xf32, #tpu.memory_space<vmem>>
      %dma_wait3A_70 = tpu.memref_squeeze %dma_wait3A_69 : memref<1x17x80x8xf32, #tpu.memory_space<vmem>> -> memref<17x80x8xf32, #tpu.memory_space<vmem>>
      %dma_wait3A_71 = arith.constant 0 : i32
      %dma_wait3A_72 = arith.constant 0 : i32
      %dma_wait3A_73 = arith.constant 0 : i32
      %dma_wait3A_74 = tpu.memref_slice %arg6[%run_scoped3A_44, %add3A, %dma_wait3A_71, %dma_wait3A_72, %dma_wait3A_73] : memref<3x32x17x80x8xf32, #tpu.memory_space<hbm>> -> memref<1x1x17x80x8xf32, #tpu.memory_space<hbm>>
      %dma_wait3A_75 = tpu.memref_squeeze %dma_wait3A_74 : memref<1x1x17x80x8xf32, #tpu.memory_space<hbm>> -> memref<17x80x8xf32, #tpu.memory_space<hbm>>
      %dma_wait3A_76 = arith.constant 0 : i32
      %dma_wait3A_77 = arith.constant 0 : i32
      %dma_wait3A_78 = arith.constant 0 : i32
      %dma_wait3A_79 = tpu.memref_slice %arg6[%run_scoped3A_44, %add3A, %dma_wait3A_76, %dma_wait3A_77, %dma_wait3A_78] : memref<3x32x17x80x8xf32, #tpu.memory_space<hbm>> -> memref<1x1x17x80x8xf32, #tpu.memory_space<hbm>>
      %dma_wait3A_80 = tpu.memref_squeeze %dma_wait3A_79 : memref<1x1x17x80x8xf32, #tpu.memory_space<hbm>> -> memref<17x80x8xf32, #tpu.memory_space<hbm>>
      %dma_wait3A_81 = arith.constant 0 : i32
      %dma_wait3A_82 = arith.constant 0 : i32
      %dma_wait3A_83 = arith.constant 0 : i32
      %dma_wait3A_84 = tpu.memref_slice %arg8[%run_scoped3A_43, %dma_wait3A_81, %dma_wait3A_82, %dma_wait3A_83] : memref<3x17x80x8xf32, #tpu.memory_space<vmem>> -> memref<1x17x80x8xf32, #tpu.memory_space<vmem>>
      %dma_wait3A_85 = tpu.memref_squeeze %dma_wait3A_84 : memref<1x17x80x8xf32, #tpu.memory_space<vmem>> -> memref<17x80x8xf32, #tpu.memory_space<vmem>>
      tpu.wait_dma2 semaphore(%run_scoped3A_47 : memref<!tpu.dma_semaphore, #tpu.memory_space<semaphore_mem>>) src(%dma_wait3A_85 : memref<17x80x8xf32, #tpu.memory_space<vmem>>) dst(%dma_wait3A_80 : memref<17x80x8xf32, #tpu.memory_space<hbm>>)
      tpu.yield
    }) : () -> ()
    %run_scoped3A_45 = arith.constant 2 : i32
    %run_scoped3A_46 = arith.constant 2 : i32
    "tpu.region"() ({
      %run_scoped3A_47 = tpu.sem_alloc : memref<!tpu.dma_semaphore, #tpu.memory_space<semaphore_mem>>
      %dma_start3A = arith.constant 0 : i32
      %dma_start3A_48 = arith.constant 0 : i32
      %dma_start3A_49 = arith.constant 0 : i32
      %dma_start3A_50 = tpu.memref_slice %arg8[%run_scoped3A_45, %dma_start3A, %dma_start3A_48, %dma_start3A_49] : memref<3x17x80x8xf32, #tpu.memory_space<vmem>> -> memref<1x17x80x8xf32, #tpu.memory_space<vmem>>
      %dma_start3A_51 = tpu.memref_squeeze %dma_start3A_50 : memref<1x17x80x8xf32, #tpu.memory_space<vmem>> -> memref<17x80x8xf32, #tpu.memory_space<vmem>>
      %dma_start3A_52 = arith.constant 0 : i32
      %dma_start3A_53 = arith.constant 0 : i32
      %dma_start3A_54 = arith.constant 0 : i32
      %dma_start3A_55 = tpu.memref_slice %arg6[%run_scoped3A_46, %add3A, %dma_start3A_52, %dma_start3A_53, %dma_start3A_54] : memref<3x32x17x80x8xf32, #tpu.memory_space<hbm>> -> memref<1x1x17x80x8xf32, #tpu.memory_space<hbm>>
      %dma_start3A_56 = tpu.memref_squeeze %dma_start3A_55 : memref<1x1x17x80x8xf32, #tpu.memory_space<hbm>> -> memref<17x80x8xf32, #tpu.memory_space<hbm>>
      %dma_start3A_57 = arith.constant 0 : i32
      %dma_start3A_58 = arith.constant 0 : i32
      %dma_start3A_59 = arith.constant 0 : i32
      %dma_start3A_60 = tpu.memref_slice %arg6[%run_scoped3A_46, %add3A, %dma_start3A_57, %dma_start3A_58, %dma_start3A_59] : memref<3x32x17x80x8xf32, #tpu.memory_space<hbm>> -> memref<1x1x17x80x8xf32, #tpu.memory_space<hbm>>
      %dma_start3A_61 = tpu.memref_squeeze %dma_start3A_60 : memref<1x1x17x80x8xf32, #tpu.memory_space<hbm>> -> memref<17x80x8xf32, #tpu.memory_space<hbm>>
      %dma_start3A_62 = arith.constant 0 : i32
      %dma_start3A_63 = arith.constant 0 : i32
      %dma_start3A_64 = arith.constant 0 : i32
      %dma_start3A_65 = tpu.memref_slice %arg8[%run_scoped3A_45, %dma_start3A_62, %dma_start3A_63, %dma_start3A_64] : memref<3x17x80x8xf32, #tpu.memory_space<vmem>> -> memref<1x17x80x8xf32, #tpu.memory_space<vmem>>
      %dma_start3A_66 = tpu.memref_squeeze %dma_start3A_65 : memref<1x17x80x8xf32, #tpu.memory_space<vmem>> -> memref<17x80x8xf32, #tpu.memory_space<vmem>>
      tpu.enqueue_dma source(%dma_start3A_66 : memref<17x80x8xf32, #tpu.memory_space<vmem>>) target(%dma_start3A_61 : memref<17x80x8xf32, #tpu.memory_space<hbm>>) target_semaphore(%run_scoped3A_47 : memref<!tpu.dma_semaphore, #tpu.memory_space<semaphore_mem>>)
      %dma_wait3A = arith.constant 0 : i32
      %dma_wait3A_67 = arith.constant 0 : i32
      %dma_wait3A_68 = arith.constant 0 : i32
      %dma_wait3A_69 = tpu.memref_slice %arg8[%run_scoped3A_45, %dma_wait3A, %dma_wait3A_67, %dma_wait3A_68] : memref<3x17x80x8xf32, #tpu.memory_space<vmem>> -> memref<1x17x80x8xf32, #tpu.memory_space<vmem>>
      %dma_wait3A_70 = tpu.memref_squeeze %dma_wait3A_69 : memref<1x17x80x8xf32, #tpu.memory_space<vmem>> -> memref<17x80x8xf32, #tpu.memory_space<vmem>>
      %dma_wait3A_71 = arith.constant 0 : i32
      %dma_wait3A_72 = arith.constant 0 : i32
      %dma_wait3A_73 = arith.constant 0 : i32
      %dma_wait3A_74 = tpu.memref_slice %arg6[%run_scoped3A_46, %add3A, %dma_wait3A_71, %dma_wait3A_72, %dma_wait3A_73] : memref<3x32x17x80x8xf32, #tpu.memory_space<hbm>> -> memref<1x1x17x80x8xf32, #tpu.memory_space<hbm>>
      %dma_wait3A_75 = tpu.memref_squeeze %dma_wait3A_74 : memref<1x1x17x80x8xf32, #tpu.memory_space<hbm>> -> memref<17x80x8xf32, #tpu.memory_space<hbm>>
      %dma_wait3A_76 = arith.constant 0 : i32
      %dma_wait3A_77 = arith.constant 0 : i32
      %dma_wait3A_78 = arith.constant 0 : i32
      %dma_wait3A_79 = tpu.memref_slice %arg6[%run_scoped3A_46, %add3A, %dma_wait3A_76, %dma_wait3A_77, %dma_wait3A_78] : memref<3x32x17x80x8xf32, #tpu.memory_space<hbm>> -> memref<1x1x17x80x8xf32, #tpu.memory_space<hbm>>
      %dma_wait3A_80 = tpu.memref_squeeze %dma_wait3A_79 : memref<1x1x17x80x8xf32, #tpu.memory_space<hbm>> -> memref<17x80x8xf32, #tpu.memory_space<hbm>>
      %dma_wait3A_81 = arith.constant 0 : i32
      %dma_wait3A_82 = arith.constant 0 : i32
      %dma_wait3A_83 = arith.constant 0 : i32
      %dma_wait3A_84 = tpu.memref_slice %arg8[%run_scoped3A_45, %dma_wait3A_81, %dma_wait3A_82, %dma_wait3A_83] : memref<3x17x80x8xf32, #tpu.memory_space<vmem>> -> memref<1x17x80x8xf32, #tpu.memory_space<vmem>>
      %dma_wait3A_85 = tpu.memref_squeeze %dma_wait3A_84 : memref<1x17x80x8xf32, #tpu.memory_space<vmem>> -> memref<17x80x8xf32, #tpu.memory_space<vmem>>
      tpu.wait_dma2 semaphore(%run_scoped3A_47 : memref<!tpu.dma_semaphore, #tpu.memory_space<semaphore_mem>>) src(%dma_wait3A_85 : memref<17x80x8xf32, #tpu.memory_space<vmem>>) dst(%dma_wait3A_80 : memref<17x80x8xf32, #tpu.memory_space<hbm>>)
      tpu.yield
    }) : () -> ()
    return
  }
}

module attributes {stable_mosaic.version = 14 : i64} {
  func.func @_build_kernel(%arg0: memref<5x16x32xf32, #tpu.memory_space<vmem>>, %arg1: memref<3x8x16x32xf32, #tpu.memory_space<vmem>>, %arg2: memref<3x16x32x85xi32, #tpu.memory_space<vmem>>) attributes {dimension_semantics = [], scalar_prefetch = 0 : i64, scratch_operands = 0 : i64, tpu.core_type = #tpu.core_type<tc>} {
    %get3A = arith.constant 0 : index
    %get3A_0 = arith.constant 0 : index
    %get3A_1 = arith.constant 0 : index
    %get3A_2 = vector.load %arg0[%get3A, %get3A_0, %get3A_1] : memref<5x16x32xf32, #tpu.memory_space<vmem>>, vector<1x16x32xf32>
    %get3A_3 = vector.shape_cast %get3A_2 : vector<1x16x32xf32> to vector<16x32xf32>
    %get3A_4 = arith.constant 1 : index
    %get3A_5 = arith.constant 0 : index
    %get3A_6 = arith.constant 0 : index
    %get3A_7 = vector.load %arg0[%get3A_4, %get3A_5, %get3A_6] : memref<5x16x32xf32, #tpu.memory_space<vmem>>, vector<1x16x32xf32>
    %get3A_8 = vector.shape_cast %get3A_7 : vector<1x16x32xf32> to vector<16x32xf32>
    %get3A_9 = arith.constant 2 : index
    %get3A_10 = arith.constant 0 : index
    %get3A_11 = arith.constant 0 : index
    %get3A_12 = vector.load %arg0[%get3A_9, %get3A_10, %get3A_11] : memref<5x16x32xf32, #tpu.memory_space<vmem>>, vector<1x16x32xf32>
    %get3A_13 = vector.shape_cast %get3A_12 : vector<1x16x32xf32> to vector<16x32xf32>
    %get3A_14 = arith.constant 3 : index
    %get3A_15 = arith.constant 0 : index
    %get3A_16 = arith.constant 0 : index
    %get3A_17 = vector.load %arg0[%get3A_14, %get3A_15, %get3A_16] : memref<5x16x32xf32, #tpu.memory_space<vmem>>, vector<1x16x32xf32>
    %get3A_18 = vector.shape_cast %get3A_17 : vector<1x16x32xf32> to vector<16x32xf32>
    %get3A_19 = arith.constant 4 : index
    %get3A_20 = arith.constant 0 : index
    %get3A_21 = arith.constant 0 : index
    %get3A_22 = vector.load %arg0[%get3A_19, %get3A_20, %get3A_21] : memref<5x16x32xf32, #tpu.memory_space<vmem>>, vector<1x16x32xf32>
    %get3A_23 = vector.shape_cast %get3A_22 : vector<1x16x32xf32> to vector<16x32xf32>
    %gt3A = arith.constant 0.000000e+00 : f32
    %gt3A_24 = vector.broadcast %gt3A : f32 to vector<16x32xf32>
    %gt3A_25 = arith.cmpf ogt, %get3A_18, %gt3A_24 : vector<16x32xf32>
    %gt3A_26 = arith.constant 0.000000e+00 : f32
    %gt3A_27 = vector.broadcast %gt3A_26 : f32 to vector<16x32xf32>
    %gt3A_28 = arith.cmpf ogt, %get3A_23, %gt3A_27 : vector<16x32xf32>
    %and3A = arith.andi %gt3A_25, %gt3A_28 : vector<16x32xi1>
    %convert_element_type3A = arith.extui %and3A : vector<16x32xi1> to vector<16x32xi32>
    %convert_element_type3A_29 = arith.sitofp %convert_element_type3A : vector<16x32xi32> to vector<16x32xf32>
    %iota3A = tpu.iota {dimensions = array<i32: 0>} : vector<16x32xi32>
    %iota3A_30 = tpu.iota {dimensions = array<i32: 2>} : vector<16x32x85xi32>
    %min3A = arith.constant 2.000000e-02 : f32
    %min3A_31 = vector.broadcast %min3A : f32 to vector<16x32xf32>
    %min3A_32 = arith.minimumf %get3A_18, %min3A_31 : vector<16x32xf32>
    %min3A_33 = arith.constant 3.000000e-02 : f32
    %min3A_34 = vector.broadcast %min3A_33 : f32 to vector<16x32xf32>
    %min3A_35 = arith.minimumf %get3A_23, %min3A_34 : vector<16x32xf32>
    %mul3A = arith.mulf %min3A_32, %min3A_35 : vector<16x32xf32>
    %mul3A_36 = arith.mulf %get3A_18, %get3A_23 : vector<16x32xf32>
    %add3A = arith.constant 6.000000e-04 : f32
    %add3A_37 = vector.broadcast %add3A : f32 to vector<16x32xf32>
    %add3A_38 = arith.addf %mul3A_36, %add3A_37 : vector<16x32xf32>
    %sub3A = arith.subf %add3A_38, %mul3A : vector<16x32xf32>
    %add3A_39 = arith.constant 9.99999997E-7 : f32
    %add3A_40 = vector.broadcast %add3A_39 : f32 to vector<16x32xf32>
    %add3A_41 = arith.addf %sub3A, %add3A_40 : vector<16x32xf32>
    %div3A = arith.divf %mul3A, %add3A_41 : vector<16x32xf32>
    %min3A_42 = arith.constant 4.000000e-02 : f32
    %min3A_43 = vector.broadcast %min3A_42 : f32 to vector<16x32xf32>
    %min3A_44 = arith.minimumf %get3A_18, %min3A_43 : vector<16x32xf32>
    %min3A_45 = arith.constant 7.000000e-02 : f32
    %min3A_46 = vector.broadcast %min3A_45 : f32 to vector<16x32xf32>
    %min3A_47 = arith.minimumf %get3A_23, %min3A_46 : vector<16x32xf32>
    %mul3A_48 = arith.mulf %min3A_44, %min3A_47 : vector<16x32xf32>
    %mul3A_49 = arith.mulf %get3A_18, %get3A_23 : vector<16x32xf32>
    %add3A_50 = arith.constant 2.800000e-03 : f32
    %add3A_51 = vector.broadcast %add3A_50 : f32 to vector<16x32xf32>
    %add3A_52 = arith.addf %mul3A_49, %add3A_51 : vector<16x32xf32>
    %sub3A_53 = arith.subf %add3A_52, %mul3A_48 : vector<16x32xf32>
    %add3A_54 = arith.constant 9.99999997E-7 : f32
    %add3A_55 = vector.broadcast %add3A_54 : f32 to vector<16x32xf32>
    %add3A_56 = arith.addf %sub3A_53, %add3A_55 : vector<16x32xf32>
    %div3A_57 = arith.divf %mul3A_48, %add3A_56 : vector<16x32xf32>
    %min3A_58 = arith.constant 8.000000e-02 : f32
    %min3A_59 = vector.broadcast %min3A_58 : f32 to vector<16x32xf32>
    %min3A_60 = arith.minimumf %get3A_18, %min3A_59 : vector<16x32xf32>
    %min3A_61 = arith.constant 6.000000e-02 : f32
    %min3A_62 = vector.broadcast %min3A_61 : f32 to vector<16x32xf32>
    %min3A_63 = arith.minimumf %get3A_23, %min3A_62 : vector<16x32xf32>
    %mul3A_64 = arith.mulf %min3A_60, %min3A_63 : vector<16x32xf32>
    %mul3A_65 = arith.mulf %get3A_18, %get3A_23 : vector<16x32xf32>
    %add3A_66 = arith.constant 4.800000e-03 : f32
    %add3A_67 = vector.broadcast %add3A_66 : f32 to vector<16x32xf32>
    %add3A_68 = arith.addf %mul3A_65, %add3A_67 : vector<16x32xf32>
    %sub3A_69 = arith.subf %add3A_68, %mul3A_64 : vector<16x32xf32>
    %add3A_70 = arith.constant 9.99999997E-7 : f32
    %add3A_71 = vector.broadcast %add3A_70 : f32 to vector<16x32xf32>
    %add3A_72 = arith.addf %sub3A_69, %add3A_71 : vector<16x32xf32>
    %div3A_73 = arith.divf %mul3A_64, %add3A_72 : vector<16x32xf32>
    %broadcast_in_dim3A = arith.constant 0 : i32
    %broadcast_in_dim3A_74 = vector.broadcast %broadcast_in_dim3A : i32 to vector<16x32xi32>
    %gt3A_75 = arith.cmpf ogt, %div3A_57, %div3A : vector<16x32xf32>
    %jit3A = arith.constant 1 : i32
    %broadcast_in_dim3A_76 = vector.broadcast %jit3A : i32 to vector<16x32xi32>
    %select_n3A = arith.select %gt3A_75, %broadcast_in_dim3A_76, %broadcast_in_dim3A_74 : vector<16x32xi1>, vector<16x32xi32>
    %max3A = arith.maximumf %div3A, %div3A_57 : vector<16x32xf32>
    %gt3A_77 = arith.cmpf ogt, %div3A_73, %max3A : vector<16x32xf32>
    %jit3A_78 = arith.constant 2 : i32
    %broadcast_in_dim3A_79 = vector.broadcast %jit3A_78 : i32 to vector<16x32xi32>
    %select_n3A_80 = arith.select %gt3A_77, %broadcast_in_dim3A_79, %select_n3A : vector<16x32xi1>, vector<16x32xi32>
    %eq3A = arith.constant 0 : i32
    %eq3A_81 = vector.broadcast %eq3A : i32 to vector<16x32xi32>
    %eq3A_82 = arith.cmpi eq, %select_n3A_80, %eq3A_81 : vector<16x32xi32>
    %eq3A_83 = arith.constant 1 : i32
    %eq3A_84 = vector.broadcast %eq3A_83 : i32 to vector<16x32xi32>
    %eq3A_85 = arith.cmpi eq, %select_n3A_80, %eq3A_84 : vector<16x32xi32>
    %jit3A_86 = arith.constant 4.000000e-02 : f32
    %jit3A_87 = arith.constant 8.000000e-02 : f32
    %broadcast_in_dim3A_88 = vector.broadcast %jit3A_86 : f32 to vector<16x32xf32>
    %broadcast_in_dim3A_89 = vector.broadcast %jit3A_87 : f32 to vector<16x32xf32>
    %select_n3A_90 = arith.select %eq3A_85, %broadcast_in_dim3A_88, %broadcast_in_dim3A_89 : vector<16x32xi1>, vector<16x32xf32>
    %jit3A_91 = arith.constant 2.000000e-02 : f32
    %broadcast_in_dim3A_92 = vector.broadcast %jit3A_91 : f32 to vector<16x32xf32>
    %select_n3A_93 = arith.select %eq3A_82, %broadcast_in_dim3A_92, %select_n3A_90 : vector<16x32xi1>, vector<16x32xf32>
    %eq3A_94 = arith.constant 0 : i32
    %eq3A_95 = vector.broadcast %eq3A_94 : i32 to vector<16x32xi32>
    %eq3A_96 = arith.cmpi eq, %select_n3A_80, %eq3A_95 : vector<16x32xi32>
    %eq3A_97 = arith.constant 1 : i32
    %eq3A_98 = vector.broadcast %eq3A_97 : i32 to vector<16x32xi32>
    %eq3A_99 = arith.cmpi eq, %select_n3A_80, %eq3A_98 : vector<16x32xi32>
    %jit3A_100 = arith.constant 7.000000e-02 : f32
    %jit3A_101 = arith.constant 6.000000e-02 : f32
    %broadcast_in_dim3A_102 = vector.broadcast %jit3A_100 : f32 to vector<16x32xf32>
    %broadcast_in_dim3A_103 = vector.broadcast %jit3A_101 : f32 to vector<16x32xf32>
    %select_n3A_104 = arith.select %eq3A_99, %broadcast_in_dim3A_102, %broadcast_in_dim3A_103 : vector<16x32xi1>, vector<16x32xf32>
    %jit3A_105 = arith.constant 3.000000e-02 : f32
    %broadcast_in_dim3A_106 = vector.broadcast %jit3A_105 : f32 to vector<16x32xf32>
    %select_n3A_107 = arith.select %eq3A_96, %broadcast_in_dim3A_106, %select_n3A_104 : vector<16x32xi1>, vector<16x32xf32>
    %mul3A_108 = arith.constant 8.000000e+01 : f32
    %mul3A_109 = vector.broadcast %mul3A_108 : f32 to vector<16x32xf32>
    %mul3A_110 = arith.mulf %get3A_8, %mul3A_109 : vector<16x32xf32>
    %convert_element_type3A_111 = arith.fptosi %mul3A_110 : vector<16x32xf32> to vector<16x32xi32>
    %jit3A_112 = arith.constant 0 : i32
    %jit3A_113 = arith.constant 79 : i32
    %max3A_114 = vector.broadcast %jit3A_112 : i32 to vector<16x32xi32>
    %max3A_115 = arith.maxsi %max3A_114, %convert_element_type3A_111 : vector<16x32xi32>
    %min3A_116 = vector.broadcast %jit3A_113 : i32 to vector<16x32xi32>
    %min3A_117 = arith.minsi %min3A_116, %max3A_115 : vector<16x32xi32>
    %mul3A_118 = arith.constant 8.000000e+01 : f32
    %mul3A_119 = vector.broadcast %mul3A_118 : f32 to vector<16x32xf32>
    %mul3A_120 = arith.mulf %get3A_13, %mul3A_119 : vector<16x32xf32>
    %convert_element_type3A_121 = arith.fptosi %mul3A_120 : vector<16x32xf32> to vector<16x32xi32>
    %jit3A_122 = arith.constant 0 : i32
    %jit3A_123 = arith.constant 79 : i32
    %max3A_124 = vector.broadcast %jit3A_122 : i32 to vector<16x32xi32>
    %max3A_125 = arith.maxsi %max3A_124, %convert_element_type3A_121 : vector<16x32xi32>
    %min3A_126 = vector.broadcast %jit3A_123 : i32 to vector<16x32xi32>
    %min3A_127 = arith.minsi %min3A_126, %max3A_125 : vector<16x32xi32>
    %mul3A_128 = arith.constant 3 : i32
    %mul3A_129 = vector.broadcast %mul3A_128 : i32 to vector<16x32xi32>
    %mul3A_130 = arith.muli %iota3A, %mul3A_129 : vector<16x32xi32>
    %add3A_131 = arith.addi %mul3A_130, %select_n3A_80 : vector<16x32xi32>
    %mul3A_132 = arith.constant 80 : i32
    %mul3A_133 = vector.broadcast %mul3A_132 : i32 to vector<16x32xi32>
    %mul3A_134 = arith.muli %add3A_131, %mul3A_133 : vector<16x32xi32>
    %add3A_135 = arith.addi %mul3A_134, %min3A_127 : vector<16x32xi32>
    %mul3A_136 = arith.constant 80 : i32
    %mul3A_137 = vector.broadcast %mul3A_136 : i32 to vector<16x32xi32>
    %mul3A_138 = arith.muli %add3A_135, %mul3A_137 : vector<16x32xi32>
    %add3A_139 = arith.addi %mul3A_138, %min3A_117 : vector<16x32xi32>
    %broadcast_in_dim3A_140 = vector.shape_cast %add3A_139 : vector<16x32xi32> to vector<16x1x32xi32>
    %broadcast_in_dim3A_141 = vector.shape_cast %add3A_139 : vector<16x32xi32> to vector<16x32x1xi32>
    %eq3A_142 = vector.broadcast %broadcast_in_dim3A_140 : vector<16x1x32xi32> to vector<16x32x32xi32>
    %eq3A_143 = vector.broadcast %broadcast_in_dim3A_141 : vector<16x32x1xi32> to vector<16x32x32xi32>
    %eq3A_144 = arith.cmpi eq, %eq3A_142, %eq3A_143 : vector<16x32x32xi32>
    %iota3A_145 = tpu.iota {dimensions = array<i32: 1>} : vector<32x32xi32>
    %iota3A_146 = tpu.iota {dimensions = array<i32: 0>} : vector<32x32xi32>
    %gt3A_147 = arith.cmpi sgt, %iota3A_145, %iota3A_146 : vector<32x32xi32>
    %broadcast_in_dim3A_148 = vector.shape_cast %gt3A_147 : vector<32x32xi1> to vector<1x32x32xi1>
    %and3A_149 = vector.broadcast %broadcast_in_dim3A_148 : vector<1x32x32xi1> to vector<16x32x32xi1>
    %and3A_150 = arith.andi %eq3A_144, %and3A_149 : vector<16x32x32xi1>
    %broadcast_in_dim3A_151 = vector.shape_cast %and3A : vector<16x32xi1> to vector<16x1x32xi1>
    %and3A_152 = vector.broadcast %broadcast_in_dim3A_151 : vector<16x1x32xi1> to vector<16x32x32xi1>
    %and3A_153 = arith.andi %and3A_150, %and3A_152 : vector<16x32x32xi1>
    %convert_element_type3A_154 = arith.extui %and3A_153 : vector<16x32x32xi1> to vector<16x32x32xi32>
    %convert_element_type3A_155 = arith.sitofp %convert_element_type3A_154 : vector<16x32x32xi32> to vector<16x32x32xf32>
    %reduce_sum3A = arith.constant dense<0.000000e+00> : vector<16x32xf32>
    %reduce_sum3A_156 = vector.multi_reduction <add>, %convert_element_type3A_155, %reduce_sum3A [2] : vector<16x32x32xf32> to vector<16x32xf32>
    %gt3A_157 = arith.constant 0.000000e+00 : f32
    %gt3A_158 = vector.broadcast %gt3A_157 : f32 to vector<16x32xf32>
    %gt3A_159 = arith.cmpf ogt, %reduce_sum3A_156, %gt3A_158 : vector<16x32xf32>
    %convert_element_type3A_160 = arith.extui %gt3A_159 : vector<16x32xi1> to vector<16x32xi32>
    %convert_element_type3A_161 = arith.sitofp %convert_element_type3A_160 : vector<16x32xi32> to vector<16x32xf32>
    %sub3A_162 = arith.constant 1.000000e+00 : f32
    %sub3A_163 = vector.broadcast %sub3A_162 : f32 to vector<16x32xf32>
    %sub3A_164 = arith.subf %sub3A_163, %convert_element_type3A_161 : vector<16x32xf32>
    %mul3A_165 = arith.mulf %convert_element_type3A_29, %sub3A_164 : vector<16x32xf32>
    %reduce_sum3A_166 = vector.shape_cast %mul3A_165 : vector<16x32xf32> to vector<1x16x32xf32>
    %reduce_sum3A_167 = arith.constant dense<0.000000e+00> : vector<1xf32>
    %reduce_sum3A_168 = vector.multi_reduction <add>, %reduce_sum3A_166, %reduce_sum3A_167 [1, 2] : vector<1x16x32xf32> to vector<1xf32>
    %reduce_sum3A_169 = vector.shape_cast %reduce_sum3A_168 : vector<1xf32> to vector<1x1x1xf32>
    %reduce_sum3A_170 = vector.extract %reduce_sum3A_169[0, 0, 0] : f32 from vector<1x1x1xf32>
    %mul3A_171 = arith.constant 8.000000e+01 : f32
    %mul3A_172 = vector.broadcast %mul3A_171 : f32 to vector<16x32xf32>
    %mul3A_173 = arith.mulf %get3A_8, %mul3A_172 : vector<16x32xf32>
    %convert_element_type3A_174 = arith.sitofp %min3A_117 : vector<16x32xi32> to vector<16x32xf32>
    %sub3A_175 = arith.subf %mul3A_173, %convert_element_type3A_174 : vector<16x32xf32>
    %mul3A_176 = arith.constant 8.000000e+01 : f32
    %mul3A_177 = vector.broadcast %mul3A_176 : f32 to vector<16x32xf32>
    %mul3A_178 = arith.mulf %get3A_13, %mul3A_177 : vector<16x32xf32>
    %convert_element_type3A_179 = arith.sitofp %min3A_127 : vector<16x32xi32> to vector<16x32xf32>
    %sub3A_180 = arith.subf %mul3A_178, %convert_element_type3A_179 : vector<16x32xf32>
    %div3A_181 = arith.divf %get3A_18, %select_n3A_93 : vector<16x32xf32>
    %add3A_182 = arith.constant 9.99999997E-7 : f32
    %add3A_183 = vector.broadcast %add3A_182 : f32 to vector<16x32xf32>
    %add3A_184 = arith.addf %div3A_181, %add3A_183 : vector<16x32xf32>
    %log3A = math.log %add3A_184 : vector<16x32xf32>
    %div3A_185 = arith.divf %get3A_23, %select_n3A_107 : vector<16x32xf32>
    %add3A_186 = arith.constant 9.99999997E-7 : f32
    %add3A_187 = vector.broadcast %add3A_186 : f32 to vector<16x32xf32>
    %add3A_188 = arith.addf %div3A_185, %add3A_187 : vector<16x32xf32>
    %log3A_189 = math.log %add3A_188 : vector<16x32xf32>
    %swap3A = arith.constant 0 : index
    %swap3A_190 = arith.constant 0 : index
    %swap3A_191 = arith.constant 0 : index
    %swap3A_192 = arith.constant 0 : index
    %swap3A_193 = vector.load %arg1[%swap3A, %swap3A_190, %swap3A_191, %swap3A_192] : memref<3x8x16x32xf32, #tpu.memory_space<vmem>>, vector<1x1x16x32xf32>
    %swap3A_194 = vector.shape_cast %swap3A_193 : vector<1x1x16x32xf32> to vector<16x32xf32>
    %swap3A_195 = vector.shape_cast %sub3A_175 : vector<16x32xf32> to vector<1x1x16x32xf32>
    tpu.vector_store %arg1[%swap3A, %swap3A_190, %swap3A_191, %swap3A_192], %swap3A_195 {strides = array<i32>} : memref<3x8x16x32xf32, #tpu.memory_space<vmem>>, vector<1x1x16x32xf32>,
    %swap3A_196 = arith.constant 0 : index
    %swap3A_197 = arith.constant 1 : index
    %swap3A_198 = arith.constant 0 : index
    %swap3A_199 = arith.constant 0 : index
    %swap3A_200 = vector.load %arg1[%swap3A_196, %swap3A_197, %swap3A_198, %swap3A_199] : memref<3x8x16x32xf32, #tpu.memory_space<vmem>>, vector<1x1x16x32xf32>
    %swap3A_201 = vector.shape_cast %swap3A_200 : vector<1x1x16x32xf32> to vector<16x32xf32>
    %swap3A_202 = vector.shape_cast %sub3A_180 : vector<16x32xf32> to vector<1x1x16x32xf32>
    tpu.vector_store %arg1[%swap3A_196, %swap3A_197, %swap3A_198, %swap3A_199], %swap3A_202 {strides = array<i32>} : memref<3x8x16x32xf32, #tpu.memory_space<vmem>>, vector<1x1x16x32xf32>,
    %swap3A_203 = arith.constant 0 : index
    %swap3A_204 = arith.constant 2 : index
    %swap3A_205 = arith.constant 0 : index
    %swap3A_206 = arith.constant 0 : index
    %swap3A_207 = vector.load %arg1[%swap3A_203, %swap3A_204, %swap3A_205, %swap3A_206] : memref<3x8x16x32xf32, #tpu.memory_space<vmem>>, vector<1x1x16x32xf32>
    %swap3A_208 = vector.shape_cast %swap3A_207 : vector<1x1x16x32xf32> to vector<16x32xf32>
    %swap3A_209 = vector.shape_cast %log3A : vector<16x32xf32> to vector<1x1x16x32xf32>
    tpu.vector_store %arg1[%swap3A_203, %swap3A_204, %swap3A_205, %swap3A_206], %swap3A_209 {strides = array<i32>} : memref<3x8x16x32xf32, #tpu.memory_space<vmem>>, vector<1x1x16x32xf32>,
    %swap3A_210 = arith.constant 0 : index
    %swap3A_211 = arith.constant 3 : index
    %swap3A_212 = arith.constant 0 : index
    %swap3A_213 = arith.constant 0 : index
    %swap3A_214 = vector.load %arg1[%swap3A_210, %swap3A_211, %swap3A_212, %swap3A_213] : memref<3x8x16x32xf32, #tpu.memory_space<vmem>>, vector<1x1x16x32xf32>
    %swap3A_215 = vector.shape_cast %swap3A_214 : vector<1x1x16x32xf32> to vector<16x32xf32>
    %swap3A_216 = vector.shape_cast %log3A_189 : vector<16x32xf32> to vector<1x1x16x32xf32>
    tpu.vector_store %arg1[%swap3A_210, %swap3A_211, %swap3A_212, %swap3A_213], %swap3A_216 {strides = array<i32>} : memref<3x8x16x32xf32, #tpu.memory_space<vmem>>, vector<1x1x16x32xf32>,
    %swap3A_217 = arith.constant 0 : index
    %swap3A_218 = arith.constant 4 : index
    %swap3A_219 = arith.constant 0 : index
    %swap3A_220 = arith.constant 0 : index
    %swap3A_221 = vector.load %arg1[%swap3A_217, %swap3A_218, %swap3A_219, %swap3A_220] : memref<3x8x16x32xf32, #tpu.memory_space<vmem>>, vector<1x1x16x32xf32>
    %swap3A_222 = vector.shape_cast %swap3A_221 : vector<1x1x16x32xf32> to vector<16x32xf32>
    %swap3A_223 = vector.shape_cast %mul3A_165 : vector<16x32xf32> to vector<1x1x16x32xf32>
    tpu.vector_store %arg1[%swap3A_217, %swap3A_218, %swap3A_219, %swap3A_220], %swap3A_223 {strides = array<i32>} : memref<3x8x16x32xf32, #tpu.memory_space<vmem>>, vector<1x1x16x32xf32>,
    %swap3A_224 = arith.constant 0 : index
    %swap3A_225 = arith.constant 5 : index
    %swap3A_226 = arith.constant 0 : index
    %swap3A_227 = arith.constant 0 : index
    %swap3A_228 = vector.load %arg1[%swap3A_224, %swap3A_225, %swap3A_226, %swap3A_227] : memref<3x8x16x32xf32, #tpu.memory_space<vmem>>, vector<1x1x16x32xf32>
    %swap3A_229 = vector.shape_cast %swap3A_228 : vector<1x1x16x32xf32> to vector<16x32xf32>
    %swap3A_230 = vector.shape_cast %get3A_3 : vector<16x32xf32> to vector<1x1x16x32xf32>
    tpu.vector_store %arg1[%swap3A_224, %swap3A_225, %swap3A_226, %swap3A_227], %swap3A_230 {strides = array<i32>} : memref<3x8x16x32xf32, #tpu.memory_space<vmem>>, vector<1x1x16x32xf32>,
    %broadcast_in_dim3A_231 = vector.broadcast %reduce_sum3A_170 : f32 to vector<16x32xf32>
    %swap3A_232 = arith.constant 0 : index
    %swap3A_233 = arith.constant 6 : index
    %swap3A_234 = arith.constant 0 : index
    %swap3A_235 = arith.constant 0 : index
    %swap3A_236 = vector.load %arg1[%swap3A_232, %swap3A_233, %swap3A_234, %swap3A_235] : memref<3x8x16x32xf32, #tpu.memory_space<vmem>>, vector<1x1x16x32xf32>
    %swap3A_237 = vector.shape_cast %swap3A_236 : vector<1x1x16x32xf32> to vector<16x32xf32>
    %swap3A_238 = vector.shape_cast %broadcast_in_dim3A_231 : vector<16x32xf32> to vector<1x1x16x32xf32>
    tpu.vector_store %arg1[%swap3A_232, %swap3A_233, %swap3A_234, %swap3A_235], %swap3A_238 {strides = array<i32>} : memref<3x8x16x32xf32, #tpu.memory_space<vmem>>, vector<1x1x16x32xf32>,
    %mul3A_239 = arith.constant 255 : i32
    %mul3A_240 = vector.broadcast %mul3A_239 : i32 to vector<16x32xi32>
    %mul3A_241 = arith.muli %iota3A, %mul3A_240 : vector<16x32xi32>
    %mul3A_242 = arith.constant 85 : i32
    %mul3A_243 = vector.broadcast %mul3A_242 : i32 to vector<16x32xi32>
    %mul3A_244 = arith.muli %select_n3A_80, %mul3A_243 : vector<16x32xi32>
    %add3A_245 = arith.addi %mul3A_241, %mul3A_244 : vector<16x32xi32>
    %mul3A_246 = arith.constant 80 : i32
    %mul3A_247 = vector.broadcast %mul3A_246 : i32 to vector<16x32xi32>
    %mul3A_248 = arith.muli %add3A_245, %mul3A_247 : vector<16x32xi32>
    %add3A_249 = arith.addi %mul3A_248, %min3A_127 : vector<16x32xi32>
    %mul3A_250 = arith.constant 80 : i32
    %mul3A_251 = vector.broadcast %mul3A_250 : i32 to vector<16x32xi32>
    %mul3A_252 = arith.muli %add3A_249, %mul3A_251 : vector<16x32xi32>
    %add3A_253 = arith.addi %mul3A_252, %min3A_117 : vector<16x32xi32>
    %jit3A_254 = arith.constant 8 : i32
    %eq3A_255 = arith.constant 0 : i32
    %eq3A_256 = arith.cmpi eq, %jit3A_254, %eq3A_255 : i32
    %jit3A_257 = arith.constant 1 : i32
    %select_n3A_258 = arith.select %eq3A_256, %jit3A_257, %jit3A_254 : i32
    %rem3A = vector.broadcast %select_n3A_258 : i32 to vector<16x32xi32>
    %rem3A_259 = arith.remsi %add3A_253, %rem3A : vector<16x32xi32>
    %ne3A = arith.constant 0 : i32
    %ne3A_260 = vector.broadcast %ne3A : i32 to vector<16x32xi32>
    %ne3A_261 = arith.cmpi ne, %rem3A_259, %ne3A_260 : vector<16x32xi32>
    %lt3A = arith.constant 0 : i32
    %lt3A_262 = vector.broadcast %lt3A : i32 to vector<16x32xi32>
    %lt3A_263 = arith.cmpi slt, %rem3A_259, %lt3A_262 : vector<16x32xi32>
    %lt3A_264 = arith.constant 0 : i32
    %lt3A_265 = arith.cmpi slt, %select_n3A_258, %lt3A_264 : i32
    %ne3A_266 = vector.broadcast %lt3A_265 : i1 to vector<16x32xi1>
    %ne3A_267 = vector.broadcast %ne3A_266 : vector<16x32xi1> to vector<16x32xi1>
    %ne3A_268 = arith.xori %lt3A_263, %ne3A_267 : vector<16x32xi1>
    %and3A_269 = arith.andi %ne3A_268, %ne3A_261 : vector<16x32xi1>
    %add3A_270 = vector.broadcast %select_n3A_258 : i32 to vector<16x32xi32>
    %add3A_271 = arith.addi %rem3A_259, %add3A_270 : vector<16x32xi32>
    %select_n3A_272 = arith.select %and3A_269, %add3A_271, %rem3A_259 : vector<16x32xi1>, vector<16x32xi32>
    %convert_element_type3A_273 = arith.sitofp %select_n3A_272 : vector<16x32xi32> to vector<16x32xf32>
    %swap3A_274 = arith.constant 0 : index
    %swap3A_275 = arith.constant 7 : index
    %swap3A_276 = arith.constant 0 : index
    %swap3A_277 = arith.constant 0 : index
    %swap3A_278 = vector.load %arg1[%swap3A_274, %swap3A_275, %swap3A_276, %swap3A_277] : memref<3x8x16x32xf32, #tpu.memory_space<vmem>>, vector<1x1x16x32xf32>
    %swap3A_279 = vector.shape_cast %swap3A_278 : vector<1x1x16x32xf32> to vector<16x32xf32>
    %swap3A_280 = vector.shape_cast %convert_element_type3A_273 : vector<16x32xf32> to vector<1x1x16x32xf32>
    tpu.vector_store %arg1[%swap3A_274, %swap3A_275, %swap3A_276, %swap3A_277], %swap3A_280 {strides = array<i32>} : memref<3x8x16x32xf32, #tpu.memory_space<vmem>>, vector<1x1x16x32xf32>,
    %jit3A_281 = arith.constant 8 : i32
    %div3A_282 = vector.broadcast %jit3A_281 : i32 to vector<16x32xi32>
    %div3A_283 = arith.divsi %add3A_253, %div3A_282 : vector<16x32xi32>
    %sign3A = arith.constant 0 : i32
    %sign3A_284 = vector.broadcast %sign3A : i32 to vector<16x32xi32>
    %sign3A_285 = arith.cmpi sgt, %add3A_253, %sign3A_284 : vector<16x32xi32>
    %sign3A_286 = arith.extui %sign3A_285 : vector<16x32xi1> to vector<16x32xi32>
    %sign3A_287 = arith.constant 0 : i32
    %sign3A_288 = vector.broadcast %sign3A_287 : i32 to vector<16x32xi32>
    %sign3A_289 = arith.cmpi slt, %add3A_253, %sign3A_288 : vector<16x32xi32>
    %sign3A_290 = arith.extui %sign3A_289 : vector<16x32xi1> to vector<16x32xi32>
    %sign3A_291 = arith.subi %sign3A_286, %sign3A_290 : vector<16x32xi32>
    %sign3A_292 = arith.constant 0 : i32
    %sign3A_293 = arith.cmpi sgt, %jit3A_281, %sign3A_292 : i32
    %sign3A_294 = arith.extui %sign3A_293 : i1 to i32
    %sign3A_295 = arith.constant 0 : i32
    %sign3A_296 = arith.cmpi slt, %jit3A_281, %sign3A_295 : i32
    %sign3A_297 = arith.extui %sign3A_296 : i1 to i32
    %sign3A_298 = arith.subi %sign3A_294, %sign3A_297 : i32
    %ne3A_299 = vector.broadcast %sign3A_298 : i32 to vector<16x32xi32>
    %ne3A_300 = arith.cmpi ne, %sign3A_291, %ne3A_299 : vector<16x32xi32>
    %rem3A_301 = vector.broadcast %jit3A_281 : i32 to vector<16x32xi32>
    %rem3A_302 = arith.remsi %add3A_253, %rem3A_301 : vector<16x32xi32>
    %ne3A_303 = arith.constant 0 : i32
    %ne3A_304 = vector.broadcast %ne3A_303 : i32 to vector<16x32xi32>
    %ne3A_305 = arith.cmpi ne, %rem3A_302, %ne3A_304 : vector<16x32xi32>
    %and3A_306 = arith.andi %ne3A_300, %ne3A_305 : vector<16x32xi1>
    %sub3A_307 = arith.constant 1 : i32
    %sub3A_308 = vector.broadcast %sub3A_307 : i32 to vector<16x32xi32>
    %sub3A_309 = arith.subi %div3A_283, %sub3A_308 : vector<16x32xi32>
    %select_n3A_310 = arith.select %and3A_306, %sub3A_309, %div3A_283 : vector<16x32xi1>, vector<16x32xi32>
    %broadcast_in_dim3A_311 = vector.shape_cast %select_n3A_310 : vector<16x32xi32> to vector<16x32x1xi32>
    %mul3A_312 = arith.constant 800 : i32
    %mul3A_313 = vector.broadcast %mul3A_312 : i32 to vector<16x32x85xi32>
    %mul3A_314 = arith.muli %iota3A_30, %mul3A_313 : vector<16x32x85xi32>
    %add3A_315 = vector.broadcast %broadcast_in_dim3A_311 : vector<16x32x1xi32> to vector<16x32x85xi32>
    %add3A_316 = arith.addi %add3A_315, %mul3A_314 : vector<16x32x85xi32>
    %swap3A_317 = arith.constant 0 : index
    %swap3A_318 = arith.constant 0 : index
    %swap3A_319 = arith.constant 0 : index
    %swap3A_320 = arith.constant 0 : index
    %swap3A_321 = vector.load %arg2[%swap3A_317, %swap3A_318, %swap3A_319, %swap3A_320] : memref<3x16x32x85xi32, #tpu.memory_space<vmem>>, vector<1x16x32x85xi32>
    %swap3A_322 = vector.shape_cast %swap3A_321 : vector<1x16x32x85xi32> to vector<16x32x85xi32>
    %swap3A_323 = vector.shape_cast %add3A_316 : vector<16x32x85xi32> to vector<1x16x32x85xi32>
    tpu.vector_store %arg2[%swap3A_317, %swap3A_318, %swap3A_319, %swap3A_320], %swap3A_323 {strides = array<i32>} : memref<3x16x32x85xi32, #tpu.memory_space<vmem>>, vector<1x16x32x85xi32>,
    %min3A_324 = arith.constant 7.000000e-02 : f32
    %min3A_325 = vector.broadcast %min3A_324 : f32 to vector<16x32xf32>
    %min3A_326 = arith.minimumf %get3A_18, %min3A_325 : vector<16x32xf32>
    %min3A_327 = arith.constant 1.500000e-01 : f32
    %min3A_328 = vector.broadcast %min3A_327 : f32 to vector<16x32xf32>
    %min3A_329 = arith.minimumf %get3A_23, %min3A_328 : vector<16x32xf32>
    %mul3A_330 = arith.mulf %min3A_326, %min3A_329 : vector<16x32xf32>
    %mul3A_331 = arith.mulf %get3A_18, %get3A_23 : vector<16x32xf32>
    %add3A_332 = arith.constant 1.050000e-02 : f32
    %add3A_333 = vector.broadcast %add3A_332 : f32 to vector<16x32xf32>
    %add3A_334 = arith.addf %mul3A_331, %add3A_333 : vector<16x32xf32>
    %sub3A_335 = arith.subf %add3A_334, %mul3A_330 : vector<16x32xf32>
    %add3A_336 = arith.constant 9.99999997E-7 : f32
    %add3A_337 = vector.broadcast %add3A_336 : f32 to vector<16x32xf32>
    %add3A_338 = arith.addf %sub3A_335, %add3A_337 : vector<16x32xf32>
    %div3A_339 = arith.divf %mul3A_330, %add3A_338 : vector<16x32xf32>
    %min3A_340 = arith.constant 1.500000e-01 : f32
    %min3A_341 = vector.broadcast %min3A_340 : f32 to vector<16x32xf32>
    %min3A_342 = arith.minimumf %get3A_18, %min3A_341 : vector<16x32xf32>
    %min3A_343 = arith.constant 1.100000e-01 : f32
    %min3A_344 = vector.broadcast %min3A_343 : f32 to vector<16x32xf32>
    %min3A_345 = arith.minimumf %get3A_23, %min3A_344 : vector<16x32xf32>
    %mul3A_346 = arith.mulf %min3A_342, %min3A_345 : vector<16x32xf32>
    %mul3A_347 = arith.mulf %get3A_18, %get3A_23 : vector<16x32xf32>
    %add3A_348 = arith.constant 1.650000e-02 : f32
    %add3A_349 = vector.broadcast %add3A_348 : f32 to vector<16x32xf32>
    %add3A_350 = arith.addf %mul3A_347, %add3A_349 : vector<16x32xf32>
    %sub3A_351 = arith.subf %add3A_350, %mul3A_346 : vector<16x32xf32>
    %add3A_352 = arith.constant 9.99999997E-7 : f32
    %add3A_353 = vector.broadcast %add3A_352 : f32 to vector<16x32xf32>
    %add3A_354 = arith.addf %sub3A_351, %add3A_353 : vector<16x32xf32>
    %div3A_355 = arith.divf %mul3A_346, %add3A_354 : vector<16x32xf32>
    %min3A_356 = arith.constant 1.400000e-01 : f32
    %min3A_357 = vector.broadcast %min3A_356 : f32 to vector<16x32xf32>
    %min3A_358 = arith.minimumf %get3A_18, %min3A_357 : vector<16x32xf32>
    %min3A_359 = arith.constant 2.900000e-01 : f32
    %min3A_360 = vector.broadcast %min3A_359 : f32 to vector<16x32xf32>
    %min3A_361 = arith.minimumf %get3A_23, %min3A_360 : vector<16x32xf32>
    %mul3A_362 = arith.mulf %min3A_358, %min3A_361 : vector<16x32xf32>
    %mul3A_363 = arith.mulf %get3A_18, %get3A_23 : vector<16x32xf32>
    %add3A_364 = arith.constant 4.060000e-02 : f32
    %add3A_365 = vector.broadcast %add3A_364 : f32 to vector<16x32xf32>
    %add3A_366 = arith.addf %mul3A_363, %add3A_365 : vector<16x32xf32>
    %sub3A_367 = arith.subf %add3A_366, %mul3A_362 : vector<16x32xf32>
    %add3A_368 = arith.constant 9.99999997E-7 : f32
    %add3A_369 = vector.broadcast %add3A_368 : f32 to vector<16x32xf32>
    %add3A_370 = arith.addf %sub3A_367, %add3A_369 : vector<16x32xf32>
    %div3A_371 = arith.divf %mul3A_362, %add3A_370 : vector<16x32xf32>
    %broadcast_in_dim3A_372 = arith.constant 0 : i32
    %broadcast_in_dim3A_373 = vector.broadcast %broadcast_in_dim3A_372 : i32 to vector<16x32xi32>
    %gt3A_374 = arith.cmpf ogt, %div3A_355, %div3A_339 : vector<16x32xf32>
    %jit3A_375 = arith.constant 1 : i32
    %broadcast_in_dim3A_376 = vector.broadcast %jit3A_375 : i32 to vector<16x32xi32>
    %select_n3A_377 = arith.select %gt3A_374, %broadcast_in_dim3A_376, %broadcast_in_dim3A_373 : vector<16x32xi1>, vector<16x32xi32>
    %max3A_378 = arith.maximumf %div3A_339, %div3A_355 : vector<16x32xf32>
    %gt3A_379 = arith.cmpf ogt, %div3A_371, %max3A_378 : vector<16x32xf32>
    %jit3A_380 = arith.constant 2 : i32
    %broadcast_in_dim3A_381 = vector.broadcast %jit3A_380 : i32 to vector<16x32xi32>
    %select_n3A_382 = arith.select %gt3A_379, %broadcast_in_dim3A_381, %select_n3A_377 : vector<16x32xi1>, vector<16x32xi32>
    %eq3A_383 = arith.constant 0 : i32
    %eq3A_384 = vector.broadcast %eq3A_383 : i32 to vector<16x32xi32>
    %eq3A_385 = arith.cmpi eq, %select_n3A_382, %eq3A_384 : vector<16x32xi32>
    %eq3A_386 = arith.constant 1 : i32
    %eq3A_387 = vector.broadcast %eq3A_386 : i32 to vector<16x32xi32>
    %eq3A_388 = arith.cmpi eq, %select_n3A_382, %eq3A_387 : vector<16x32xi32>
    %jit3A_389 = arith.constant 1.500000e-01 : f32
    %jit3A_390 = arith.constant 1.400000e-01 : f32
    %broadcast_in_dim3A_391 = vector.broadcast %jit3A_389 : f32 to vector<16x32xf32>
    %broadcast_in_dim3A_392 = vector.broadcast %jit3A_390 : f32 to vector<16x32xf32>
    %select_n3A_393 = arith.select %eq3A_388, %broadcast_in_dim3A_391, %broadcast_in_dim3A_392 : vector<16x32xi1>, vector<16x32xf32>
    %jit3A_394 = arith.constant 7.000000e-02 : f32
    %broadcast_in_dim3A_395 = vector.broadcast %jit3A_394 : f32 to vector<16x32xf32>
    %select_n3A_396 = arith.select %eq3A_385, %broadcast_in_dim3A_395, %select_n3A_393 : vector<16x32xi1>, vector<16x32xf32>
    %eq3A_397 = arith.constant 0 : i32
    %eq3A_398 = vector.broadcast %eq3A_397 : i32 to vector<16x32xi32>
    %eq3A_399 = arith.cmpi eq, %select_n3A_382, %eq3A_398 : vector<16x32xi32>
    %eq3A_400 = arith.constant 1 : i32
    %eq3A_401 = vector.broadcast %eq3A_400 : i32 to vector<16x32xi32>
    %eq3A_402 = arith.cmpi eq, %select_n3A_382, %eq3A_401 : vector<16x32xi32>
    %jit3A_403 = arith.constant 1.100000e-01 : f32
    %jit3A_404 = arith.constant 2.900000e-01 : f32
    %broadcast_in_dim3A_405 = vector.broadcast %jit3A_403 : f32 to vector<16x32xf32>
    %broadcast_in_dim3A_406 = vector.broadcast %jit3A_404 : f32 to vector<16x32xf32>
    %select_n3A_407 = arith.select %eq3A_402, %broadcast_in_dim3A_405, %broadcast_in_dim3A_406 : vector<16x32xi1>, vector<16x32xf32>
    %jit3A_408 = arith.constant 1.500000e-01 : f32
    %broadcast_in_dim3A_409 = vector.broadcast %jit3A_408 : f32 to vector<16x32xf32>
    %select_n3A_410 = arith.select %eq3A_399, %broadcast_in_dim3A_409, %select_n3A_407 : vector<16x32xi1>, vector<16x32xf32>
    %mul3A_411 = arith.constant 4.000000e+01 : f32
    %mul3A_412 = vector.broadcast %mul3A_411 : f32 to vector<16x32xf32>
    %mul3A_413 = arith.mulf %get3A_8, %mul3A_412 : vector<16x32xf32>
    %convert_element_type3A_414 = arith.fptosi %mul3A_413 : vector<16x32xf32> to vector<16x32xi32>
    %jit3A_415 = arith.constant 0 : i32
    %jit3A_416 = arith.constant 39 : i32
    %max3A_417 = vector.broadcast %jit3A_415 : i32 to vector<16x32xi32>
    %max3A_418 = arith.maxsi %max3A_417, %convert_element_type3A_414 : vector<16x32xi32>
    %min3A_419 = vector.broadcast %jit3A_416 : i32 to vector<16x32xi32>
    %min3A_420 = arith.minsi %min3A_419, %max3A_418 : vector<16x32xi32>
    %mul3A_421 = arith.constant 4.000000e+01 : f32
    %mul3A_422 = vector.broadcast %mul3A_421 : f32 to vector<16x32xf32>
    %mul3A_423 = arith.mulf %get3A_13, %mul3A_422 : vector<16x32xf32>
    %convert_element_type3A_424 = arith.fptosi %mul3A_423 : vector<16x32xf32> to vector<16x32xi32>
    %jit3A_425 = arith.constant 0 : i32
    %jit3A_426 = arith.constant 39 : i32
    %max3A_427 = vector.broadcast %jit3A_425 : i32 to vector<16x32xi32>
    %max3A_428 = arith.maxsi %max3A_427, %convert_element_type3A_424 : vector<16x32xi32>
    %min3A_429 = vector.broadcast %jit3A_426 : i32 to vector<16x32xi32>
    %min3A_430 = arith.minsi %min3A_429, %max3A_428 : vector<16x32xi32>
    %mul3A_431 = arith.constant 3 : i32
    %mul3A_432 = vector.broadcast %mul3A_431 : i32 to vector<16x32xi32>
    %mul3A_433 = arith.muli %iota3A, %mul3A_432 : vector<16x32xi32>
    %add3A_434 = arith.addi %mul3A_433, %select_n3A_382 : vector<16x32xi32>
    %mul3A_435 = arith.constant 40 : i32
    %mul3A_436 = vector.broadcast %mul3A_435 : i32 to vector<16x32xi32>
    %mul3A_437 = arith.muli %add3A_434, %mul3A_436 : vector<16x32xi32>
    %add3A_438 = arith.addi %mul3A_437, %min3A_430 : vector<16x32xi32>
    %mul3A_439 = arith.constant 40 : i32
    %mul3A_440 = vector.broadcast %mul3A_439 : i32 to vector<16x32xi32>
    %mul3A_441 = arith.muli %add3A_438, %mul3A_440 : vector<16x32xi32>
    %add3A_442 = arith.addi %mul3A_441, %min3A_420 : vector<16x32xi32>
    %broadcast_in_dim3A_443 = vector.shape_cast %add3A_442 : vector<16x32xi32> to vector<16x1x32xi32>
    %broadcast_in_dim3A_444 = vector.shape_cast %add3A_442 : vector<16x32xi32> to vector<16x32x1xi32>
    %eq3A_445 = vector.broadcast %broadcast_in_dim3A_443 : vector<16x1x32xi32> to vector<16x32x32xi32>
    %eq3A_446 = vector.broadcast %broadcast_in_dim3A_444 : vector<16x32x1xi32> to vector<16x32x32xi32>
    %eq3A_447 = arith.cmpi eq, %eq3A_445, %eq3A_446 : vector<16x32x32xi32>
    %iota3A_448 = tpu.iota {dimensions = array<i32: 1>} : vector<32x32xi32>
    %iota3A_449 = tpu.iota {dimensions = array<i32: 0>} : vector<32x32xi32>
    %gt3A_450 = arith.cmpi sgt, %iota3A_448, %iota3A_449 : vector<32x32xi32>
    %broadcast_in_dim3A_451 = vector.shape_cast %gt3A_450 : vector<32x32xi1> to vector<1x32x32xi1>
    %and3A_452 = vector.broadcast %broadcast_in_dim3A_451 : vector<1x32x32xi1> to vector<16x32x32xi1>
    %and3A_453 = arith.andi %eq3A_447, %and3A_452 : vector<16x32x32xi1>
    %broadcast_in_dim3A_454 = vector.shape_cast %and3A : vector<16x32xi1> to vector<16x1x32xi1>
    %and3A_455 = vector.broadcast %broadcast_in_dim3A_454 : vector<16x1x32xi1> to vector<16x32x32xi1>
    %and3A_456 = arith.andi %and3A_453, %and3A_455 : vector<16x32x32xi1>
    %convert_element_type3A_457 = arith.extui %and3A_456 : vector<16x32x32xi1> to vector<16x32x32xi32>
    %convert_element_type3A_458 = arith.sitofp %convert_element_type3A_457 : vector<16x32x32xi32> to vector<16x32x32xf32>
    %reduce_sum3A_459 = arith.constant dense<0.000000e+00> : vector<16x32xf32>
    %reduce_sum3A_460 = vector.multi_reduction <add>, %convert_element_type3A_458, %reduce_sum3A_459 [2] : vector<16x32x32xf32> to vector<16x32xf32>
    %gt3A_461 = arith.constant 0.000000e+00 : f32
    %gt3A_462 = vector.broadcast %gt3A_461 : f32 to vector<16x32xf32>
    %gt3A_463 = arith.cmpf ogt, %reduce_sum3A_460, %gt3A_462 : vector<16x32xf32>
    %convert_element_type3A_464 = arith.extui %gt3A_463 : vector<16x32xi1> to vector<16x32xi32>
    %convert_element_type3A_465 = arith.sitofp %convert_element_type3A_464 : vector<16x32xi32> to vector<16x32xf32>
    %sub3A_466 = arith.constant 1.000000e+00 : f32
    %sub3A_467 = vector.broadcast %sub3A_466 : f32 to vector<16x32xf32>
    %sub3A_468 = arith.subf %sub3A_467, %convert_element_type3A_465 : vector<16x32xf32>
    %mul3A_469 = arith.mulf %convert_element_type3A_29, %sub3A_468 : vector<16x32xf32>
    %reduce_sum3A_470 = vector.shape_cast %mul3A_469 : vector<16x32xf32> to vector<1x16x32xf32>
    %reduce_sum3A_471 = arith.constant dense<0.000000e+00> : vector<1xf32>
    %reduce_sum3A_472 = vector.multi_reduction <add>, %reduce_sum3A_470, %reduce_sum3A_471 [1, 2] : vector<1x16x32xf32> to vector<1xf32>
    %reduce_sum3A_473 = vector.shape_cast %reduce_sum3A_472 : vector<1xf32> to vector<1x1x1xf32>
    %reduce_sum3A_474 = vector.extract %reduce_sum3A_473[0, 0, 0] : f32 from vector<1x1x1xf32>
    %mul3A_475 = arith.constant 4.000000e+01 : f32
    %mul3A_476 = vector.broadcast %mul3A_475 : f32 to vector<16x32xf32>
    %mul3A_477 = arith.mulf %get3A_8, %mul3A_476 : vector<16x32xf32>
    %convert_element_type3A_478 = arith.sitofp %min3A_420 : vector<16x32xi32> to vector<16x32xf32>
    %sub3A_479 = arith.subf %mul3A_477, %convert_element_type3A_478 : vector<16x32xf32>
    %mul3A_480 = arith.constant 4.000000e+01 : f32
    %mul3A_481 = vector.broadcast %mul3A_480 : f32 to vector<16x32xf32>
    %mul3A_482 = arith.mulf %get3A_13, %mul3A_481 : vector<16x32xf32>
    %convert_element_type3A_483 = arith.sitofp %min3A_430 : vector<16x32xi32> to vector<16x32xf32>
    %sub3A_484 = arith.subf %mul3A_482, %convert_element_type3A_483 : vector<16x32xf32>
    %div3A_485 = arith.divf %get3A_18, %select_n3A_396 : vector<16x32xf32>
    %add3A_486 = arith.constant 9.99999997E-7 : f32
    %add3A_487 = vector.broadcast %add3A_486 : f32 to vector<16x32xf32>
    %add3A_488 = arith.addf %div3A_485, %add3A_487 : vector<16x32xf32>
    %log3A_489 = math.log %add3A_488 : vector<16x32xf32>
    %div3A_490 = arith.divf %get3A_23, %select_n3A_410 : vector<16x32xf32>
    %add3A_491 = arith.constant 9.99999997E-7 : f32
    %add3A_492 = vector.broadcast %add3A_491 : f32 to vector<16x32xf32>
    %add3A_493 = arith.addf %div3A_490, %add3A_492 : vector<16x32xf32>
    %log3A_494 = math.log %add3A_493 : vector<16x32xf32>
    %swap3A_495 = arith.constant 1 : index
    %swap3A_496 = arith.constant 0 : index
    %swap3A_497 = arith.constant 0 : index
    %swap3A_498 = arith.constant 0 : index
    %swap3A_499 = vector.load %arg1[%swap3A_495, %swap3A_496, %swap3A_497, %swap3A_498] : memref<3x8x16x32xf32, #tpu.memory_space<vmem>>, vector<1x1x16x32xf32>
    %swap3A_500 = vector.shape_cast %swap3A_499 : vector<1x1x16x32xf32> to vector<16x32xf32>
    %swap3A_501 = vector.shape_cast %sub3A_479 : vector<16x32xf32> to vector<1x1x16x32xf32>
    tpu.vector_store %arg1[%swap3A_495, %swap3A_496, %swap3A_497, %swap3A_498], %swap3A_501 {strides = array<i32>} : memref<3x8x16x32xf32, #tpu.memory_space<vmem>>, vector<1x1x16x32xf32>,
    %swap3A_502 = arith.constant 1 : index
    %swap3A_503 = arith.constant 1 : index
    %swap3A_504 = arith.constant 0 : index
    %swap3A_505 = arith.constant 0 : index
    %swap3A_506 = vector.load %arg1[%swap3A_502, %swap3A_503, %swap3A_504, %swap3A_505] : memref<3x8x16x32xf32, #tpu.memory_space<vmem>>, vector<1x1x16x32xf32>
    %swap3A_507 = vector.shape_cast %swap3A_506 : vector<1x1x16x32xf32> to vector<16x32xf32>
    %swap3A_508 = vector.shape_cast %sub3A_484 : vector<16x32xf32> to vector<1x1x16x32xf32>
    tpu.vector_store %arg1[%swap3A_502, %swap3A_503, %swap3A_504, %swap3A_505], %swap3A_508 {strides = array<i32>} : memref<3x8x16x32xf32, #tpu.memory_space<vmem>>, vector<1x1x16x32xf32>,
    %swap3A_509 = arith.constant 1 : index
    %swap3A_510 = arith.constant 2 : index
    %swap3A_511 = arith.constant 0 : index
    %swap3A_512 = arith.constant 0 : index
    %swap3A_513 = vector.load %arg1[%swap3A_509, %swap3A_510, %swap3A_511, %swap3A_512] : memref<3x8x16x32xf32, #tpu.memory_space<vmem>>, vector<1x1x16x32xf32>
    %swap3A_514 = vector.shape_cast %swap3A_513 : vector<1x1x16x32xf32> to vector<16x32xf32>
    %swap3A_515 = vector.shape_cast %log3A_489 : vector<16x32xf32> to vector<1x1x16x32xf32>
    tpu.vector_store %arg1[%swap3A_509, %swap3A_510, %swap3A_511, %swap3A_512], %swap3A_515 {strides = array<i32>} : memref<3x8x16x32xf32, #tpu.memory_space<vmem>>, vector<1x1x16x32xf32>,
    %swap3A_516 = arith.constant 1 : index
    %swap3A_517 = arith.constant 3 : index
    %swap3A_518 = arith.constant 0 : index
    %swap3A_519 = arith.constant 0 : index
    %swap3A_520 = vector.load %arg1[%swap3A_516, %swap3A_517, %swap3A_518, %swap3A_519] : memref<3x8x16x32xf32, #tpu.memory_space<vmem>>, vector<1x1x16x32xf32>
    %swap3A_521 = vector.shape_cast %swap3A_520 : vector<1x1x16x32xf32> to vector<16x32xf32>
    %swap3A_522 = vector.shape_cast %log3A_494 : vector<16x32xf32> to vector<1x1x16x32xf32>
    tpu.vector_store %arg1[%swap3A_516, %swap3A_517, %swap3A_518, %swap3A_519], %swap3A_522 {strides = array<i32>} : memref<3x8x16x32xf32, #tpu.memory_space<vmem>>, vector<1x1x16x32xf32>,
    %swap3A_523 = arith.constant 1 : index
    %swap3A_524 = arith.constant 4 : index
    %swap3A_525 = arith.constant 0 : index
    %swap3A_526 = arith.constant 0 : index
    %swap3A_527 = vector.load %arg1[%swap3A_523, %swap3A_524, %swap3A_525, %swap3A_526] : memref<3x8x16x32xf32, #tpu.memory_space<vmem>>, vector<1x1x16x32xf32>
    %swap3A_528 = vector.shape_cast %swap3A_527 : vector<1x1x16x32xf32> to vector<16x32xf32>
    %swap3A_529 = vector.shape_cast %mul3A_469 : vector<16x32xf32> to vector<1x1x16x32xf32>
    tpu.vector_store %arg1[%swap3A_523, %swap3A_524, %swap3A_525, %swap3A_526], %swap3A_529 {strides = array<i32>} : memref<3x8x16x32xf32, #tpu.memory_space<vmem>>, vector<1x1x16x32xf32>,
    %swap3A_530 = arith.constant 1 : index
    %swap3A_531 = arith.constant 5 : index
    %swap3A_532 = arith.constant 0 : index
    %swap3A_533 = arith.constant 0 : index
    %swap3A_534 = vector.load %arg1[%swap3A_530, %swap3A_531, %swap3A_532, %swap3A_533] : memref<3x8x16x32xf32, #tpu.memory_space<vmem>>, vector<1x1x16x32xf32>
    %swap3A_535 = vector.shape_cast %swap3A_534 : vector<1x1x16x32xf32> to vector<16x32xf32>
    %swap3A_536 = vector.shape_cast %get3A_3 : vector<16x32xf32> to vector<1x1x16x32xf32>
    tpu.vector_store %arg1[%swap3A_530, %swap3A_531, %swap3A_532, %swap3A_533], %swap3A_536 {strides = array<i32>} : memref<3x8x16x32xf32, #tpu.memory_space<vmem>>, vector<1x1x16x32xf32>,
    %broadcast_in_dim3A_537 = vector.broadcast %reduce_sum3A_474 : f32 to vector<16x32xf32>
    %swap3A_538 = arith.constant 1 : index
    %swap3A_539 = arith.constant 6 : index
    %swap3A_540 = arith.constant 0 : index
    %swap3A_541 = arith.constant 0 : index
    %swap3A_542 = vector.load %arg1[%swap3A_538, %swap3A_539, %swap3A_540, %swap3A_541] : memref<3x8x16x32xf32, #tpu.memory_space<vmem>>, vector<1x1x16x32xf32>
    %swap3A_543 = vector.shape_cast %swap3A_542 : vector<1x1x16x32xf32> to vector<16x32xf32>
    %swap3A_544 = vector.shape_cast %broadcast_in_dim3A_537 : vector<16x32xf32> to vector<1x1x16x32xf32>
    tpu.vector_store %arg1[%swap3A_538, %swap3A_539, %swap3A_540, %swap3A_541], %swap3A_544 {strides = array<i32>} : memref<3x8x16x32xf32, #tpu.memory_space<vmem>>, vector<1x1x16x32xf32>,
    %mul3A_545 = arith.constant 255 : i32
    %mul3A_546 = vector.broadcast %mul3A_545 : i32 to vector<16x32xi32>
    %mul3A_547 = arith.muli %iota3A, %mul3A_546 : vector<16x32xi32>
    %mul3A_548 = arith.constant 85 : i32
    %mul3A_549 = vector.broadcast %mul3A_548 : i32 to vector<16x32xi32>
    %mul3A_550 = arith.muli %select_n3A_382, %mul3A_549 : vector<16x32xi32>
    %add3A_551 = arith.addi %mul3A_547, %mul3A_550 : vector<16x32xi32>
    %mul3A_552 = arith.constant 40 : i32
    %mul3A_553 = vector.broadcast %mul3A_552 : i32 to vector<16x32xi32>
    %mul3A_554 = arith.muli %add3A_551, %mul3A_553 : vector<16x32xi32>
    %add3A_555 = arith.addi %mul3A_554, %min3A_430 : vector<16x32xi32>
    %mul3A_556 = arith.constant 40 : i32
    %mul3A_557 = vector.broadcast %mul3A_556 : i32 to vector<16x32xi32>
    %mul3A_558 = arith.muli %add3A_555, %mul3A_557 : vector<16x32xi32>
    %add3A_559 = arith.addi %mul3A_558, %min3A_420 : vector<16x32xi32>
    %jit3A_560 = arith.constant 8 : i32
    %eq3A_561 = arith.constant 0 : i32
    %eq3A_562 = arith.cmpi eq, %jit3A_560, %eq3A_561 : i32
    %jit3A_563 = arith.constant 1 : i32
    %select_n3A_564 = arith.select %eq3A_562, %jit3A_563, %jit3A_560 : i32
    %rem3A_565 = vector.broadcast %select_n3A_564 : i32 to vector<16x32xi32>
    %rem3A_566 = arith.remsi %add3A_559, %rem3A_565 : vector<16x32xi32>
    %ne3A_567 = arith.constant 0 : i32
    %ne3A_568 = vector.broadcast %ne3A_567 : i32 to vector<16x32xi32>
    %ne3A_569 = arith.cmpi ne, %rem3A_566, %ne3A_568 : vector<16x32xi32>
    %lt3A_570 = arith.constant 0 : i32
    %lt3A_571 = vector.broadcast %lt3A_570 : i32 to vector<16x32xi32>
    %lt3A_572 = arith.cmpi slt, %rem3A_566, %lt3A_571 : vector<16x32xi32>
    %lt3A_573 = arith.constant 0 : i32
    %lt3A_574 = arith.cmpi slt, %select_n3A_564, %lt3A_573 : i32
    %ne3A_575 = vector.broadcast %lt3A_574 : i1 to vector<16x32xi1>
    %ne3A_576 = vector.broadcast %ne3A_575 : vector<16x32xi1> to vector<16x32xi1>
    %ne3A_577 = arith.xori %lt3A_572, %ne3A_576 : vector<16x32xi1>
    %and3A_578 = arith.andi %ne3A_577, %ne3A_569 : vector<16x32xi1>
    %add3A_579 = vector.broadcast %select_n3A_564 : i32 to vector<16x32xi32>
    %add3A_580 = arith.addi %rem3A_566, %add3A_579 : vector<16x32xi32>
    %select_n3A_581 = arith.select %and3A_578, %add3A_580, %rem3A_566 : vector<16x32xi1>, vector<16x32xi32>
    %convert_element_type3A_582 = arith.sitofp %select_n3A_581 : vector<16x32xi32> to vector<16x32xf32>
    %swap3A_583 = arith.constant 1 : index
    %swap3A_584 = arith.constant 7 : index
    %swap3A_585 = arith.constant 0 : index
    %swap3A_586 = arith.constant 0 : index
    %swap3A_587 = vector.load %arg1[%swap3A_583, %swap3A_584, %swap3A_585, %swap3A_586] : memref<3x8x16x32xf32, #tpu.memory_space<vmem>>, vector<1x1x16x32xf32>
    %swap3A_588 = vector.shape_cast %swap3A_587 : vector<1x1x16x32xf32> to vector<16x32xf32>
    %swap3A_589 = vector.shape_cast %convert_element_type3A_582 : vector<16x32xf32> to vector<1x1x16x32xf32>
    tpu.vector_store %arg1[%swap3A_583, %swap3A_584, %swap3A_585, %swap3A_586], %swap3A_589 {strides = array<i32>} : memref<3x8x16x32xf32, #tpu.memory_space<vmem>>, vector<1x1x16x32xf32>,
    %jit3A_590 = arith.constant 8 : i32
    %div3A_591 = vector.broadcast %jit3A_590 : i32 to vector<16x32xi32>
    %div3A_592 = arith.divsi %add3A_559, %div3A_591 : vector<16x32xi32>
    %sign3A_593 = arith.constant 0 : i32
    %sign3A_594 = vector.broadcast %sign3A_593 : i32 to vector<16x32xi32>
    %sign3A_595 = arith.cmpi sgt, %add3A_559, %sign3A_594 : vector<16x32xi32>
    %sign3A_596 = arith.extui %sign3A_595 : vector<16x32xi1> to vector<16x32xi32>
    %sign3A_597 = arith.constant 0 : i32
    %sign3A_598 = vector.broadcast %sign3A_597 : i32 to vector<16x32xi32>
    %sign3A_599 = arith.cmpi slt, %add3A_559, %sign3A_598 : vector<16x32xi32>
    %sign3A_600 = arith.extui %sign3A_599 : vector<16x32xi1> to vector<16x32xi32>
    %sign3A_601 = arith.subi %sign3A_596, %sign3A_600 : vector<16x32xi32>
    %sign3A_602 = arith.constant 0 : i32
    %sign3A_603 = arith.cmpi sgt, %jit3A_590, %sign3A_602 : i32
    %sign3A_604 = arith.extui %sign3A_603 : i1 to i32
    %sign3A_605 = arith.constant 0 : i32
    %sign3A_606 = arith.cmpi slt, %jit3A_590, %sign3A_605 : i32
    %sign3A_607 = arith.extui %sign3A_606 : i1 to i32
    %sign3A_608 = arith.subi %sign3A_604, %sign3A_607 : i32
    %ne3A_609 = vector.broadcast %sign3A_608 : i32 to vector<16x32xi32>
    %ne3A_610 = arith.cmpi ne, %sign3A_601, %ne3A_609 : vector<16x32xi32>
    %rem3A_611 = vector.broadcast %jit3A_590 : i32 to vector<16x32xi32>
    %rem3A_612 = arith.remsi %add3A_559, %rem3A_611 : vector<16x32xi32>
    %ne3A_613 = arith.constant 0 : i32
    %ne3A_614 = vector.broadcast %ne3A_613 : i32 to vector<16x32xi32>
    %ne3A_615 = arith.cmpi ne, %rem3A_612, %ne3A_614 : vector<16x32xi32>
    %and3A_616 = arith.andi %ne3A_610, %ne3A_615 : vector<16x32xi1>
    %sub3A_617 = arith.constant 1 : i32
    %sub3A_618 = vector.broadcast %sub3A_617 : i32 to vector<16x32xi32>
    %sub3A_619 = arith.subi %div3A_592, %sub3A_618 : vector<16x32xi32>
    %select_n3A_620 = arith.select %and3A_616, %sub3A_619, %div3A_592 : vector<16x32xi1>, vector<16x32xi32>
    %broadcast_in_dim3A_621 = vector.shape_cast %select_n3A_620 : vector<16x32xi32> to vector<16x32x1xi32>
    %mul3A_622 = arith.constant 200 : i32
    %mul3A_623 = vector.broadcast %mul3A_622 : i32 to vector<16x32x85xi32>
    %mul3A_624 = arith.muli %iota3A_30, %mul3A_623 : vector<16x32x85xi32>
    %add3A_625 = vector.broadcast %broadcast_in_dim3A_621 : vector<16x32x1xi32> to vector<16x32x85xi32>
    %add3A_626 = arith.addi %add3A_625, %mul3A_624 : vector<16x32x85xi32>
    %swap3A_627 = arith.constant 1 : index
    %swap3A_628 = arith.constant 0 : index
    %swap3A_629 = arith.constant 0 : index
    %swap3A_630 = arith.constant 0 : index
    %swap3A_631 = vector.load %arg2[%swap3A_627, %swap3A_628, %swap3A_629, %swap3A_630] : memref<3x16x32x85xi32, #tpu.memory_space<vmem>>, vector<1x16x32x85xi32>
    %swap3A_632 = vector.shape_cast %swap3A_631 : vector<1x16x32x85xi32> to vector<16x32x85xi32>
    %swap3A_633 = vector.shape_cast %add3A_626 : vector<16x32x85xi32> to vector<1x16x32x85xi32>
    tpu.vector_store %arg2[%swap3A_627, %swap3A_628, %swap3A_629, %swap3A_630], %swap3A_633 {strides = array<i32>} : memref<3x16x32x85xi32, #tpu.memory_space<vmem>>, vector<1x16x32x85xi32>,
    %min3A_634 = arith.constant 2.800000e-01 : f32
    %min3A_635 = vector.broadcast %min3A_634 : f32 to vector<16x32xf32>
    %min3A_636 = arith.minimumf %get3A_18, %min3A_635 : vector<16x32xf32>
    %min3A_637 = arith.constant 2.200000e-01 : f32
    %min3A_638 = vector.broadcast %min3A_637 : f32 to vector<16x32xf32>
    %min3A_639 = arith.minimumf %get3A_23, %min3A_638 : vector<16x32xf32>
    %mul3A_640 = arith.mulf %min3A_636, %min3A_639 : vector<16x32xf32>
    %mul3A_641 = arith.mulf %get3A_18, %get3A_23 : vector<16x32xf32>
    %add3A_642 = arith.constant 0.0615999996 : f32
    %add3A_643 = vector.broadcast %add3A_642 : f32 to vector<16x32xf32>
    %add3A_644 = arith.addf %mul3A_641, %add3A_643 : vector<16x32xf32>
    %sub3A_645 = arith.subf %add3A_644, %mul3A_640 : vector<16x32xf32>
    %add3A_646 = arith.constant 9.99999997E-7 : f32
    %add3A_647 = vector.broadcast %add3A_646 : f32 to vector<16x32xf32>
    %add3A_648 = arith.addf %sub3A_645, %add3A_647 : vector<16x32xf32>
    %div3A_649 = arith.divf %mul3A_640, %add3A_648 : vector<16x32xf32>
    %min3A_650 = arith.constant 3.800000e-01 : f32
    %min3A_651 = vector.broadcast %min3A_650 : f32 to vector<16x32xf32>
    %min3A_652 = arith.minimumf %get3A_18, %min3A_651 : vector<16x32xf32>
    %min3A_653 = arith.constant 4.800000e-01 : f32
    %min3A_654 = vector.broadcast %min3A_653 : f32 to vector<16x32xf32>
    %min3A_655 = arith.minimumf %get3A_23, %min3A_654 : vector<16x32xf32>
    %mul3A_656 = arith.mulf %min3A_652, %min3A_655 : vector<16x32xf32>
    %mul3A_657 = arith.mulf %get3A_18, %get3A_23 : vector<16x32xf32>
    %add3A_658 = arith.constant 1.824000e-01 : f32
    %add3A_659 = vector.broadcast %add3A_658 : f32 to vector<16x32xf32>
    %add3A_660 = arith.addf %mul3A_657, %add3A_659 : vector<16x32xf32>
    %sub3A_661 = arith.subf %add3A_660, %mul3A_656 : vector<16x32xf32>
    %add3A_662 = arith.constant 9.99999997E-7 : f32
    %add3A_663 = vector.broadcast %add3A_662 : f32 to vector<16x32xf32>
    %add3A_664 = arith.addf %sub3A_661, %add3A_663 : vector<16x32xf32>
    %div3A_665 = arith.divf %mul3A_656, %add3A_664 : vector<16x32xf32>
    %min3A_666 = arith.constant 0.899999976 : f32
    %min3A_667 = vector.broadcast %min3A_666 : f32 to vector<16x32xf32>
    %min3A_668 = arith.minimumf %get3A_18, %min3A_667 : vector<16x32xf32>
    %min3A_669 = arith.constant 7.800000e-01 : f32
    %min3A_670 = vector.broadcast %min3A_669 : f32 to vector<16x32xf32>
    %min3A_671 = arith.minimumf %get3A_23, %min3A_670 : vector<16x32xf32>
    %mul3A_672 = arith.mulf %min3A_668, %min3A_671 : vector<16x32xf32>
    %mul3A_673 = arith.mulf %get3A_18, %get3A_23 : vector<16x32xf32>
    %add3A_674 = arith.constant 7.020000e-01 : f32
    %add3A_675 = vector.broadcast %add3A_674 : f32 to vector<16x32xf32>
    %add3A_676 = arith.addf %mul3A_673, %add3A_675 : vector<16x32xf32>
    %sub3A_677 = arith.subf %add3A_676, %mul3A_672 : vector<16x32xf32>
    %add3A_678 = arith.constant 9.99999997E-7 : f32
    %add3A_679 = vector.broadcast %add3A_678 : f32 to vector<16x32xf32>
    %add3A_680 = arith.addf %sub3A_677, %add3A_679 : vector<16x32xf32>
    %div3A_681 = arith.divf %mul3A_672, %add3A_680 : vector<16x32xf32>
    %broadcast_in_dim3A_682 = arith.constant 0 : i32
    %broadcast_in_dim3A_683 = vector.broadcast %broadcast_in_dim3A_682 : i32 to vector<16x32xi32>
    %gt3A_684 = arith.cmpf ogt, %div3A_665, %div3A_649 : vector<16x32xf32>
    %jit3A_685 = arith.constant 1 : i32
    %broadcast_in_dim3A_686 = vector.broadcast %jit3A_685 : i32 to vector<16x32xi32>
    %select_n3A_687 = arith.select %gt3A_684, %broadcast_in_dim3A_686, %broadcast_in_dim3A_683 : vector<16x32xi1>, vector<16x32xi32>
    %max3A_688 = arith.maximumf %div3A_649, %div3A_665 : vector<16x32xf32>
    %gt3A_689 = arith.cmpf ogt, %div3A_681, %max3A_688 : vector<16x32xf32>
    %jit3A_690 = arith.constant 2 : i32
    %broadcast_in_dim3A_691 = vector.broadcast %jit3A_690 : i32 to vector<16x32xi32>
    %select_n3A_692 = arith.select %gt3A_689, %broadcast_in_dim3A_691, %select_n3A_687 : vector<16x32xi1>, vector<16x32xi32>
    %eq3A_693 = arith.constant 0 : i32
    %eq3A_694 = vector.broadcast %eq3A_693 : i32 to vector<16x32xi32>
    %eq3A_695 = arith.cmpi eq, %select_n3A_692, %eq3A_694 : vector<16x32xi32>
    %eq3A_696 = arith.constant 1 : i32
    %eq3A_697 = vector.broadcast %eq3A_696 : i32 to vector<16x32xi32>
    %eq3A_698 = arith.cmpi eq, %select_n3A_692, %eq3A_697 : vector<16x32xi32>
    %jit3A_699 = arith.constant 3.800000e-01 : f32
    %jit3A_700 = arith.constant 0.899999976 : f32
    %broadcast_in_dim3A_701 = vector.broadcast %jit3A_699 : f32 to vector<16x32xf32>
    %broadcast_in_dim3A_702 = vector.broadcast %jit3A_700 : f32 to vector<16x32xf32>
    %select_n3A_703 = arith.select %eq3A_698, %broadcast_in_dim3A_701, %broadcast_in_dim3A_702 : vector<16x32xi1>, vector<16x32xf32>
    %jit3A_704 = arith.constant 2.800000e-01 : f32
    %broadcast_in_dim3A_705 = vector.broadcast %jit3A_704 : f32 to vector<16x32xf32>
    %select_n3A_706 = arith.select %eq3A_695, %broadcast_in_dim3A_705, %select_n3A_703 : vector<16x32xi1>, vector<16x32xf32>
    %eq3A_707 = arith.constant 0 : i32
    %eq3A_708 = vector.broadcast %eq3A_707 : i32 to vector<16x32xi32>
    %eq3A_709 = arith.cmpi eq, %select_n3A_692, %eq3A_708 : vector<16x32xi32>
    %eq3A_710 = arith.constant 1 : i32
    %eq3A_711 = vector.broadcast %eq3A_710 : i32 to vector<16x32xi32>
    %eq3A_712 = arith.cmpi eq, %select_n3A_692, %eq3A_711 : vector<16x32xi32>
    %jit3A_713 = arith.constant 4.800000e-01 : f32
    %jit3A_714 = arith.constant 7.800000e-01 : f32
    %broadcast_in_dim3A_715 = vector.broadcast %jit3A_713 : f32 to vector<16x32xf32>
    %broadcast_in_dim3A_716 = vector.broadcast %jit3A_714 : f32 to vector<16x32xf32>
    %select_n3A_717 = arith.select %eq3A_712, %broadcast_in_dim3A_715, %broadcast_in_dim3A_716 : vector<16x32xi1>, vector<16x32xf32>
    %jit3A_718 = arith.constant 2.200000e-01 : f32
    %broadcast_in_dim3A_719 = vector.broadcast %jit3A_718 : f32 to vector<16x32xf32>
    %select_n3A_720 = arith.select %eq3A_709, %broadcast_in_dim3A_719, %select_n3A_717 : vector<16x32xi1>, vector<16x32xf32>
    %mul3A_721 = arith.constant 2.000000e+01 : f32
    %mul3A_722 = vector.broadcast %mul3A_721 : f32 to vector<16x32xf32>
    %mul3A_723 = arith.mulf %get3A_8, %mul3A_722 : vector<16x32xf32>
    %convert_element_type3A_724 = arith.fptosi %mul3A_723 : vector<16x32xf32> to vector<16x32xi32>
    %jit3A_725 = arith.constant 0 : i32
    %jit3A_726 = arith.constant 19 : i32
    %max3A_727 = vector.broadcast %jit3A_725 : i32 to vector<16x32xi32>
    %max3A_728 = arith.maxsi %max3A_727, %convert_element_type3A_724 : vector<16x32xi32>
    %min3A_729 = vector.broadcast %jit3A_726 : i32 to vector<16x32xi32>
    %min3A_730 = arith.minsi %min3A_729, %max3A_728 : vector<16x32xi32>
    %mul3A_731 = arith.constant 2.000000e+01 : f32
    %mul3A_732 = vector.broadcast %mul3A_731 : f32 to vector<16x32xf32>
    %mul3A_733 = arith.mulf %get3A_13, %mul3A_732 : vector<16x32xf32>
    %convert_element_type3A_734 = arith.fptosi %mul3A_733 : vector<16x32xf32> to vector<16x32xi32>
    %jit3A_735 = arith.constant 0 : i32
    %jit3A_736 = arith.constant 19 : i32
    %max3A_737 = vector.broadcast %jit3A_735 : i32 to vector<16x32xi32>
    %max3A_738 = arith.maxsi %max3A_737, %convert_element_type3A_734 : vector<16x32xi32>
    %min3A_739 = vector.broadcast %jit3A_736 : i32 to vector<16x32xi32>
    %min3A_740 = arith.minsi %min3A_739, %max3A_738 : vector<16x32xi32>
    %mul3A_741 = arith.constant 3 : i32
    %mul3A_742 = vector.broadcast %mul3A_741 : i32 to vector<16x32xi32>
    %mul3A_743 = arith.muli %iota3A, %mul3A_742 : vector<16x32xi32>
    %add3A_744 = arith.addi %mul3A_743, %select_n3A_692 : vector<16x32xi32>
    %mul3A_745 = arith.constant 20 : i32
    %mul3A_746 = vector.broadcast %mul3A_745 : i32 to vector<16x32xi32>
    %mul3A_747 = arith.muli %add3A_744, %mul3A_746 : vector<16x32xi32>
    %add3A_748 = arith.addi %mul3A_747, %min3A_740 : vector<16x32xi32>
    %mul3A_749 = arith.constant 20 : i32
    %mul3A_750 = vector.broadcast %mul3A_749 : i32 to vector<16x32xi32>
    %mul3A_751 = arith.muli %add3A_748, %mul3A_750 : vector<16x32xi32>
    %add3A_752 = arith.addi %mul3A_751, %min3A_730 : vector<16x32xi32>
    %broadcast_in_dim3A_753 = vector.shape_cast %add3A_752 : vector<16x32xi32> to vector<16x1x32xi32>
    %broadcast_in_dim3A_754 = vector.shape_cast %add3A_752 : vector<16x32xi32> to vector<16x32x1xi32>
    %eq3A_755 = vector.broadcast %broadcast_in_dim3A_753 : vector<16x1x32xi32> to vector<16x32x32xi32>
    %eq3A_756 = vector.broadcast %broadcast_in_dim3A_754 : vector<16x32x1xi32> to vector<16x32x32xi32>
    %eq3A_757 = arith.cmpi eq, %eq3A_755, %eq3A_756 : vector<16x32x32xi32>
    %iota3A_758 = tpu.iota {dimensions = array<i32: 1>} : vector<32x32xi32>
    %iota3A_759 = tpu.iota {dimensions = array<i32: 0>} : vector<32x32xi32>
    %gt3A_760 = arith.cmpi sgt, %iota3A_758, %iota3A_759 : vector<32x32xi32>
    %broadcast_in_dim3A_761 = vector.shape_cast %gt3A_760 : vector<32x32xi1> to vector<1x32x32xi1>
    %and3A_762 = vector.broadcast %broadcast_in_dim3A_761 : vector<1x32x32xi1> to vector<16x32x32xi1>
    %and3A_763 = arith.andi %eq3A_757, %and3A_762 : vector<16x32x32xi1>
    %broadcast_in_dim3A_764 = vector.shape_cast %and3A : vector<16x32xi1> to vector<16x1x32xi1>
    %and3A_765 = vector.broadcast %broadcast_in_dim3A_764 : vector<16x1x32xi1> to vector<16x32x32xi1>
    %and3A_766 = arith.andi %and3A_763, %and3A_765 : vector<16x32x32xi1>
    %convert_element_type3A_767 = arith.extui %and3A_766 : vector<16x32x32xi1> to vector<16x32x32xi32>
    %convert_element_type3A_768 = arith.sitofp %convert_element_type3A_767 : vector<16x32x32xi32> to vector<16x32x32xf32>
    %reduce_sum3A_769 = arith.constant dense<0.000000e+00> : vector<16x32xf32>
    %reduce_sum3A_770 = vector.multi_reduction <add>, %convert_element_type3A_768, %reduce_sum3A_769 [2] : vector<16x32x32xf32> to vector<16x32xf32>
    %gt3A_771 = arith.constant 0.000000e+00 : f32
    %gt3A_772 = vector.broadcast %gt3A_771 : f32 to vector<16x32xf32>
    %gt3A_773 = arith.cmpf ogt, %reduce_sum3A_770, %gt3A_772 : vector<16x32xf32>
    %convert_element_type3A_774 = arith.extui %gt3A_773 : vector<16x32xi1> to vector<16x32xi32>
    %convert_element_type3A_775 = arith.sitofp %convert_element_type3A_774 : vector<16x32xi32> to vector<16x32xf32>
    %sub3A_776 = arith.constant 1.000000e+00 : f32
    %sub3A_777 = vector.broadcast %sub3A_776 : f32 to vector<16x32xf32>
    %sub3A_778 = arith.subf %sub3A_777, %convert_element_type3A_775 : vector<16x32xf32>
    %mul3A_779 = arith.mulf %convert_element_type3A_29, %sub3A_778 : vector<16x32xf32>
    %reduce_sum3A_780 = vector.shape_cast %mul3A_779 : vector<16x32xf32> to vector<1x16x32xf32>
    %reduce_sum3A_781 = arith.constant dense<0.000000e+00> : vector<1xf32>
    %reduce_sum3A_782 = vector.multi_reduction <add>, %reduce_sum3A_780, %reduce_sum3A_781 [1, 2] : vector<1x16x32xf32> to vector<1xf32>
    %reduce_sum3A_783 = vector.shape_cast %reduce_sum3A_782 : vector<1xf32> to vector<1x1x1xf32>
    %reduce_sum3A_784 = vector.extract %reduce_sum3A_783[0, 0, 0] : f32 from vector<1x1x1xf32>
    %mul3A_785 = arith.constant 2.000000e+01 : f32
    %mul3A_786 = vector.broadcast %mul3A_785 : f32 to vector<16x32xf32>
    %mul3A_787 = arith.mulf %get3A_8, %mul3A_786 : vector<16x32xf32>
    %convert_element_type3A_788 = arith.sitofp %min3A_730 : vector<16x32xi32> to vector<16x32xf32>
    %sub3A_789 = arith.subf %mul3A_787, %convert_element_type3A_788 : vector<16x32xf32>
    %mul3A_790 = arith.constant 2.000000e+01 : f32
    %mul3A_791 = vector.broadcast %mul3A_790 : f32 to vector<16x32xf32>
    %mul3A_792 = arith.mulf %get3A_13, %mul3A_791 : vector<16x32xf32>
    %convert_element_type3A_793 = arith.sitofp %min3A_740 : vector<16x32xi32> to vector<16x32xf32>
    %sub3A_794 = arith.subf %mul3A_792, %convert_element_type3A_793 : vector<16x32xf32>
    %div3A_795 = arith.divf %get3A_18, %select_n3A_706 : vector<16x32xf32>
    %add3A_796 = arith.constant 9.99999997E-7 : f32
    %add3A_797 = vector.broadcast %add3A_796 : f32 to vector<16x32xf32>
    %add3A_798 = arith.addf %div3A_795, %add3A_797 : vector<16x32xf32>
    %log3A_799 = math.log %add3A_798 : vector<16x32xf32>
    %div3A_800 = arith.divf %get3A_23, %select_n3A_720 : vector<16x32xf32>
    %add3A_801 = arith.constant 9.99999997E-7 : f32
    %add3A_802 = vector.broadcast %add3A_801 : f32 to vector<16x32xf32>
    %add3A_803 = arith.addf %div3A_800, %add3A_802 : vector<16x32xf32>
    %log3A_804 = math.log %add3A_803 : vector<16x32xf32>
    %swap3A_805 = arith.constant 2 : index
    %swap3A_806 = arith.constant 0 : index
    %swap3A_807 = arith.constant 0 : index
    %swap3A_808 = arith.constant 0 : index
    %swap3A_809 = vector.load %arg1[%swap3A_805, %swap3A_806, %swap3A_807, %swap3A_808] : memref<3x8x16x32xf32, #tpu.memory_space<vmem>>, vector<1x1x16x32xf32>
    %swap3A_810 = vector.shape_cast %swap3A_809 : vector<1x1x16x32xf32> to vector<16x32xf32>
    %swap3A_811 = vector.shape_cast %sub3A_789 : vector<16x32xf32> to vector<1x1x16x32xf32>
    tpu.vector_store %arg1[%swap3A_805, %swap3A_806, %swap3A_807, %swap3A_808], %swap3A_811 {strides = array<i32>} : memref<3x8x16x32xf32, #tpu.memory_space<vmem>>, vector<1x1x16x32xf32>,
    %swap3A_812 = arith.constant 2 : index
    %swap3A_813 = arith.constant 1 : index
    %swap3A_814 = arith.constant 0 : index
    %swap3A_815 = arith.constant 0 : index
    %swap3A_816 = vector.load %arg1[%swap3A_812, %swap3A_813, %swap3A_814, %swap3A_815] : memref<3x8x16x32xf32, #tpu.memory_space<vmem>>, vector<1x1x16x32xf32>
    %swap3A_817 = vector.shape_cast %swap3A_816 : vector<1x1x16x32xf32> to vector<16x32xf32>
    %swap3A_818 = vector.shape_cast %sub3A_794 : vector<16x32xf32> to vector<1x1x16x32xf32>
    tpu.vector_store %arg1[%swap3A_812, %swap3A_813, %swap3A_814, %swap3A_815], %swap3A_818 {strides = array<i32>} : memref<3x8x16x32xf32, #tpu.memory_space<vmem>>, vector<1x1x16x32xf32>,
    %swap3A_819 = arith.constant 2 : index
    %swap3A_820 = arith.constant 2 : index
    %swap3A_821 = arith.constant 0 : index
    %swap3A_822 = arith.constant 0 : index
    %swap3A_823 = vector.load %arg1[%swap3A_819, %swap3A_820, %swap3A_821, %swap3A_822] : memref<3x8x16x32xf32, #tpu.memory_space<vmem>>, vector<1x1x16x32xf32>
    %swap3A_824 = vector.shape_cast %swap3A_823 : vector<1x1x16x32xf32> to vector<16x32xf32>
    %swap3A_825 = vector.shape_cast %log3A_799 : vector<16x32xf32> to vector<1x1x16x32xf32>
    tpu.vector_store %arg1[%swap3A_819, %swap3A_820, %swap3A_821, %swap3A_822], %swap3A_825 {strides = array<i32>} : memref<3x8x16x32xf32, #tpu.memory_space<vmem>>, vector<1x1x16x32xf32>,
    %swap3A_826 = arith.constant 2 : index
    %swap3A_827 = arith.constant 3 : index
    %swap3A_828 = arith.constant 0 : index
    %swap3A_829 = arith.constant 0 : index
    %swap3A_830 = vector.load %arg1[%swap3A_826, %swap3A_827, %swap3A_828, %swap3A_829] : memref<3x8x16x32xf32, #tpu.memory_space<vmem>>, vector<1x1x16x32xf32>
    %swap3A_831 = vector.shape_cast %swap3A_830 : vector<1x1x16x32xf32> to vector<16x32xf32>
    %swap3A_832 = vector.shape_cast %log3A_804 : vector<16x32xf32> to vector<1x1x16x32xf32>
    tpu.vector_store %arg1[%swap3A_826, %swap3A_827, %swap3A_828, %swap3A_829], %swap3A_832 {strides = array<i32>} : memref<3x8x16x32xf32, #tpu.memory_space<vmem>>, vector<1x1x16x32xf32>,
    %swap3A_833 = arith.constant 2 : index
    %swap3A_834 = arith.constant 4 : index
    %swap3A_835 = arith.constant 0 : index
    %swap3A_836 = arith.constant 0 : index
    %swap3A_837 = vector.load %arg1[%swap3A_833, %swap3A_834, %swap3A_835, %swap3A_836] : memref<3x8x16x32xf32, #tpu.memory_space<vmem>>, vector<1x1x16x32xf32>
    %swap3A_838 = vector.shape_cast %swap3A_837 : vector<1x1x16x32xf32> to vector<16x32xf32>
    %swap3A_839 = vector.shape_cast %mul3A_779 : vector<16x32xf32> to vector<1x1x16x32xf32>
    tpu.vector_store %arg1[%swap3A_833, %swap3A_834, %swap3A_835, %swap3A_836], %swap3A_839 {strides = array<i32>} : memref<3x8x16x32xf32, #tpu.memory_space<vmem>>, vector<1x1x16x32xf32>,
    %swap3A_840 = arith.constant 2 : index
    %swap3A_841 = arith.constant 5 : index
    %swap3A_842 = arith.constant 0 : index
    %swap3A_843 = arith.constant 0 : index
    %swap3A_844 = vector.load %arg1[%swap3A_840, %swap3A_841, %swap3A_842, %swap3A_843] : memref<3x8x16x32xf32, #tpu.memory_space<vmem>>, vector<1x1x16x32xf32>
    %swap3A_845 = vector.shape_cast %swap3A_844 : vector<1x1x16x32xf32> to vector<16x32xf32>
    %swap3A_846 = vector.shape_cast %get3A_3 : vector<16x32xf32> to vector<1x1x16x32xf32>
    tpu.vector_store %arg1[%swap3A_840, %swap3A_841, %swap3A_842, %swap3A_843], %swap3A_846 {strides = array<i32>} : memref<3x8x16x32xf32, #tpu.memory_space<vmem>>, vector<1x1x16x32xf32>,
    %broadcast_in_dim3A_847 = vector.broadcast %reduce_sum3A_784 : f32 to vector<16x32xf32>
    %swap3A_848 = arith.constant 2 : index
    %swap3A_849 = arith.constant 6 : index
    %swap3A_850 = arith.constant 0 : index
    %swap3A_851 = arith.constant 0 : index
    %swap3A_852 = vector.load %arg1[%swap3A_848, %swap3A_849, %swap3A_850, %swap3A_851] : memref<3x8x16x32xf32, #tpu.memory_space<vmem>>, vector<1x1x16x32xf32>
    %swap3A_853 = vector.shape_cast %swap3A_852 : vector<1x1x16x32xf32> to vector<16x32xf32>
    %swap3A_854 = vector.shape_cast %broadcast_in_dim3A_847 : vector<16x32xf32> to vector<1x1x16x32xf32>
    tpu.vector_store %arg1[%swap3A_848, %swap3A_849, %swap3A_850, %swap3A_851], %swap3A_854 {strides = array<i32>} : memref<3x8x16x32xf32, #tpu.memory_space<vmem>>, vector<1x1x16x32xf32>,
    %mul3A_855 = arith.constant 255 : i32
    %mul3A_856 = vector.broadcast %mul3A_855 : i32 to vector<16x32xi32>
    %mul3A_857 = arith.muli %iota3A, %mul3A_856 : vector<16x32xi32>
    %mul3A_858 = arith.constant 85 : i32
    %mul3A_859 = vector.broadcast %mul3A_858 : i32 to vector<16x32xi32>
    %mul3A_860 = arith.muli %select_n3A_692, %mul3A_859 : vector<16x32xi32>
    %add3A_861 = arith.addi %mul3A_857, %mul3A_860 : vector<16x32xi32>
    %mul3A_862 = arith.constant 20 : i32
    %mul3A_863 = vector.broadcast %mul3A_862 : i32 to vector<16x32xi32>
    %mul3A_864 = arith.muli %add3A_861, %mul3A_863 : vector<16x32xi32>
    %add3A_865 = arith.addi %mul3A_864, %min3A_740 : vector<16x32xi32>
    %mul3A_866 = arith.constant 20 : i32
    %mul3A_867 = vector.broadcast %mul3A_866 : i32 to vector<16x32xi32>
    %mul3A_868 = arith.muli %add3A_865, %mul3A_867 : vector<16x32xi32>
    %add3A_869 = arith.addi %mul3A_868, %min3A_730 : vector<16x32xi32>
    %jit3A_870 = arith.constant 8 : i32
    %eq3A_871 = arith.constant 0 : i32
    %eq3A_872 = arith.cmpi eq, %jit3A_870, %eq3A_871 : i32
    %jit3A_873 = arith.constant 1 : i32
    %select_n3A_874 = arith.select %eq3A_872, %jit3A_873, %jit3A_870 : i32
    %rem3A_875 = vector.broadcast %select_n3A_874 : i32 to vector<16x32xi32>
    %rem3A_876 = arith.remsi %add3A_869, %rem3A_875 : vector<16x32xi32>
    %ne3A_877 = arith.constant 0 : i32
    %ne3A_878 = vector.broadcast %ne3A_877 : i32 to vector<16x32xi32>
    %ne3A_879 = arith.cmpi ne, %rem3A_876, %ne3A_878 : vector<16x32xi32>
    %lt3A_880 = arith.constant 0 : i32
    %lt3A_881 = vector.broadcast %lt3A_880 : i32 to vector<16x32xi32>
    %lt3A_882 = arith.cmpi slt, %rem3A_876, %lt3A_881 : vector<16x32xi32>
    %lt3A_883 = arith.constant 0 : i32
    %lt3A_884 = arith.cmpi slt, %select_n3A_874, %lt3A_883 : i32
    %ne3A_885 = vector.broadcast %lt3A_884 : i1 to vector<16x32xi1>
    %ne3A_886 = vector.broadcast %ne3A_885 : vector<16x32xi1> to vector<16x32xi1>
    %ne3A_887 = arith.xori %lt3A_882, %ne3A_886 : vector<16x32xi1>
    %and3A_888 = arith.andi %ne3A_887, %ne3A_879 : vector<16x32xi1>
    %add3A_889 = vector.broadcast %select_n3A_874 : i32 to vector<16x32xi32>
    %add3A_890 = arith.addi %rem3A_876, %add3A_889 : vector<16x32xi32>
    %select_n3A_891 = arith.select %and3A_888, %add3A_890, %rem3A_876 : vector<16x32xi1>, vector<16x32xi32>
    %convert_element_type3A_892 = arith.sitofp %select_n3A_891 : vector<16x32xi32> to vector<16x32xf32>
    %swap3A_893 = arith.constant 2 : index
    %swap3A_894 = arith.constant 7 : index
    %swap3A_895 = arith.constant 0 : index
    %swap3A_896 = arith.constant 0 : index
    %swap3A_897 = vector.load %arg1[%swap3A_893, %swap3A_894, %swap3A_895, %swap3A_896] : memref<3x8x16x32xf32, #tpu.memory_space<vmem>>, vector<1x1x16x32xf32>
    %swap3A_898 = vector.shape_cast %swap3A_897 : vector<1x1x16x32xf32> to vector<16x32xf32>
    %swap3A_899 = vector.shape_cast %convert_element_type3A_892 : vector<16x32xf32> to vector<1x1x16x32xf32>
    tpu.vector_store %arg1[%swap3A_893, %swap3A_894, %swap3A_895, %swap3A_896], %swap3A_899 {strides = array<i32>} : memref<3x8x16x32xf32, #tpu.memory_space<vmem>>, vector<1x1x16x32xf32>,
    %jit3A_900 = arith.constant 8 : i32
    %div3A_901 = vector.broadcast %jit3A_900 : i32 to vector<16x32xi32>
    %div3A_902 = arith.divsi %add3A_869, %div3A_901 : vector<16x32xi32>
    %sign3A_903 = arith.constant 0 : i32
    %sign3A_904 = vector.broadcast %sign3A_903 : i32 to vector<16x32xi32>
    %sign3A_905 = arith.cmpi sgt, %add3A_869, %sign3A_904 : vector<16x32xi32>
    %sign3A_906 = arith.extui %sign3A_905 : vector<16x32xi1> to vector<16x32xi32>
    %sign3A_907 = arith.constant 0 : i32
    %sign3A_908 = vector.broadcast %sign3A_907 : i32 to vector<16x32xi32>
    %sign3A_909 = arith.cmpi slt, %add3A_869, %sign3A_908 : vector<16x32xi32>
    %sign3A_910 = arith.extui %sign3A_909 : vector<16x32xi1> to vector<16x32xi32>
    %sign3A_911 = arith.subi %sign3A_906, %sign3A_910 : vector<16x32xi32>
    %sign3A_912 = arith.constant 0 : i32
    %sign3A_913 = arith.cmpi sgt, %jit3A_900, %sign3A_912 : i32
    %sign3A_914 = arith.extui %sign3A_913 : i1 to i32
    %sign3A_915 = arith.constant 0 : i32
    %sign3A_916 = arith.cmpi slt, %jit3A_900, %sign3A_915 : i32
    %sign3A_917 = arith.extui %sign3A_916 : i1 to i32
    %sign3A_918 = arith.subi %sign3A_914, %sign3A_917 : i32
    %ne3A_919 = vector.broadcast %sign3A_918 : i32 to vector<16x32xi32>
    %ne3A_920 = arith.cmpi ne, %sign3A_911, %ne3A_919 : vector<16x32xi32>
    %rem3A_921 = vector.broadcast %jit3A_900 : i32 to vector<16x32xi32>
    %rem3A_922 = arith.remsi %add3A_869, %rem3A_921 : vector<16x32xi32>
    %ne3A_923 = arith.constant 0 : i32
    %ne3A_924 = vector.broadcast %ne3A_923 : i32 to vector<16x32xi32>
    %ne3A_925 = arith.cmpi ne, %rem3A_922, %ne3A_924 : vector<16x32xi32>
    %and3A_926 = arith.andi %ne3A_920, %ne3A_925 : vector<16x32xi1>
    %sub3A_927 = arith.constant 1 : i32
    %sub3A_928 = vector.broadcast %sub3A_927 : i32 to vector<16x32xi32>
    %sub3A_929 = arith.subi %div3A_902, %sub3A_928 : vector<16x32xi32>
    %select_n3A_930 = arith.select %and3A_926, %sub3A_929, %div3A_902 : vector<16x32xi1>, vector<16x32xi32>
    %broadcast_in_dim3A_931 = vector.shape_cast %select_n3A_930 : vector<16x32xi32> to vector<16x32x1xi32>
    %mul3A_932 = arith.constant 50 : i32
    %mul3A_933 = vector.broadcast %mul3A_932 : i32 to vector<16x32x85xi32>
    %mul3A_934 = arith.muli %iota3A_30, %mul3A_933 : vector<16x32x85xi32>
    %add3A_935 = vector.broadcast %broadcast_in_dim3A_931 : vector<16x32x1xi32> to vector<16x32x85xi32>
    %add3A_936 = arith.addi %add3A_935, %mul3A_934 : vector<16x32x85xi32>
    %swap3A_937 = arith.constant 2 : index
    %swap3A_938 = arith.constant 0 : index
    %swap3A_939 = arith.constant 0 : index
    %swap3A_940 = arith.constant 0 : index
    %swap3A_941 = vector.load %arg2[%swap3A_937, %swap3A_938, %swap3A_939, %swap3A_940] : memref<3x16x32x85xi32, #tpu.memory_space<vmem>>, vector<1x16x32x85xi32>
    %swap3A_942 = vector.shape_cast %swap3A_941 : vector<1x16x32x85xi32> to vector<16x32x85xi32>
    %swap3A_943 = vector.shape_cast %add3A_936 : vector<16x32x85xi32> to vector<1x16x32x85xi32>
    tpu.vector_store %arg2[%swap3A_937, %swap3A_938, %swap3A_939, %swap3A_940], %swap3A_943 {strides = array<i32>} : memref<3x16x32x85xi32, #tpu.memory_space<vmem>>, vector<1x16x32x85xi32>,
    return
  }
}

module attributes {stable_mosaic.version = 14 : i64} {
  func.func @_dense_kernel(%arg0: i32, %arg1: i32, %arg2: memref<1x1x20x20xf32, #tpu.memory_space<vmem>>, %arg3: memref<8x128xf32, #tpu.memory_space<vmem>>) attributes {dimension_semantics = [#tpu.dimension_semantics<arbitrary>, #tpu.dimension_semantics<arbitrary>], iteration_bounds = array<i64: 3, 16>, scalar_prefetch = 0 : i64, scratch_operands = 0 : i64, tpu.core_type = #tpu.core_type<tc>, window_params = [{transform_indices = @transform_0, window_bounds = array<i64: 1, 1, 20, 20>}, {pipeline_mode = #tpu.pipeline_mode<synchronous>, transform_indices = @transform_1, window_bounds = array<i64: 8, 128>}]} {
    %eq3A = arith.constant 0 : i32
    %eq3A_0 = arith.cmpi eq, %arg0, %eq3A : i32
    %eq3A_1 = arith.constant 0 : i32
    %eq3A_2 = arith.cmpi eq, %arg1, %eq3A_1 : i32
    %and3A = arith.andi %eq3A_0, %eq3A_2 : i1
    %convert_element_type3A = arith.extui %and3A : i1 to i32
    %cond3A = arith.constant 0 : i32
    %cond3A_3 = arith.cmpi ne, %convert_element_type3A, %cond3A : i32
    scf.if %cond3A_3 {
      %broadcast_in_dim3A_42 = arith.constant 0.000000e+00 : f32
      %broadcast_in_dim3A_43 = vector.broadcast %broadcast_in_dim3A_42 : f32 to vector<8x128xf32>
      %swap3A_44 = arith.constant 0 : index
      %swap3A_45 = arith.constant 0 : index
      %swap3A_46 = vector.load %arg3[%swap3A_44, %swap3A_45] : memref<8x128xf32, #tpu.memory_space<vmem>>, vector<8x128xf32>
      tpu.vector_store %arg3[%swap3A_44, %swap3A_45], %broadcast_in_dim3A_43 {strides = array<i32>} : memref<8x128xf32, #tpu.memory_space<vmem>>, vector<8x128xf32>,
    } else {
    }
    %get3A = arith.constant 0 : index
    %get3A_4 = arith.constant 0 : index
    %get3A_5 = arith.constant 0 : index
    %get3A_6 = arith.constant 0 : index
    %get3A_7 = vector.load %arg2[%get3A, %get3A_4, %get3A_5, %get3A_6] : memref<1x1x20x20xf32, #tpu.memory_space<vmem>>, vector<1x1x20x20xf32>
    %get3A_8 = vector.shape_cast %get3A_7 : vector<1x1x20x20xf32> to vector<20x20xf32>
    %abs3A = math.absf %get3A_8 : vector<20x20xf32>
    %neg3A = arith.constant 0.000000e+00 : f32
    %neg3A_9 = vector.broadcast %neg3A : f32 to vector<20x20xf32>
    %neg3A_10 = arith.subf %neg3A_9, %abs3A : vector<20x20xf32>
    %exp3A = math.exp %neg3A_10 : vector<20x20xf32>
    %add3A = arith.constant 1.000000e+00 : f32
    %add3A_11 = vector.broadcast %add3A : f32 to vector<20x20xf32>
    %add3A_12 = arith.addf %add3A_11, %exp3A : vector<20x20xf32>
    %div3A = arith.constant 1.000000e+00 : f32
    %div3A_13 = vector.broadcast %div3A : f32 to vector<20x20xf32>
    %div3A_14 = arith.divf %div3A_13, %add3A_12 : vector<20x20xf32>
    %max3A = arith.constant 0.000000e+00 : f32
    %max3A_15 = vector.broadcast %max3A : f32 to vector<20x20xf32>
    %max3A_16 = arith.maximumf %get3A_8, %max3A_15 : vector<20x20xf32>
    %log1p3A = math.log1p %exp3A : vector<20x20xf32>
    %add3A_17 = arith.addf %max3A_16, %log1p3A : vector<20x20xf32>
    %ge3A = arith.constant 0.000000e+00 : f32
    %ge3A_18 = vector.broadcast %ge3A : f32 to vector<20x20xf32>
    %ge3A_19 = arith.cmpf oge, %get3A_8, %ge3A_18 : vector<20x20xf32>
    %mul3A = arith.mulf %exp3A, %div3A_14 : vector<20x20xf32>
    %select_n3A = arith.select %ge3A_19, %div3A_14, %mul3A : vector<20x20xi1>, vector<20x20xf32>
    %mul3A_20 = arith.mulf %add3A_17, %select_n3A : vector<20x20xf32>
    %mul3A_21 = arith.mulf %mul3A_20, %select_n3A : vector<20x20xf32>
    %reduce_sum3A = vector.shape_cast %mul3A_21 : vector<20x20xf32> to vector<1x20x20xf32>
    %reduce_sum3A_22 = arith.constant dense<0.000000e+00> : vector<1xf32>
    %reduce_sum3A_23 = vector.multi_reduction <add>, %reduce_sum3A, %reduce_sum3A_22 [1, 2] : vector<1x20x20xf32> to vector<1xf32>
    %reduce_sum3A_24 = vector.shape_cast %reduce_sum3A_23 : vector<1xf32> to vector<1x1x1xf32>
    %reduce_sum3A_25 = vector.extract %reduce_sum3A_24[0, 0, 0] : f32 from vector<1x1x1xf32>
    %iota3A = tpu.iota {dimensions = array<i32: 0>} : vector<8x128xi32>
    %iota3A_26 = tpu.iota {dimensions = array<i32: 1>} : vector<8x128xi32>
    %get3A_27 = arith.constant 0 : index
    %get3A_28 = arith.constant 0 : index
    %get3A_29 = vector.load %arg3[%get3A_27, %get3A_28] : memref<8x128xf32, #tpu.memory_space<vmem>>, vector<8x128xf32>
    %eq3A_30 = arith.constant 0 : i32
    %eq3A_31 = vector.broadcast %eq3A_30 : i32 to vector<8x128xi32>
    %eq3A_32 = arith.cmpi eq, %iota3A, %eq3A_31 : vector<8x128xi32>
    %eq3A_33 = arith.constant 0 : i32
    %eq3A_34 = vector.broadcast %eq3A_33 : i32 to vector<8x128xi32>
    %eq3A_35 = arith.cmpi eq, %iota3A_26, %eq3A_34 : vector<8x128xi32>
    %and3A_36 = arith.andi %eq3A_32, %eq3A_35 : vector<8x128xi1>
    %jit3A = arith.constant 0.000000e+00 : f32
    %broadcast_in_dim3A = vector.broadcast %reduce_sum3A_25 : f32 to vector<8x128xf32>
    %broadcast_in_dim3A_37 = vector.broadcast %jit3A : f32 to vector<8x128xf32>
    %select_n3A_38 = arith.select %and3A_36, %broadcast_in_dim3A, %broadcast_in_dim3A_37 : vector<8x128xi1>, vector<8x128xf32>
    %add3A_39 = arith.addf %get3A_29, %select_n3A_38 : vector<8x128xf32>
    %swap3A = arith.constant 0 : index
    %swap3A_40 = arith.constant 0 : index
    %swap3A_41 = vector.load %arg3[%swap3A, %swap3A_40] : memref<8x128xf32, #tpu.memory_space<vmem>>, vector<8x128xf32>
    tpu.vector_store %arg3[%swap3A, %swap3A_40], %add3A_39 {strides = array<i32>} : memref<8x128xf32, #tpu.memory_space<vmem>>, vector<8x128xf32>,
    return
  }
  func.func @transform_0(%arg0: i32, %arg1: i32) -> (i32, i32, i32, i32) {
    %mul3A = arith.constant 85 : i32
    %mul3A_0 = arith.muli %arg0, %mul3A : i32
    %add3A = arith.constant 4 : i32
    %add3A_1 = arith.addi %mul3A_0, %add3A : i32
    %c0_i32 = arith.constant 0 : i32
    %c0_i32_2 = arith.constant 0 : i32
    %c0_i32_3 = arith.constant 0 : i32
    return %arg1, %add3A_1, %c0_i32, %c0_i32_2 : i32, i32, i32, i32
  }
  func.func @transform_1(%arg0: i32, %arg1: i32) -> (i32, i32) {
    %c0_i32 = arith.constant 0 : i32
    %c0_i32_0 = arith.constant 0 : i32
    %c0_i32_1 = arith.constant 0 : i32
    return %c0_i32, %c0_i32_0 : i32, i32
  }
}

module attributes {stable_mosaic.version = 14 : i64} {
  func.func @_dense_kernel(%arg0: i32, %arg1: i32, %arg2: memref<1x1x40x40xf32, #tpu.memory_space<vmem>>, %arg3: memref<8x128xf32, #tpu.memory_space<vmem>>) attributes {dimension_semantics = [#tpu.dimension_semantics<arbitrary>, #tpu.dimension_semantics<arbitrary>], iteration_bounds = array<i64: 3, 16>, scalar_prefetch = 0 : i64, scratch_operands = 0 : i64, tpu.core_type = #tpu.core_type<tc>, window_params = [{transform_indices = @transform_0, window_bounds = array<i64: 1, 1, 40, 40>}, {pipeline_mode = #tpu.pipeline_mode<synchronous>, transform_indices = @transform_1, window_bounds = array<i64: 8, 128>}]} {
    %eq3A = arith.constant 0 : i32
    %eq3A_0 = arith.cmpi eq, %arg0, %eq3A : i32
    %eq3A_1 = arith.constant 0 : i32
    %eq3A_2 = arith.cmpi eq, %arg1, %eq3A_1 : i32
    %and3A = arith.andi %eq3A_0, %eq3A_2 : i1
    %convert_element_type3A = arith.extui %and3A : i1 to i32
    %cond3A = arith.constant 0 : i32
    %cond3A_3 = arith.cmpi ne, %convert_element_type3A, %cond3A : i32
    scf.if %cond3A_3 {
      %broadcast_in_dim3A_42 = arith.constant 0.000000e+00 : f32
      %broadcast_in_dim3A_43 = vector.broadcast %broadcast_in_dim3A_42 : f32 to vector<8x128xf32>
      %swap3A_44 = arith.constant 0 : index
      %swap3A_45 = arith.constant 0 : index
      %swap3A_46 = vector.load %arg3[%swap3A_44, %swap3A_45] : memref<8x128xf32, #tpu.memory_space<vmem>>, vector<8x128xf32>
      tpu.vector_store %arg3[%swap3A_44, %swap3A_45], %broadcast_in_dim3A_43 {strides = array<i32>} : memref<8x128xf32, #tpu.memory_space<vmem>>, vector<8x128xf32>,
    } else {
    }
    %get3A = arith.constant 0 : index
    %get3A_4 = arith.constant 0 : index
    %get3A_5 = arith.constant 0 : index
    %get3A_6 = arith.constant 0 : index
    %get3A_7 = vector.load %arg2[%get3A, %get3A_4, %get3A_5, %get3A_6] : memref<1x1x40x40xf32, #tpu.memory_space<vmem>>, vector<1x1x40x40xf32>
    %get3A_8 = vector.shape_cast %get3A_7 : vector<1x1x40x40xf32> to vector<40x40xf32>
    %abs3A = math.absf %get3A_8 : vector<40x40xf32>
    %neg3A = arith.constant 0.000000e+00 : f32
    %neg3A_9 = vector.broadcast %neg3A : f32 to vector<40x40xf32>
    %neg3A_10 = arith.subf %neg3A_9, %abs3A : vector<40x40xf32>
    %exp3A = math.exp %neg3A_10 : vector<40x40xf32>
    %add3A = arith.constant 1.000000e+00 : f32
    %add3A_11 = vector.broadcast %add3A : f32 to vector<40x40xf32>
    %add3A_12 = arith.addf %add3A_11, %exp3A : vector<40x40xf32>
    %div3A = arith.constant 1.000000e+00 : f32
    %div3A_13 = vector.broadcast %div3A : f32 to vector<40x40xf32>
    %div3A_14 = arith.divf %div3A_13, %add3A_12 : vector<40x40xf32>
    %max3A = arith.constant 0.000000e+00 : f32
    %max3A_15 = vector.broadcast %max3A : f32 to vector<40x40xf32>
    %max3A_16 = arith.maximumf %get3A_8, %max3A_15 : vector<40x40xf32>
    %log1p3A = math.log1p %exp3A : vector<40x40xf32>
    %add3A_17 = arith.addf %max3A_16, %log1p3A : vector<40x40xf32>
    %ge3A = arith.constant 0.000000e+00 : f32
    %ge3A_18 = vector.broadcast %ge3A : f32 to vector<40x40xf32>
    %ge3A_19 = arith.cmpf oge, %get3A_8, %ge3A_18 : vector<40x40xf32>
    %mul3A = arith.mulf %exp3A, %div3A_14 : vector<40x40xf32>
    %select_n3A = arith.select %ge3A_19, %div3A_14, %mul3A : vector<40x40xi1>, vector<40x40xf32>
    %mul3A_20 = arith.mulf %add3A_17, %select_n3A : vector<40x40xf32>
    %mul3A_21 = arith.mulf %mul3A_20, %select_n3A : vector<40x40xf32>
    %reduce_sum3A = vector.shape_cast %mul3A_21 : vector<40x40xf32> to vector<1x40x40xf32>
    %reduce_sum3A_22 = arith.constant dense<0.000000e+00> : vector<1xf32>
    %reduce_sum3A_23 = vector.multi_reduction <add>, %reduce_sum3A, %reduce_sum3A_22 [1, 2] : vector<1x40x40xf32> to vector<1xf32>
    %reduce_sum3A_24 = vector.shape_cast %reduce_sum3A_23 : vector<1xf32> to vector<1x1x1xf32>
    %reduce_sum3A_25 = vector.extract %reduce_sum3A_24[0, 0, 0] : f32 from vector<1x1x1xf32>
    %iota3A = tpu.iota {dimensions = array<i32: 0>} : vector<8x128xi32>
    %iota3A_26 = tpu.iota {dimensions = array<i32: 1>} : vector<8x128xi32>
    %get3A_27 = arith.constant 0 : index
    %get3A_28 = arith.constant 0 : index
    %get3A_29 = vector.load %arg3[%get3A_27, %get3A_28] : memref<8x128xf32, #tpu.memory_space<vmem>>, vector<8x128xf32>
    %eq3A_30 = arith.constant 0 : i32
    %eq3A_31 = vector.broadcast %eq3A_30 : i32 to vector<8x128xi32>
    %eq3A_32 = arith.cmpi eq, %iota3A, %eq3A_31 : vector<8x128xi32>
    %eq3A_33 = arith.constant 0 : i32
    %eq3A_34 = vector.broadcast %eq3A_33 : i32 to vector<8x128xi32>
    %eq3A_35 = arith.cmpi eq, %iota3A_26, %eq3A_34 : vector<8x128xi32>
    %and3A_36 = arith.andi %eq3A_32, %eq3A_35 : vector<8x128xi1>
    %jit3A = arith.constant 0.000000e+00 : f32
    %broadcast_in_dim3A = vector.broadcast %reduce_sum3A_25 : f32 to vector<8x128xf32>
    %broadcast_in_dim3A_37 = vector.broadcast %jit3A : f32 to vector<8x128xf32>
    %select_n3A_38 = arith.select %and3A_36, %broadcast_in_dim3A, %broadcast_in_dim3A_37 : vector<8x128xi1>, vector<8x128xf32>
    %add3A_39 = arith.addf %get3A_29, %select_n3A_38 : vector<8x128xf32>
    %swap3A = arith.constant 0 : index
    %swap3A_40 = arith.constant 0 : index
    %swap3A_41 = vector.load %arg3[%swap3A, %swap3A_40] : memref<8x128xf32, #tpu.memory_space<vmem>>, vector<8x128xf32>
    tpu.vector_store %arg3[%swap3A, %swap3A_40], %add3A_39 {strides = array<i32>} : memref<8x128xf32, #tpu.memory_space<vmem>>, vector<8x128xf32>,
    return
  }
  func.func @transform_0(%arg0: i32, %arg1: i32) -> (i32, i32, i32, i32) {
    %mul3A = arith.constant 85 : i32
    %mul3A_0 = arith.muli %arg0, %mul3A : i32
    %add3A = arith.constant 4 : i32
    %add3A_1 = arith.addi %mul3A_0, %add3A : i32
    %c0_i32 = arith.constant 0 : i32
    %c0_i32_2 = arith.constant 0 : i32
    %c0_i32_3 = arith.constant 0 : i32
    return %arg1, %add3A_1, %c0_i32, %c0_i32_2 : i32, i32, i32, i32
  }
  func.func @transform_1(%arg0: i32, %arg1: i32) -> (i32, i32) {
    %c0_i32 = arith.constant 0 : i32
    %c0_i32_0 = arith.constant 0 : i32
    %c0_i32_1 = arith.constant 0 : i32
    return %c0_i32, %c0_i32_0 : i32, i32
  }
}

module attributes {stable_mosaic.version = 14 : i64} {
  func.func @_dense_kernel(%arg0: i32, %arg1: i32, %arg2: memref<1x1x80x80xf32, #tpu.memory_space<vmem>>, %arg3: memref<8x128xf32, #tpu.memory_space<vmem>>) attributes {dimension_semantics = [#tpu.dimension_semantics<arbitrary>, #tpu.dimension_semantics<arbitrary>], iteration_bounds = array<i64: 3, 16>, scalar_prefetch = 0 : i64, scratch_operands = 0 : i64, tpu.core_type = #tpu.core_type<tc>, window_params = [{transform_indices = @transform_0, window_bounds = array<i64: 1, 1, 80, 80>}, {pipeline_mode = #tpu.pipeline_mode<synchronous>, transform_indices = @transform_1, window_bounds = array<i64: 8, 128>}]} {
    %eq3A = arith.constant 0 : i32
    %eq3A_0 = arith.cmpi eq, %arg0, %eq3A : i32
    %eq3A_1 = arith.constant 0 : i32
    %eq3A_2 = arith.cmpi eq, %arg1, %eq3A_1 : i32
    %and3A = arith.andi %eq3A_0, %eq3A_2 : i1
    %convert_element_type3A = arith.extui %and3A : i1 to i32
    %cond3A = arith.constant 0 : i32
    %cond3A_3 = arith.cmpi ne, %convert_element_type3A, %cond3A : i32
    scf.if %cond3A_3 {
      %broadcast_in_dim3A_42 = arith.constant 0.000000e+00 : f32
      %broadcast_in_dim3A_43 = vector.broadcast %broadcast_in_dim3A_42 : f32 to vector<8x128xf32>
      %swap3A_44 = arith.constant 0 : index
      %swap3A_45 = arith.constant 0 : index
      %swap3A_46 = vector.load %arg3[%swap3A_44, %swap3A_45] : memref<8x128xf32, #tpu.memory_space<vmem>>, vector<8x128xf32>
      tpu.vector_store %arg3[%swap3A_44, %swap3A_45], %broadcast_in_dim3A_43 {strides = array<i32>} : memref<8x128xf32, #tpu.memory_space<vmem>>, vector<8x128xf32>,
    } else {
    }
    %get3A = arith.constant 0 : index
    %get3A_4 = arith.constant 0 : index
    %get3A_5 = arith.constant 0 : index
    %get3A_6 = arith.constant 0 : index
    %get3A_7 = vector.load %arg2[%get3A, %get3A_4, %get3A_5, %get3A_6] : memref<1x1x80x80xf32, #tpu.memory_space<vmem>>, vector<1x1x80x80xf32>
    %get3A_8 = vector.shape_cast %get3A_7 : vector<1x1x80x80xf32> to vector<80x80xf32>
    %abs3A = math.absf %get3A_8 : vector<80x80xf32>
    %neg3A = arith.constant 0.000000e+00 : f32
    %neg3A_9 = vector.broadcast %neg3A : f32 to vector<80x80xf32>
    %neg3A_10 = arith.subf %neg3A_9, %abs3A : vector<80x80xf32>
    %exp3A = math.exp %neg3A_10 : vector<80x80xf32>
    %add3A = arith.constant 1.000000e+00 : f32
    %add3A_11 = vector.broadcast %add3A : f32 to vector<80x80xf32>
    %add3A_12 = arith.addf %add3A_11, %exp3A : vector<80x80xf32>
    %div3A = arith.constant 1.000000e+00 : f32
    %div3A_13 = vector.broadcast %div3A : f32 to vector<80x80xf32>
    %div3A_14 = arith.divf %div3A_13, %add3A_12 : vector<80x80xf32>
    %max3A = arith.constant 0.000000e+00 : f32
    %max3A_15 = vector.broadcast %max3A : f32 to vector<80x80xf32>
    %max3A_16 = arith.maximumf %get3A_8, %max3A_15 : vector<80x80xf32>
    %log1p3A = math.log1p %exp3A : vector<80x80xf32>
    %add3A_17 = arith.addf %max3A_16, %log1p3A : vector<80x80xf32>
    %ge3A = arith.constant 0.000000e+00 : f32
    %ge3A_18 = vector.broadcast %ge3A : f32 to vector<80x80xf32>
    %ge3A_19 = arith.cmpf oge, %get3A_8, %ge3A_18 : vector<80x80xf32>
    %mul3A = arith.mulf %exp3A, %div3A_14 : vector<80x80xf32>
    %select_n3A = arith.select %ge3A_19, %div3A_14, %mul3A : vector<80x80xi1>, vector<80x80xf32>
    %mul3A_20 = arith.mulf %add3A_17, %select_n3A : vector<80x80xf32>
    %mul3A_21 = arith.mulf %mul3A_20, %select_n3A : vector<80x80xf32>
    %reduce_sum3A = vector.shape_cast %mul3A_21 : vector<80x80xf32> to vector<1x80x80xf32>
    %reduce_sum3A_22 = arith.constant dense<0.000000e+00> : vector<1xf32>
    %reduce_sum3A_23 = vector.multi_reduction <add>, %reduce_sum3A, %reduce_sum3A_22 [1, 2] : vector<1x80x80xf32> to vector<1xf32>
    %reduce_sum3A_24 = vector.shape_cast %reduce_sum3A_23 : vector<1xf32> to vector<1x1x1xf32>
    %reduce_sum3A_25 = vector.extract %reduce_sum3A_24[0, 0, 0] : f32 from vector<1x1x1xf32>
    %iota3A = tpu.iota {dimensions = array<i32: 0>} : vector<8x128xi32>
    %iota3A_26 = tpu.iota {dimensions = array<i32: 1>} : vector<8x128xi32>
    %get3A_27 = arith.constant 0 : index
    %get3A_28 = arith.constant 0 : index
    %get3A_29 = vector.load %arg3[%get3A_27, %get3A_28] : memref<8x128xf32, #tpu.memory_space<vmem>>, vector<8x128xf32>
    %eq3A_30 = arith.constant 0 : i32
    %eq3A_31 = vector.broadcast %eq3A_30 : i32 to vector<8x128xi32>
    %eq3A_32 = arith.cmpi eq, %iota3A, %eq3A_31 : vector<8x128xi32>
    %eq3A_33 = arith.constant 0 : i32
    %eq3A_34 = vector.broadcast %eq3A_33 : i32 to vector<8x128xi32>
    %eq3A_35 = arith.cmpi eq, %iota3A_26, %eq3A_34 : vector<8x128xi32>
    %and3A_36 = arith.andi %eq3A_32, %eq3A_35 : vector<8x128xi1>
    %jit3A = arith.constant 0.000000e+00 : f32
    %broadcast_in_dim3A = vector.broadcast %reduce_sum3A_25 : f32 to vector<8x128xf32>
    %broadcast_in_dim3A_37 = vector.broadcast %jit3A : f32 to vector<8x128xf32>
    %select_n3A_38 = arith.select %and3A_36, %broadcast_in_dim3A, %broadcast_in_dim3A_37 : vector<8x128xi1>, vector<8x128xf32>
    %add3A_39 = arith.addf %get3A_29, %select_n3A_38 : vector<8x128xf32>
    %swap3A = arith.constant 0 : index
    %swap3A_40 = arith.constant 0 : index
    %swap3A_41 = vector.load %arg3[%swap3A, %swap3A_40] : memref<8x128xf32, #tpu.memory_space<vmem>>, vector<8x128xf32>
    tpu.vector_store %arg3[%swap3A, %swap3A_40], %add3A_39 {strides = array<i32>} : memref<8x128xf32, #tpu.memory_space<vmem>>, vector<8x128xf32>,
    return
  }
  func.func @transform_0(%arg0: i32, %arg1: i32) -> (i32, i32, i32, i32) {
    %mul3A = arith.constant 85 : i32
    %mul3A_0 = arith.muli %arg0, %mul3A : i32
    %add3A = arith.constant 4 : i32
    %add3A_1 = arith.addi %mul3A_0, %add3A : i32
    %c0_i32 = arith.constant 0 : i32
    %c0_i32_2 = arith.constant 0 : i32
    %c0_i32_3 = arith.constant 0 : i32
    return %arg1, %add3A_1, %c0_i32, %c0_i32_2 : i32, i32, i32, i32
  }
  func.func @transform_1(%arg0: i32, %arg1: i32) -> (i32, i32) {
    %c0_i32 = arith.constant 0 : i32
    %c0_i32_0 = arith.constant 0 : i32
    %c0_i32_1 = arith.constant 0 : i32
    return %c0_i32, %c0_i32_0 : i32, i32
  }
}

module attributes {stable_mosaic.version = 14 : i64} {
  func.func @_loss_kernel(%arg0: i32, %arg1: memref<1x512x680xf32, #tpu.memory_space<vmem>>, %arg2: memref<1x512x8xf32, #tpu.memory_space<vmem>>, %arg3: memref<1x8x128xf32, #tpu.memory_space<vmem>>) attributes {dimension_semantics = [#tpu.dimension_semantics<arbitrary>], iteration_bounds = array<i64: 3>, scalar_prefetch = 0 : i64, scratch_operands = 0 : i64, tpu.core_type = #tpu.core_type<tc>, window_params = [{transform_indices = @transform_0, window_bounds = array<i64: 1, 512, 680>}, {transform_indices = @transform_1, window_bounds = array<i64: 1, 512, 8>}, {transform_indices = @transform_2, window_bounds = array<i64: 1, 8, 128>}]} {
    %get3A = arith.constant 0 : index
    %get3A_0 = arith.constant 0 : index
    %get3A_1 = arith.constant 0 : index
    %get3A_2 = vector.load %arg1[%get3A, %get3A_0, %get3A_1] : memref<1x512x680xf32, #tpu.memory_space<vmem>>, vector<1x512x680xf32>
    %get3A_3 = vector.shape_cast %get3A_2 : vector<1x512x680xf32> to vector<512x680xf32>
    %get3A_4 = arith.constant 0 : index
    %get3A_5 = arith.constant 0 : index
    %get3A_6 = arith.constant 0 : index
    %get3A_7 = vector.load %arg2[%get3A_4, %get3A_5, %get3A_6] : memref<1x512x8xf32, #tpu.memory_space<vmem>>, vector<1x512x8xf32>
    %get3A_8 = vector.shape_cast %get3A_7 : vector<1x512x8xf32> to vector<512x8xf32>
    %slice3A = vector.extract_strided_slice %get3A_8 {offsets = [0, 7], sizes = [512, 1], strides = [1, 1]} : vector<512x8xf32> to vector<512x1xf32>
    %convert_element_type3A = arith.fptosi %slice3A : vector<512x1xf32> to vector<512x1xi32>
    %iota3A = tpu.iota {dimensions = array<i32: 1>} : vector<512x680xi32>
    %jit3A = arith.constant 8 : i32
    %eq3A = arith.constant 0 : i32
    %eq3A_9 = arith.cmpi eq, %jit3A, %eq3A : i32
    %jit3A_10 = arith.constant 1 : i32
    %select_n3A = arith.select %eq3A_9, %jit3A_10, %jit3A : i32
    %rem3A = vector.broadcast %select_n3A : i32 to vector<512x680xi32>
    %rem3A_11 = arith.remsi %iota3A, %rem3A : vector<512x680xi32>
    %ne3A = arith.constant 0 : i32
    %ne3A_12 = vector.broadcast %ne3A : i32 to vector<512x680xi32>
    %ne3A_13 = arith.cmpi ne, %rem3A_11, %ne3A_12 : vector<512x680xi32>
    %lt3A = arith.constant 0 : i32
    %lt3A_14 = vector.broadcast %lt3A : i32 to vector<512x680xi32>
    %lt3A_15 = arith.cmpi slt, %rem3A_11, %lt3A_14 : vector<512x680xi32>
    %lt3A_16 = arith.constant 0 : i32
    %lt3A_17 = arith.cmpi slt, %select_n3A, %lt3A_16 : i32
    %ne3A_18 = vector.broadcast %lt3A_17 : i1 to vector<512x680xi1>
    %ne3A_19 = vector.broadcast %ne3A_18 : vector<512x680xi1> to vector<512x680xi1>
    %ne3A_20 = arith.xori %lt3A_15, %ne3A_19 : vector<512x680xi1>
    %and3A = arith.andi %ne3A_20, %ne3A_13 : vector<512x680xi1>
    %add3A = vector.broadcast %select_n3A : i32 to vector<512x680xi32>
    %add3A_21 = arith.addi %rem3A_11, %add3A : vector<512x680xi32>
    %select_n3A_22 = arith.select %and3A, %add3A_21, %rem3A_11 : vector<512x680xi1>, vector<512x680xi32>
    %eq3A_23 = vector.broadcast %convert_element_type3A : vector<512x1xi32> to vector<512x680xi32>
    %eq3A_24 = arith.cmpi eq, %select_n3A_22, %eq3A_23 : vector<512x680xi32>
    %convert_element_type3A_25 = arith.extui %eq3A_24 : vector<512x680xi1> to vector<512x680xi32>
    %convert_element_type3A_26 = arith.sitofp %convert_element_type3A_25 : vector<512x680xi32> to vector<512x680xf32>
    %iota3A_27 = tpu.iota {dimensions = array<i32: 0>} : vector<680x85xi32>
    %jit3A_28 = arith.constant 8 : i32
    %div3A = vector.broadcast %jit3A_28 : i32 to vector<680x85xi32>
    %div3A_29 = arith.divsi %iota3A_27, %div3A : vector<680x85xi32>
    %sign3A = arith.constant 0 : i32
    %sign3A_30 = vector.broadcast %sign3A : i32 to vector<680x85xi32>
    %sign3A_31 = arith.cmpi sgt, %iota3A_27, %sign3A_30 : vector<680x85xi32>
    %sign3A_32 = arith.extui %sign3A_31 : vector<680x85xi1> to vector<680x85xi32>
    %sign3A_33 = arith.constant 0 : i32
    %sign3A_34 = vector.broadcast %sign3A_33 : i32 to vector<680x85xi32>
    %sign3A_35 = arith.cmpi slt, %iota3A_27, %sign3A_34 : vector<680x85xi32>
    %sign3A_36 = arith.extui %sign3A_35 : vector<680x85xi1> to vector<680x85xi32>
    %sign3A_37 = arith.subi %sign3A_32, %sign3A_36 : vector<680x85xi32>
    %sign3A_38 = arith.constant 0 : i32
    %sign3A_39 = arith.cmpi sgt, %jit3A_28, %sign3A_38 : i32
    %sign3A_40 = arith.extui %sign3A_39 : i1 to i32
    %sign3A_41 = arith.constant 0 : i32
    %sign3A_42 = arith.cmpi slt, %jit3A_28, %sign3A_41 : i32
    %sign3A_43 = arith.extui %sign3A_42 : i1 to i32
    %sign3A_44 = arith.subi %sign3A_40, %sign3A_43 : i32
    %ne3A_45 = vector.broadcast %sign3A_44 : i32 to vector<680x85xi32>
    %ne3A_46 = arith.cmpi ne, %sign3A_37, %ne3A_45 : vector<680x85xi32>
    %rem3A_47 = vector.broadcast %jit3A_28 : i32 to vector<680x85xi32>
    %rem3A_48 = arith.remsi %iota3A_27, %rem3A_47 : vector<680x85xi32>
    %ne3A_49 = arith.constant 0 : i32
    %ne3A_50 = vector.broadcast %ne3A_49 : i32 to vector<680x85xi32>
    %ne3A_51 = arith.cmpi ne, %rem3A_48, %ne3A_50 : vector<680x85xi32>
    %and3A_52 = arith.andi %ne3A_46, %ne3A_51 : vector<680x85xi1>
    %sub3A = arith.constant 1 : i32
    %sub3A_53 = vector.broadcast %sub3A : i32 to vector<680x85xi32>
    %sub3A_54 = arith.subi %div3A_29, %sub3A_53 : vector<680x85xi32>
    %select_n3A_55 = arith.select %and3A_52, %sub3A_54, %div3A_29 : vector<680x85xi1>, vector<680x85xi32>
    %iota3A_56 = tpu.iota {dimensions = array<i32: 1>} : vector<680x85xi32>
    %eq3A_57 = arith.cmpi eq, %select_n3A_55, %iota3A_56 : vector<680x85xi32>
    %convert_element_type3A_58 = arith.extui %eq3A_57 : vector<680x85xi1> to vector<680x85xi32>
    %convert_element_type3A_59 = arith.sitofp %convert_element_type3A_58 : vector<680x85xi32> to vector<680x85xf32>
    %mul3A = arith.mulf %get3A_3, %convert_element_type3A_26 : vector<512x680xf32>
    %dot_general3A = arith.constant dense<0.000000e+00> : vector<512x85xf32>
    %dot_general3A_60 = tpu.matmul %mul3A, %convert_element_type3A_59, %dot_general3A {dimension_numbers = #tpu.dot_dimension_numbers<[1], [0], [0], [1], [0, 0, 1, 1], [], []>, transpose_lhs_hint = false} : vector<512x680xf32>, vector<680x85xf32>, vector<512x85xf32> -> vector<512x85xf32>
    %slice3A_61 = vector.extract_strided_slice %get3A_8 {offsets = [0, 0], sizes = [512, 1], strides = [1, 1]} : vector<512x8xf32> to vector<512x1xf32>
    %slice3A_62 = vector.extract_strided_slice %get3A_8 {offsets = [0, 1], sizes = [512, 1], strides = [1, 1]} : vector<512x8xf32> to vector<512x1xf32>
    %slice3A_63 = vector.extract_strided_slice %get3A_8 {offsets = [0, 2], sizes = [512, 1], strides = [1, 1]} : vector<512x8xf32> to vector<512x1xf32>
    %slice3A_64 = vector.extract_strided_slice %get3A_8 {offsets = [0, 3], sizes = [512, 1], strides = [1, 1]} : vector<512x8xf32> to vector<512x1xf32>
    %slice3A_65 = vector.extract_strided_slice %get3A_8 {offsets = [0, 4], sizes = [512, 1], strides = [1, 1]} : vector<512x8xf32> to vector<512x1xf32>
    %slice3A_66 = vector.extract_strided_slice %get3A_8 {offsets = [0, 5], sizes = [512, 1], strides = [1, 1]} : vector<512x8xf32> to vector<512x1xf32>
    %convert_element_type3A_67 = arith.fptosi %slice3A_66 : vector<512x1xf32> to vector<512x1xi32>
    %slice3A_68 = vector.extract_strided_slice %dot_general3A_60 {offsets = [0, 0], sizes = [512, 1], strides = [1, 1]} : vector<512x85xf32> to vector<512x1xf32>
    %logistic3A = arith.negf %slice3A_68 : vector<512x1xf32>
    %logistic3A_69 = math.exp %logistic3A : vector<512x1xf32>
    %logistic3A_70 = arith.constant 1.000000e+00 : f32
    %logistic3A_71 = vector.broadcast %logistic3A_70 : f32 to vector<512x1xf32>
    %logistic3A_72 = arith.addf %logistic3A_71, %logistic3A_69 : vector<512x1xf32>
    %logistic3A_73 = arith.divf %logistic3A_71, %logistic3A_72 : vector<512x1xf32>
    %sub3A_74 = arith.subf %logistic3A_73, %slice3A_61 : vector<512x1xf32>
    %slice3A_75 = vector.extract_strided_slice %dot_general3A_60 {offsets = [0, 1], sizes = [512, 1], strides = [1, 1]} : vector<512x85xf32> to vector<512x1xf32>
    %logistic3A_76 = arith.negf %slice3A_75 : vector<512x1xf32>
    %logistic3A_77 = math.exp %logistic3A_76 : vector<512x1xf32>
    %logistic3A_78 = arith.constant 1.000000e+00 : f32
    %logistic3A_79 = vector.broadcast %logistic3A_78 : f32 to vector<512x1xf32>
    %logistic3A_80 = arith.addf %logistic3A_79, %logistic3A_77 : vector<512x1xf32>
    %logistic3A_81 = arith.divf %logistic3A_79, %logistic3A_80 : vector<512x1xf32>
    %sub3A_82 = arith.subf %logistic3A_81, %slice3A_62 : vector<512x1xf32>
    %mul3A_83 = arith.mulf %sub3A_74, %sub3A_74 : vector<512x1xf32>
    %mul3A_84 = arith.mulf %sub3A_82, %sub3A_82 : vector<512x1xf32>
    %add3A_85 = arith.addf %mul3A_83, %mul3A_84 : vector<512x1xf32>
    %mul3A_86 = arith.mulf %add3A_85, %slice3A_65 : vector<512x1xf32>
    %reduce_sum3A = vector.shape_cast %mul3A_86 : vector<512x1xf32> to vector<1x512x1xf32>
    %reduce_sum3A_87 = arith.constant dense<0.000000e+00> : vector<1xf32>
    %reduce_sum3A_88 = vector.multi_reduction <add>, %reduce_sum3A, %reduce_sum3A_87 [1, 2] : vector<1x512x1xf32> to vector<1xf32>
    %reduce_sum3A_89 = vector.shape_cast %reduce_sum3A_88 : vector<1xf32> to vector<1x1x1xf32>
    %reduce_sum3A_90 = vector.extract %reduce_sum3A_89[0, 0, 0] : f32 from vector<1x1x1xf32>
    %slice3A_91 = vector.extract_strided_slice %dot_general3A_60 {offsets = [0, 2], sizes = [512, 1], strides = [1, 1]} : vector<512x85xf32> to vector<512x1xf32>
    %sub3A_92 = arith.subf %slice3A_91, %slice3A_63 : vector<512x1xf32>
    %slice3A_93 = vector.extract_strided_slice %dot_general3A_60 {offsets = [0, 3], sizes = [512, 1], strides = [1, 1]} : vector<512x85xf32> to vector<512x1xf32>
    %sub3A_94 = arith.subf %slice3A_93, %slice3A_64 : vector<512x1xf32>
    %mul3A_95 = arith.mulf %sub3A_92, %sub3A_92 : vector<512x1xf32>
    %mul3A_96 = arith.mulf %sub3A_94, %sub3A_94 : vector<512x1xf32>
    %add3A_97 = arith.addf %mul3A_95, %mul3A_96 : vector<512x1xf32>
    %mul3A_98 = arith.mulf %add3A_97, %slice3A_65 : vector<512x1xf32>
    %reduce_sum3A_99 = vector.shape_cast %mul3A_98 : vector<512x1xf32> to vector<1x512x1xf32>
    %reduce_sum3A_100 = arith.constant dense<0.000000e+00> : vector<1xf32>
    %reduce_sum3A_101 = vector.multi_reduction <add>, %reduce_sum3A_99, %reduce_sum3A_100 [1, 2] : vector<1x512x1xf32> to vector<1xf32>
    %reduce_sum3A_102 = vector.shape_cast %reduce_sum3A_101 : vector<1xf32> to vector<1x1x1xf32>
    %reduce_sum3A_103 = vector.extract %reduce_sum3A_102[0, 0, 0] : f32 from vector<1x1x1xf32>
    %slice3A_104 = vector.extract_strided_slice %dot_general3A_60 {offsets = [0, 4], sizes = [512, 1], strides = [1, 1]} : vector<512x85xf32> to vector<512x1xf32>
    %abs3A = math.absf %slice3A_104 : vector<512x1xf32>
    %neg3A = arith.constant 0.000000e+00 : f32
    %neg3A_105 = vector.broadcast %neg3A : f32 to vector<512x1xf32>
    %neg3A_106 = arith.subf %neg3A_105, %abs3A : vector<512x1xf32>
    %exp3A = math.exp %neg3A_106 : vector<512x1xf32>
    %add3A_107 = arith.constant 1.000000e+00 : f32
    %add3A_108 = vector.broadcast %add3A_107 : f32 to vector<512x1xf32>
    %add3A_109 = arith.addf %add3A_108, %exp3A : vector<512x1xf32>
    %div3A_110 = arith.constant 1.000000e+00 : f32
    %div3A_111 = vector.broadcast %div3A_110 : f32 to vector<512x1xf32>
    %div3A_112 = arith.divf %div3A_111, %add3A_109 : vector<512x1xf32>
    %max3A = arith.constant 0.000000e+00 : f32
    %max3A_113 = vector.broadcast %max3A : f32 to vector<512x1xf32>
    %max3A_114 = arith.maximumf %slice3A_104, %max3A_113 : vector<512x1xf32>
    %log1p3A = math.log1p %exp3A : vector<512x1xf32>
    %add3A_115 = arith.addf %max3A_114, %log1p3A : vector<512x1xf32>
    %ge3A = arith.constant 0.000000e+00 : f32
    %ge3A_116 = vector.broadcast %ge3A : f32 to vector<512x1xf32>
    %ge3A_117 = arith.cmpf oge, %slice3A_104, %ge3A_116 : vector<512x1xf32>
    %mul3A_118 = arith.mulf %exp3A, %div3A_112 : vector<512x1xf32>
    %select_n3A_119 = arith.select %ge3A_117, %mul3A_118, %div3A_112 : vector<512x1xi1>, vector<512x1xf32>
    %sub3A_120 = arith.subf %add3A_115, %slice3A_104 : vector<512x1xf32>
    %mul3A_121 = arith.mulf %sub3A_120, %select_n3A_119 : vector<512x1xf32>
    %mul3A_122 = arith.mulf %mul3A_121, %select_n3A_119 : vector<512x1xf32>
    %mul3A_123 = arith.mulf %mul3A_122, %slice3A_65 : vector<512x1xf32>
    %reduce_sum3A_124 = vector.shape_cast %mul3A_123 : vector<512x1xf32> to vector<1x512x1xf32>
    %reduce_sum3A_125 = arith.constant dense<0.000000e+00> : vector<1xf32>
    %reduce_sum3A_126 = vector.multi_reduction <add>, %reduce_sum3A_124, %reduce_sum3A_125 [1, 2] : vector<1x512x1xf32> to vector<1xf32>
    %reduce_sum3A_127 = vector.shape_cast %reduce_sum3A_126 : vector<1xf32> to vector<1x1x1xf32>
    %reduce_sum3A_128 = vector.extract %reduce_sum3A_127[0, 0, 0] : f32 from vector<1x1x1xf32>
    %abs3A_129 = math.absf %slice3A_104 : vector<512x1xf32>
    %neg3A_130 = arith.constant 0.000000e+00 : f32
    %neg3A_131 = vector.broadcast %neg3A_130 : f32 to vector<512x1xf32>
    %neg3A_132 = arith.subf %neg3A_131, %abs3A_129 : vector<512x1xf32>
    %exp3A_133 = math.exp %neg3A_132 : vector<512x1xf32>
    %add3A_134 = arith.constant 1.000000e+00 : f32
    %add3A_135 = vector.broadcast %add3A_134 : f32 to vector<512x1xf32>
    %add3A_136 = arith.addf %add3A_135, %exp3A_133 : vector<512x1xf32>
    %div3A_137 = arith.constant 1.000000e+00 : f32
    %div3A_138 = vector.broadcast %div3A_137 : f32 to vector<512x1xf32>
    %div3A_139 = arith.divf %div3A_138, %add3A_136 : vector<512x1xf32>
    %max3A_140 = arith.constant 0.000000e+00 : f32
    %max3A_141 = vector.broadcast %max3A_140 : f32 to vector<512x1xf32>
    %max3A_142 = arith.maximumf %slice3A_104, %max3A_141 : vector<512x1xf32>
    %log1p3A_143 = math.log1p %exp3A_133 : vector<512x1xf32>
    %add3A_144 = arith.addf %max3A_142, %log1p3A_143 : vector<512x1xf32>
    %ge3A_145 = arith.constant 0.000000e+00 : f32
    %ge3A_146 = vector.broadcast %ge3A_145 : f32 to vector<512x1xf32>
    %ge3A_147 = arith.cmpf oge, %slice3A_104, %ge3A_146 : vector<512x1xf32>
    %mul3A_148 = arith.mulf %exp3A_133, %div3A_139 : vector<512x1xf32>
    %select_n3A_149 = arith.select %ge3A_147, %div3A_139, %mul3A_148 : vector<512x1xi1>, vector<512x1xf32>
    %mul3A_150 = arith.mulf %add3A_144, %select_n3A_149 : vector<512x1xf32>
    %mul3A_151 = arith.mulf %mul3A_150, %select_n3A_149 : vector<512x1xf32>
    %mul3A_152 = arith.mulf %mul3A_151, %slice3A_65 : vector<512x1xf32>
    %reduce_sum3A_153 = vector.shape_cast %mul3A_152 : vector<512x1xf32> to vector<1x512x1xf32>
    %reduce_sum3A_154 = arith.constant dense<0.000000e+00> : vector<1xf32>
    %reduce_sum3A_155 = vector.multi_reduction <add>, %reduce_sum3A_153, %reduce_sum3A_154 [1, 2] : vector<1x512x1xf32> to vector<1xf32>
    %reduce_sum3A_156 = vector.shape_cast %reduce_sum3A_155 : vector<1xf32> to vector<1x1x1xf32>
    %reduce_sum3A_157 = vector.extract %reduce_sum3A_156[0, 0, 0] : f32 from vector<1x1x1xf32>
    %slice3A_158 = vector.extract_strided_slice %dot_general3A_60 {offsets = [0, 5], sizes = [512, 80], strides = [1, 1]} : vector<512x85xf32> to vector<512x80xf32>
    %iota3A_159 = tpu.iota {dimensions = array<i32: 1>} : vector<512x80xi32>
    %eq3A_160 = vector.broadcast %convert_element_type3A_67 : vector<512x1xi32> to vector<512x80xi32>
    %eq3A_161 = arith.cmpi eq, %iota3A_159, %eq3A_160 : vector<512x80xi32>
    %convert_element_type3A_162 = arith.extui %eq3A_161 : vector<512x80xi1> to vector<512x80xi32>
    %convert_element_type3A_163 = arith.sitofp %convert_element_type3A_162 : vector<512x80xi32> to vector<512x80xf32>
    %abs3A_164 = math.absf %slice3A_158 : vector<512x80xf32>
    %neg3A_165 = arith.constant 0.000000e+00 : f32
    %neg3A_166 = vector.broadcast %neg3A_165 : f32 to vector<512x80xf32>
    %neg3A_167 = arith.subf %neg3A_166, %abs3A_164 : vector<512x80xf32>
    %exp3A_168 = math.exp %neg3A_167 : vector<512x80xf32>
    %add3A_169 = arith.constant 1.000000e+00 : f32
    %add3A_170 = vector.broadcast %add3A_169 : f32 to vector<512x80xf32>
    %add3A_171 = arith.addf %add3A_170, %exp3A_168 : vector<512x80xf32>
    %div3A_172 = arith.constant 1.000000e+00 : f32
    %div3A_173 = vector.broadcast %div3A_172 : f32 to vector<512x80xf32>
    %div3A_174 = arith.divf %div3A_173, %add3A_171 : vector<512x80xf32>
    %max3A_175 = arith.constant 0.000000e+00 : f32
    %max3A_176 = vector.broadcast %max3A_175 : f32 to vector<512x80xf32>
    %max3A_177 = arith.maximumf %slice3A_158, %max3A_176 : vector<512x80xf32>
    %log1p3A_178 = math.log1p %exp3A_168 : vector<512x80xf32>
    %add3A_179 = arith.addf %max3A_177, %log1p3A_178 : vector<512x80xf32>
    %ge3A_180 = arith.constant 0.000000e+00 : f32
    %ge3A_181 = vector.broadcast %ge3A_180 : f32 to vector<512x80xf32>
    %ge3A_182 = arith.cmpf oge, %slice3A_158, %ge3A_181 : vector<512x80xf32>
    %mul3A_183 = arith.mulf %exp3A_168, %div3A_174 : vector<512x80xf32>
    %select_n3A_184 = arith.select %ge3A_182, %mul3A_183, %div3A_174 : vector<512x80xi1>, vector<512x80xf32>
    %sub3A_185 = arith.subf %add3A_179, %slice3A_158 : vector<512x80xf32>
    %mul3A_186 = arith.mulf %sub3A_185, %select_n3A_184 : vector<512x80xf32>
    %mul3A_187 = arith.mulf %mul3A_186, %select_n3A_184 : vector<512x80xf32>
    %mul3A_188 = arith.mulf %convert_element_type3A_163, %mul3A_187 : vector<512x80xf32>
    %sub3A_189 = arith.constant 1.000000e+00 : f32
    %sub3A_190 = vector.broadcast %sub3A_189 : f32 to vector<512x80xf32>
    %sub3A_191 = arith.subf %sub3A_190, %convert_element_type3A_163 : vector<512x80xf32>
    %abs3A_192 = math.absf %slice3A_158 : vector<512x80xf32>
    %neg3A_193 = arith.constant 0.000000e+00 : f32
    %neg3A_194 = vector.broadcast %neg3A_193 : f32 to vector<512x80xf32>
    %neg3A_195 = arith.subf %neg3A_194, %abs3A_192 : vector<512x80xf32>
    %exp3A_196 = math.exp %neg3A_195 : vector<512x80xf32>
    %add3A_197 = arith.constant 1.000000e+00 : f32
    %add3A_198 = vector.broadcast %add3A_197 : f32 to vector<512x80xf32>
    %add3A_199 = arith.addf %add3A_198, %exp3A_196 : vector<512x80xf32>
    %div3A_200 = arith.constant 1.000000e+00 : f32
    %div3A_201 = vector.broadcast %div3A_200 : f32 to vector<512x80xf32>
    %div3A_202 = arith.divf %div3A_201, %add3A_199 : vector<512x80xf32>
    %max3A_203 = arith.constant 0.000000e+00 : f32
    %max3A_204 = vector.broadcast %max3A_203 : f32 to vector<512x80xf32>
    %max3A_205 = arith.maximumf %slice3A_158, %max3A_204 : vector<512x80xf32>
    %log1p3A_206 = math.log1p %exp3A_196 : vector<512x80xf32>
    %add3A_207 = arith.addf %max3A_205, %log1p3A_206 : vector<512x80xf32>
    %ge3A_208 = arith.constant 0.000000e+00 : f32
    %ge3A_209 = vector.broadcast %ge3A_208 : f32 to vector<512x80xf32>
    %ge3A_210 = arith.cmpf oge, %slice3A_158, %ge3A_209 : vector<512x80xf32>
    %mul3A_211 = arith.mulf %exp3A_196, %div3A_202 : vector<512x80xf32>
    %select_n3A_212 = arith.select %ge3A_210, %div3A_202, %mul3A_211 : vector<512x80xi1>, vector<512x80xf32>
    %mul3A_213 = arith.mulf %add3A_207, %select_n3A_212 : vector<512x80xf32>
    %mul3A_214 = arith.mulf %mul3A_213, %select_n3A_212 : vector<512x80xf32>
    %mul3A_215 = arith.mulf %sub3A_191, %mul3A_214 : vector<512x80xf32>
    %add3A_216 = arith.addf %mul3A_188, %mul3A_215 : vector<512x80xf32>
    %mul3A_217 = vector.broadcast %slice3A_65 : vector<512x1xf32> to vector<512x80xf32>
    %mul3A_218 = arith.mulf %add3A_216, %mul3A_217 : vector<512x80xf32>
    %reduce_sum3A_219 = vector.shape_cast %mul3A_218 : vector<512x80xf32> to vector<1x512x80xf32>
    %reduce_sum3A_220 = arith.constant dense<0.000000e+00> : vector<1xf32>
    %reduce_sum3A_221 = vector.multi_reduction <add>, %reduce_sum3A_219, %reduce_sum3A_220 [1, 2] : vector<1x512x80xf32> to vector<1xf32>
    %reduce_sum3A_222 = vector.shape_cast %reduce_sum3A_221 : vector<1xf32> to vector<1x1x1xf32>
    %reduce_sum3A_223 = vector.extract %reduce_sum3A_222[0, 0, 0] : f32 from vector<1x1x1xf32>
    %iota3A_224 = tpu.iota {dimensions = array<i32: 1>} : vector<8x128xi32>
    %iota3A_225 = tpu.iota {dimensions = array<i32: 0>} : vector<8x128xi32>
    %eq3A_226 = arith.constant 0 : i32
    %eq3A_227 = vector.broadcast %eq3A_226 : i32 to vector<8x128xi32>
    %eq3A_228 = arith.cmpi eq, %iota3A_225, %eq3A_227 : vector<8x128xi32>
    %convert_element_type3A_229 = arith.extui %eq3A_228 : vector<8x128xi1> to vector<8x128xi32>
    %convert_element_type3A_230 = arith.sitofp %convert_element_type3A_229 : vector<8x128xi32> to vector<8x128xf32>
    %eq3A_231 = arith.constant 0 : i32
    %eq3A_232 = vector.broadcast %eq3A_231 : i32 to vector<8x128xi32>
    %eq3A_233 = arith.cmpi eq, %iota3A_224, %eq3A_232 : vector<8x128xi32>
    %jit3A_234 = arith.constant 0.000000e+00 : f32
    %broadcast_in_dim3A = vector.broadcast %reduce_sum3A_90 : f32 to vector<8x128xf32>
    %broadcast_in_dim3A_235 = vector.broadcast %jit3A_234 : f32 to vector<8x128xf32>
    %select_n3A_236 = arith.select %eq3A_233, %broadcast_in_dim3A, %broadcast_in_dim3A_235 : vector<8x128xi1>, vector<8x128xf32>
    %eq3A_237 = arith.constant 1 : i32
    %eq3A_238 = vector.broadcast %eq3A_237 : i32 to vector<8x128xi32>
    %eq3A_239 = arith.cmpi eq, %iota3A_224, %eq3A_238 : vector<8x128xi32>
    %jit3A_240 = arith.constant 0.000000e+00 : f32
    %broadcast_in_dim3A_241 = vector.broadcast %reduce_sum3A_103 : f32 to vector<8x128xf32>
    %broadcast_in_dim3A_242 = vector.broadcast %jit3A_240 : f32 to vector<8x128xf32>
    %select_n3A_243 = arith.select %eq3A_239, %broadcast_in_dim3A_241, %broadcast_in_dim3A_242 : vector<8x128xi1>, vector<8x128xf32>
    %add3A_244 = arith.addf %select_n3A_236, %select_n3A_243 : vector<8x128xf32>
    %eq3A_245 = arith.constant 2 : i32
    %eq3A_246 = vector.broadcast %eq3A_245 : i32 to vector<8x128xi32>
    %eq3A_247 = arith.cmpi eq, %iota3A_224, %eq3A_246 : vector<8x128xi32>
    %jit3A_248 = arith.constant 0.000000e+00 : f32
    %broadcast_in_dim3A_249 = vector.broadcast %reduce_sum3A_128 : f32 to vector<8x128xf32>
    %broadcast_in_dim3A_250 = vector.broadcast %jit3A_248 : f32 to vector<8x128xf32>
    %select_n3A_251 = arith.select %eq3A_247, %broadcast_in_dim3A_249, %broadcast_in_dim3A_250 : vector<8x128xi1>, vector<8x128xf32>
    %add3A_252 = arith.addf %add3A_244, %select_n3A_251 : vector<8x128xf32>
    %eq3A_253 = arith.constant 3 : i32
    %eq3A_254 = vector.broadcast %eq3A_253 : i32 to vector<8x128xi32>
    %eq3A_255 = arith.cmpi eq, %iota3A_224, %eq3A_254 : vector<8x128xi32>
    %jit3A_256 = arith.constant 0.000000e+00 : f32
    %broadcast_in_dim3A_257 = vector.broadcast %reduce_sum3A_157 : f32 to vector<8x128xf32>
    %broadcast_in_dim3A_258 = vector.broadcast %jit3A_256 : f32 to vector<8x128xf32>
    %select_n3A_259 = arith.select %eq3A_255, %broadcast_in_dim3A_257, %broadcast_in_dim3A_258 : vector<8x128xi1>, vector<8x128xf32>
    %add3A_260 = arith.addf %add3A_252, %select_n3A_259 : vector<8x128xf32>
    %eq3A_261 = arith.constant 4 : i32
    %eq3A_262 = vector.broadcast %eq3A_261 : i32 to vector<8x128xi32>
    %eq3A_263 = arith.cmpi eq, %iota3A_224, %eq3A_262 : vector<8x128xi32>
    %jit3A_264 = arith.constant 0.000000e+00 : f32
    %broadcast_in_dim3A_265 = vector.broadcast %reduce_sum3A_223 : f32 to vector<8x128xf32>
    %broadcast_in_dim3A_266 = vector.broadcast %jit3A_264 : f32 to vector<8x128xf32>
    %select_n3A_267 = arith.select %eq3A_263, %broadcast_in_dim3A_265, %broadcast_in_dim3A_266 : vector<8x128xi1>, vector<8x128xf32>
    %add3A_268 = arith.addf %add3A_260, %select_n3A_267 : vector<8x128xf32>
    %mul3A_269 = arith.mulf %add3A_268, %convert_element_type3A_230 : vector<8x128xf32>
    %swap3A = arith.constant 0 : index
    %swap3A_270 = arith.constant 0 : index
    %swap3A_271 = arith.constant 0 : index
    %swap3A_272 = vector.load %arg3[%swap3A, %swap3A_270, %swap3A_271] : memref<1x8x128xf32, #tpu.memory_space<vmem>>, vector<1x8x128xf32>
    %swap3A_273 = vector.shape_cast %swap3A_272 : vector<1x8x128xf32> to vector<8x128xf32>
    %swap3A_274 = vector.shape_cast %mul3A_269 : vector<8x128xf32> to vector<1x8x128xf32>
    tpu.vector_store %arg3[%swap3A, %swap3A_270, %swap3A_271], %swap3A_274 {strides = array<i32>} : memref<1x8x128xf32, #tpu.memory_space<vmem>>, vector<1x8x128xf32>,
    return
  }
  func.func @transform_0(%arg0: i32) -> (i32, i32, i32) {
    %c0_i32 = arith.constant 0 : i32
    %c0_i32_0 = arith.constant 0 : i32
    %c0_i32_1 = arith.constant 0 : i32
    return %arg0, %c0_i32, %c0_i32_0 : i32, i32, i32
  }
  func.func @transform_1(%arg0: i32) -> (i32, i32, i32) {
    %c0_i32 = arith.constant 0 : i32
    %c0_i32_0 = arith.constant 0 : i32
    %c0_i32_1 = arith.constant 0 : i32
    return %arg0, %c0_i32, %c0_i32_0 : i32, i32, i32
  }
  func.func @transform_2(%arg0: i32) -> (i32, i32, i32) {
    %c0_i32 = arith.constant 0 : i32
    %c0_i32_0 = arith.constant 0 : i32
    %c0_i32_1 = arith.constant 0 : i32
    return %arg0, %c0_i32, %c0_i32_0 : i32, i32, i32
  }
}

</mosaic_0001>

<sc_bundles>
// kernel: kernel.8.cloned.1.call-start
scs
__scs_entry_jumppad:
0x0: {  	(pc) =	sbr.rel $0x88, $3  }
0x1: {  	(tag) =	ssettag $0x0;
	lr =	simm.s32 $0x1  }
0x2: {  	[smem:$0x3F9D] =	sst lr;
	_ =	strace $0xD0000000  }
0x3: {  	_ = 	snop  }
0x4: {  	_ = 	snop  }
0x5: {  	_ = 	snop  }
0x6: {  	_ = 	snop  }
0x7: {  	_ = 	snop  }
__scs_overlays_trampoline_lowered:
0x8: {  	[smem:$0x3FAC] =	sst s0  }
0x9: {  	[smem:$0x3FAD] =	sst s1  }
0xa: {  	[smem:$0x3FAE] =	sst s2  }
0xb: {  	[smem:$0x3FAF] =	sst s3  }
0xc: {  	[smem:$0x3FB0] =	sst s4  }
0xd: {  	[smem:$0x3FB1] =	sst s5  }
0xe: {  	[smem:$0x3FB2] =	sst s6  }
0xf: {  	[smem:$0x3FB3] =	sst s7  }
0x10: {  	[smem:$0x3FB4] =	sst s8  }
0x11: {  	[smem:$0x3FB5] =	sst s9;
	s0 =	simm.s32 @!p0 $0x0  }
0x12: {  	s1 =	sld [smem:$0x3F9B];
	s0 =	simm.s32 @p0 $0x1  }
0x13: {  	[smem:$0x3FB6] =	sst s0;
	s0 =	simm.s32 @!p1 $0x0  }
0x14: {  	s2 =	sld [smem:$0x3F9A];
	s0 =	simm.s32 @p1 $0x1  }
0x15: {  	[smem:$0x3FB7] =	sst s0;
	s0 =	simm.s32 @!p2 $0x0  }
0x16: {  	s3 =	sld [smem:$0x3FDB];
	s0 =	simm.s32 @p2 $0x1  }
0x17: {  	s4 =	simm.s32 $0x1BF5;
	[smem:$0x3FB9] =	sst s0  }
0x18: {  	s0 =	sld [smem:$0x3F9C];
	_ =	swait.ge [sflag:s4], $0x0  }
0x19: {  	s7 =	sld [smem:$0x3F9D]  }
0x1a: {  	s8 =	sadd.s32 $0xFFFFE003, lr  }
0x1b: {  	s9 =	sadd.s32 $0xFFFFFEF7, lr;
	s5 =	simm.s32 $0xFFFFFFFF;
	p2 =	slt.u32 s8, $0xFFFFF086  }
0x1c: {  	p1 =	slt.u32 s9, $0xF7A;
	s5 =	simm.s32 @!p2 $0x0  }
0x1d: {  	s5 =	simm.s32 @p1 $0x1;
	p0 =	seq.s32 s7, s2  }
0x1e: {  	s7 =	smul.u32 @!p0 $0xF7A, s2;
	p2 =	seq.s32 @!p0 s5, $0x0  }
0x1f: {  	s9 =	smul.u32 $0xF7A, s1;
	s8 =	simm.s32 @!p0 $0x1BF5;
	p2 =	por !p2, p0  }
0x20: {  	[sflag:s8] =	ssyncset.s32 @!p0 $0xFFFFF086;
	s6 =	sadd.s32 @!p0 s3, s7;
	s7 =	simm.s32 @!p0 $0x108  }
0x21: {  	s3 =	sadd.s32 s3, s9;
	s6 =	sadd.s32 @!p0 $0x88, s6;
	s7 =	simm.s32 @p2 $0x1082  }
0x22: {  	[simem:s7], [sflag:s8] =	dma.local @!p0 [hbm:s6], $0xF7A  }
0x23: {  	s9 =	sor.u32 $0xD0000000, s2;
	s6 =	simm.s32 $0x108;
	_ =	swait.ge @!p0 [sflag:s8], $0x0  }
0x24: {  	s3 =	sadd.s32 $0x88, s3;
	s6 =	simm.s32 @!p1 $0x1082;
	[sflag:s4] =	ssyncset.s32 $0xFFFFF086  }
0x25: {  	[simem:s6], [sflag:s4] =	dma.local [hbm:s3], $0xF7A  }
0x26: {  	[smem:$0x3F9D] =	sst s1;
	(tag) =	ssettag s2;
	_ =	strace s9  }
0x27: {  	s1 =	sld [smem:$0x3FAD]  }
0x28: {  	s2 =	sld [smem:$0x3FAE]  }
0x29: {  	s4 =	sld [smem:$0x3FB0]  }
0x2a: {  	p0 =	seq.s32 s5, $0x0;
	s5 =	sld [smem:$0x3FB1]  }
0x2b: {  	s6 =	sld [smem:$0x3FB2]  }
0x2c: {  	s7 =	sld [smem:$0x3FB3]  }
0x2d: {  	s3 =	simm.s32 $0x108;
	s8 =	sld [smem:$0x3FB4]  }
0x2e: {  	s3 =	simm.s32 @!p0 $0x1082;
	s9 =	sld [smem:$0x3FB5]  }
0x2f: {  	lr =	sadd.s32 s0, s3;
	s0 =	sld [smem:$0x3FAC]  }
0x30: {  	s3 =	sld [smem:$0x3FAF]  }
0x31: {  	[smem:$0x3FB8] =	sst s10  }
0x32: {  	s10 =	sld [smem:$0x3FB6];
	_ =	sdelay $0x3  }
0x33: {  	p0 =	seq.s32 s10, $0x1;
	s10 =	sld [smem:$0x3FB8];
	_ =	sdelay $0x3  }
0x34: {  	[smem:$0x3FB8] =	sst s10  }
0x35: {  	s10 =	sld [smem:$0x3FB7];
	_ =	sdelay $0x3  }
0x36: {  	p1 =	seq.s32 s10, $0x1;
	s10 =	sld [smem:$0x3FB8];
	_ =	sdelay $0x3  }
0x37: {  	[smem:$0x3FB8] =	sst s10  }
0x38: {  	s10 =	sld [smem:$0x3FB9]  }
0x39: {  	_ = 	snop;
	(pc) =	sbr.ind lr, $3  }
0x3a: {  	_ = 	snop  }
0x3b: {  	_ = 	snop  }
0x3c: {  	p2 =	seq.s32 s10, $0x1;
	s10 =	sld [smem:$0x3FB8]  }
0x3d: {  	_ =	shalt  }
0x3e: {  	_ =	shalt  }
0x3f: {  	_ =	shalt  }
0x40: {  	_ =	shalt  }
0x41: {  	_ =	shalt  }
0x42: {  	_ =	shalt  }
0x43: {  	_ =	shalt  }
0x44: {  	_ =	shalt  }
0x45: {  	_ =	shalt  }
0x46: {  	_ =	shalt  }
0x47: {  	_ =	shalt  }
0x48: {  	_ =	shalt  }
0x49: {  	_ =	shalt  }
0x4a: {  	_ =	shalt  }
0x4b: {  	_ =	shalt  }
0x4c: {  	_ =	shalt  }
0x4d: {  	_ =	shalt  }
0x4e: {  	_ =	shalt  }
0x4f: {  	_ =	shalt  }
0x50: {  	_ =	shalt  }
0x51: {  	_ =	shalt  }
0x52: {  	_ =	shalt  }
0x53: {  	_ =	shalt  }
0x54: {  	_ =	shalt  }
0x55: {  	_ =	shalt  }
0x56: {  	_ =	shalt  }
0x57: {  	_ =	shalt  }
0x58: {  	_ =	shalt  }
0x59: {  	_ =	shalt  }
0x5a: {  	_ =	shalt  }
0x5b: {  	_ =	shalt  }
0x5c: {  	_ =	shalt  }
0x5d: {  	_ =	shalt  }
0x5e: {  	_ =	shalt  }
0x5f: {  	_ =	shalt  }
0x60: {  	_ =	shalt  }
0x61: {  	_ =	shalt  }
0x62: {  	_ =	shalt  }
0x63: {  	_ =	shalt  }
0x64: {  	_ =	shalt  }
0x65: {  	_ =	shalt  }
0x66: {  	_ =	shalt  }
0x67: {  	_ =	shalt  }
0x68: {  	_ =	shalt  }
0x69: {  	_ =	shalt  }
0x6a: {  	_ =	shalt  }
0x6b: {  	_ =	shalt  }
0x6c: {  	_ =	shalt  }
0x6d: {  	_ =	shalt  }
0x6e: {  	_ =	shalt  }
0x6f: {  	_ =	shalt  }
0x70: {  	_ =	shalt  }
0x71: {  	_ =	shalt  }
0x72: {  	_ =	shalt  }
0x73: {  	_ =	shalt  }
0x74: {  	_ =	shalt  }
0x75: {  	_ =	shalt  }
0x76: {  	_ =	shalt  }
0x77: {  	_ =	shalt  }
0x78: {  	_ =	shalt  }
0x79: {  	_ =	shalt  }
0x7a: {  	_ =	shalt  }
0x7b: {  	_ =	shalt  }
0x7c: {  	_ =	shalt  }
0x7d: {  	_ =	shalt  }
0x7e: {  	_ =	shalt  }
0x7f: {  	_ =	shalt  }
0x80: {  	_ =	shalt  }
0x81: {  	_ =	shalt  }
0x82: {  	_ =	shalt  }
0x83: {  	_ =	shalt  }
0x84: {  	_ =	shalt  }
0x85: {  	_ =	shalt  }
0x86: {  	_ =	shalt  }
0x87: {  	_ =	shalt  }
.Lfunc_end0:
.L_simem_size_0:
called_computation_lowered:
.L_overlay_start_0:
0x88: {  	s2 =	sld [smem:$0x3FD9]  }
0x89: {  	s3 =	sld [smem:$0x3FFE];
	_ =	sdelay $0x1  }
0x8a: {  	s1 =	srdreg.scid  }
0x8b: {  	s0 =	sand.u32 $0x1, s1  }
0x8c: {  	s16 =	sshll.u32 s0, $0xA;
	s2 =	sadd.s32 s3, s2  }
0x8d: {  	s2 =	sadd.s32 s2, s16  }
0x8e: {  	[smem:$0x3FC4] =	sst s2  }
0x8f: {  	_ = 	snop  }
0x90: {  	(tm) =	ssettm $0x1  }
0x91: {  	s17 =	sld [smem:$0x3FFB];
	_ =	sdelay $0x3  }
0x92: {  	_ =	strace s17  }
0x93: {  	s2 =	sld [smem:$0x3FFC];
	_ =	sdelay $0x3  }
0x94: {  	_ =	strace s2  }
0x95: {  	s2 =	sld [smem:$0x3FFD];
	_ =	sdelay $0x3  }
0x96: {  	_ =	strace s2  }
0x97: {  	_ =	strace $0x8FFFFFFF  }
0x98: {  	s18 =	sld [smem:$0x3FDB];
	_ =	sdelay $0x1  }
0x99: {  	s19 =	simm.s32 $_scs_section_size  }
0x9a: {  	s4 =	simm.s32 $_size__tile_overlayer_lowered;
	s5 =	simm.s32 $_tile_overlayer_lowered  }
0x9b: {  	s22 =	simm.s32 $0x1BFF;
	s21 =	sshll.u32 s5, $0x1;
	s2 =	sadd.s32 s19, s18  }
0x9c: {  	s6 =	simm.s32 $0x0;
	s20 =	sshll.u32 s4, $0x1;
	s4 =	sadd.s32 s21, s2  }
0x9d: {  	[timem:s6], [sflag:s22] =	dma.local [hbm:s4], s20  }
0x9e: {  	_ =	swait.ge [sflag:s22], s20  }
0x9f: {  	s3 =	ssub.s32 $0x0, s20;
	[sflag:s22] =	ssyncset.done $0x0  }
0xa0: {  	[sflag:s22] =	ssyncadd.s32 s3;
	_ =	sdelay $0x1  }
0xa1: {  	s23 =	simm.s32 $0x1B8B  }
0xa2: {  	_ =	swait.ge [sflag:s23], $0x1  }
0xa3: {  	[sflag:s23] =	ssyncset.done $0x0  }
0xa4: {  	s25 =	simm.s32 $0x1B8E;
	s24 =	sld [smem:$0x3FFE];
	[sflag:s23] =	ssyncadd.s32 $0xFFFFFFFF  }
0xa5: {  	s26 =	simm.s32 $execute0_lowered;
	[smem:$0x3FD2] =	sst s25  }
0xa6: {  	s4 =	sshll.u32 s26, $0x1;
	_ =	strace $0x80000046;
	[dreg:$0x1] =	wrdreg $0xFFFFFFFF  }
0xa7: {  	s28 =	simm.s32 $_size_execute0_lowered;
	s2 =	sadd.s32 s2, s4;
	[dreg:$0x0] =	wrdreg $0x0  }
0xa8: {  	s4 =	sshll.u32 s28, $0x1;
	[dreg:$0x2] =	wrdreg s2  }
0xa9: {  	[dreg:$0x3] =	wrdreg s4  }
0xaa: {  	[dreg:$0x4] =	wrdreg $0xC0  }
0xab: {  	_ =	task [dreg:s6], $0x5FFFF  }
0xac: {  	[dreg:$0x1] =	wrdreg $0xFFFFFFFF  }
0xad: {  	[dreg:$0x0] =	wrdreg $0x60  }
0xae: {  	[dreg:$0x2] =	wrdreg s24  }
0xaf: {  	[dreg:$0x3] =	wrdreg $0x9  }
0xb0: {  	_ =	task.clear_ibuf [dreg:s6], $0x4FFFF;
	_ =	strace $0x90000046  }
0xb1: {  	s29 =	simm.s32 $0x9;
	_ =	strace $0x80000048  }
0xb2: {  	_ =	swait.ge [sflag:s29], $0x1  }
0xb3: {  	[sflag:s29] =	ssyncadd.s32 $0xFFFFFFFF  }
0xb4: {  	_ =	strace $0x90000048  }
0xb5: {  	_ =	sfence  }
0xb6: {  	s30 =	sld [smem:$0x0];
	_ =	sdelay $0x2  }
0xb7: {  	s31 =	sshll.u32 s1, $0xD;
	s1 =	sshrl.u32 s1, $0x2  }
0xb8: {  	s3 =	sand.u32 $0x4000, s31;
	s1 =	sadd.s32 s1, s30  }
0xb9: {  	s0 =	sor.u32 s3, s0;
	s1 =	sshll.u32 s1, $0x11  }
0xba: {  	s0 =	sor.u32 s1, s0  }
0xbb: {  	s0 =	sadd.s32 $0x8F2B, s0  }
0xbc: {  	[sflag:s0] =	ssyncadd.remote.s32 $0x1  }
0xbd: {  	_ =	sfence.sel $0xFFFF  }
0xbe: {  	[dreg:$0x0] =	wrdreg $0xFFFFFFFF;
	(pc) =	sbr.abs _section_cstart, $3  }
0xbf: {  	[dreg:$0x1] =	wrdreg $0xFFFFFFFF  }
0xc0: {  	_ =	task.clear_ibuf [dreg:s6], $0x2FFFF;
	_ =	strace $0x9FFFFFFF  }
0xc1: {  	(tm) =	ssettm $0x7FFFFFFF  }
tec
execute0_lowered:
.L_overlay_start_1:
0x0: {  	(tag) =	ssettag $0x1  }
0x1: {  	s1 =	srdreg.scid;
	s0 =	stileid.u32  }
0x2: {  	s1 =	sand.u32 $0x1, s1;
	s2 =	sshll.u32 s0, $0x1  }
0x3: {  	s5 =	rddreg [dreg:$0x0];
	s3 =	sor.u32 s1, s2;
	s2 =	simm.s32 $0x0  }
0x4: {  	s18 =	simm.s32 $0x1270;
	[smem:$0x7FF] =	sst s2  }
0x5: {  	s19 =	simm.s32 $0xA0;
	_ =	strace $0x80000047;
	[dreg:$0x8] =	wrdreg s18  }
0x6: {  	s20 =	simm.s32 $0x14F0;
	[dreg:$0x9] =	wrdreg s19  }
0x7: {  	s21 =	simm.s32 $0xF0;
	[dreg:$0xa] =	wrdreg s20  }
0x8: {  	s22 =	simm.s32 $0x1770;
	[dreg:$0xb] =	wrdreg s21  }
0x9: {  	s23 =	simm.s32 $0x140;
	[dreg:$0xc] =	wrdreg s22  }
0xa: {  	s24 =	simm.s32 $0x19F0;
	[dreg:$0xd] =	wrdreg s23  }
0xb: {  	s25 =	simm.s32 $0x190;
	[dreg:$0xe] =	wrdreg s24  }
0xc: {  	s26 =	simm.s32 $0x1C70;
	[dreg:$0xf] =	wrdreg s25  }
0xd: {  	s0 =	simm.s32 $0x1E0;
	[dreg:$0x10] =	wrdreg s26  }
0xe: {  	s7 =	simm.s32 $0x2170;
	[dreg:$0x11] =	wrdreg s0  }
0xf: {  	s8 =	simm.s32 $0x280;
	[dreg:$0x14] =	wrdreg s7  }
0x10: {  	s9 =	simm.s32 $0x23F0;
	[dreg:$0x15] =	wrdreg s8  }
0x11: {  	s10 =	simm.s32 $0x2D0;
	[dreg:$0x16] =	wrdreg s9  }
0x12: {  	s11 =	simm.s32 $0x2670;
	[dreg:$0x17] =	wrdreg s10  }
0x13: {  	s12 =	simm.s32 $0x320;
	[dreg:$0x18] =	wrdreg s11  }
0x14: {  	s13 =	simm.s32 $0x28F0;
	[dreg:$0x19] =	wrdreg s12  }
0x15: {  	s14 =	simm.s32 $0x370;
	[dreg:$0x1a] =	wrdreg s13  }
0x16: {  	[dreg:$0x1b] =	wrdreg s14;
	s18 =	simm.s32 $0x410  }
0x17: {  	s19 =	simm.s32 $0x3070;
	[dreg:$0x1f] =	wrdreg s18  }
0x18: {  	s20 =	simm.s32 $0x460;
	[smem:$0x7C8] =	sst s19  }
0x19: {  	s21 =	simm.s32 $0x32F0;
	[smem:$0x7C9] =	sst s20  }
0x1a: {  	s22 =	simm.s32 $0x4B0;
	[smem:$0x7CA] =	sst s21  }
0x1b: {  	s23 =	simm.s32 $0x3570;
	[smem:$0x7CB] =	sst s22  }
0x1c: {  	s24 =	simm.s32 $0x500;
	[smem:$0x7CC] =	sst s23  }
0x1d: {  	s25 =	simm.s32 $0x37F0;
	[smem:$0x7CD] =	sst s24  }
0x1e: {  	s26 =	simm.s32 $0x5A0;
	[smem:$0x7CE] =	sst s25  }
0x1f: {  	s0 =	simm.s32 $0x3CF0;
	[smem:$0x7CF] =	sst s26  }
0x20: {  	s7 =	simm.s32 $0x640;
	[smem:$0x7D0] =	sst s0  }
0x21: {  	s8 =	simm.s32 $0x41F0;
	[smem:$0x7D3] =	sst s7  }
0x22: {  	s9 =	simm.s32 $0x690;
	[smem:$0x7D4] =	sst s8  }
0x23: {  	s10 =	simm.s32 $0x4470;
	[smem:$0x7D5] =	sst s9  }
0x24: {  	s11 =	simm.s32 $0x6E0;
	[smem:$0x7D6] =	sst s10  }
0x25: {  	s12 =	simm.s32 $0x46F0;
	[smem:$0x7D7] =	sst s11  }
0x26: {  	s13 =	simm.s32 $0x730;
	[smem:$0x7D8] =	sst s12  }
0x27: {  	s14 =	simm.s32 $0x4970;
	[smem:$0x7D9] =	sst s13  }
0x28: {  	[smem:$0x7DA] =	sst s14;
	s18 =	simm.s32 $0x4E70  }
0x29: {  	s19 =	simm.s32 $0x820;
	[smem:$0x7DE] =	sst s18  }
0x2a: {  	s20 =	simm.s32 $0x50F0;
	[smem:$0x7DF] =	sst s19  }
0x2b: {  	s21 =	simm.s32 $0x870;
	[smem:$0x7E0] =	sst s20  }
0x2c: {  	s22 =	simm.s32 $0x5370;
	[smem:$0x7E1] =	sst s21  }
0x2d: {  	s23 =	simm.s32 $0x8C0;
	[smem:$0x7E2] =	sst s22  }
0x2e: {  	s24 =	simm.s32 $0x55F0;
	[smem:$0x7E3] =	sst s23  }
0x2f: {  	s25 =	simm.s32 $0x910;
	[smem:$0x7E4] =	sst s24  }
0x30: {  	s26 =	simm.s32 $0x5870;
	[smem:$0x7E5] =	sst s25  }
0x31: {  	s0 =	simm.s32 $0x960;
	[smem:$0x7E6] =	sst s26  }
0x32: {  	s7 =	simm.s32 $0x5D70;
	[smem:$0x7E7] =	sst s0  }
0x33: {  	s8 =	simm.s32 $0xA00;
	[smem:$0x7EA] =	sst s7  }
0x34: {  	s9 =	simm.s32 $0x5FF0;
	[smem:$0x7EB] =	sst s8  }
0x35: {  	s10 =	simm.s32 $0xA50;
	[smem:$0x7EC] =	sst s9  }
0x36: {  	s11 =	simm.s32 $0x6270;
	[smem:$0x7ED] =	sst s10  }
0x37: {  	s12 =	simm.s32 $0xAF0;
	[smem:$0x7EE] =	sst s11  }
0x38: {  	s13 =	simm.s32 $0x6770;
	[smem:$0x7EF] =	sst s12  }
0x39: {  	s14 =	simm.s32 $0xB40;
	[smem:$0x7F0] =	sst s13  }
0x3a: {  	s28 =	simm.s32 $0xF50;
	[smem:$0x7F1] =	sst s14;
	s18 =	simm.s32 $0xBE0  }
0x3b: {  	s29 =	simm.s32 $0x8A70;
	s19 =	simm.s32 $0x6EF0;
	[smem:$0x7F5] =	sst s18  }
0x3c: {  	s30 =	simm.s32 $0xFA0;
	s20 =	simm.s32 $0xC30;
	[smem:$0x7F6] =	sst s19  }
0x3d: {  	s31 =	simm.s32 $0x8CF0;
	s21 =	simm.s32 $0x7170;
	[smem:$0x7F7] =	sst s20  }
0x3e: {  	s1 =	ssub.s32 $0x2, s1;
	s22 =	simm.s32 $0xC80;
	[smem:$0x7F8] =	sst s21  }
0x3f: {  	s4 =	smul.u32 $0x550, s3;
	s23 =	simm.s32 $0x73F0;
	[smem:$0x7F9] =	sst s22  }
0x40: {  	s3 =	smul.u32 $0x2A80, s3;
	s24 =	simm.s32 $0xCD0;
	[smem:$0x7FA] =	sst s23  }
0x41: {  	s4 =	sshrl.u32 s4, $0x3;
	s25 =	simm.s32 $0x7670;
	[smem:$0x7FB] =	sst s24  }
0x42: {  	s4 =	sadd.s32 s4, s5;
	s26 =	simm.s32 $0xD20;
	[smem:$0x7FC] =	sst s25  }
0x43: {  	s3 =	sshrl.u32 s3, $0x3;
	s6 =	sadd.s32 $0x4400, s4;
	[smem:$0x7FD] =	sst s26  }
0x44: {  	s3 =	sadd.s32 s3, s5;
	s15 =	sadd.s32 $0x5940, s4;
	[dreg:$0x2] =	wrdreg s6  }
0x45: {  	s7 =	sshrl.u32 s1, $0x1;
	s4 =	sadd.s32 $0x6E80, s4;
	[dreg:$0x3] =	wrdreg s15  }
0x46: {  	s8 =	simm.s32 $0x550;
	s16 =	sadd.s32 $0xD15400, s3;
	[dreg:$0x4] =	wrdreg s4  }
0x47: {  	s9 =	simm.s32 $0xAA0;
	s17 =	sadd.s32 $0xD1FE00, s3;
	[dreg:$0x5] =	wrdreg s16  }
0x48: {  	s10 =	simm.s32 $0x50;
	s3 =	sadd.s32 $0xD2A800, s3;
	[dreg:$0x6] =	wrdreg s17  }
0x49: {  	s11 =	simm.s32 $0xFF0;
	[dreg:$0x7] =	wrdreg s3;
	s4 =	simm.s32 $0x1EF0  }
0x4a: {  	s12 =	simm.s32 $0x3A70;
	s6 =	simm.s32 $0x230;
	[dreg:$0x12] =	wrdreg s4  }
0x4b: {  	s13 =	simm.s32 $0x64F0;
	s15 =	simm.s32 $0x2B70;
	[dreg:$0x13] =	wrdreg s6  }
0x4c: {  	s1 =	ssub.s32 s1, s7;
	s16 =	simm.s32 $0x3C0;
	[dreg:$0x1c] =	wrdreg s15  }
0x4d: {  	s7 =	simm.s32 $0x2;
	s17 =	simm.s32 $0x2DF0;
	[dreg:$0x1d] =	wrdreg s16  }
0x4e: {  	s18 =	simm.s32 $0x7DF0;
	[dreg:$0x1e] =	wrdreg s17;
	s4 =	simm.s32 $0x5F0  }
0x4f: {  	s19 =	simm.s32 $0xE10;
	s6 =	simm.s32 $0x3F70;
	[smem:$0x7D1] =	sst s4  }
0x50: {  	s20 =	simm.s32 $0x8070;
	s15 =	simm.s32 $0x780;
	[smem:$0x7D2] =	sst s6  }
0x51: {  	s21 =	simm.s32 $0xE60;
	s16 =	simm.s32 $0x4BF0;
	[smem:$0x7DB] =	sst s15  }
0x52: {  	s22 =	simm.s32 $0x82F0;
	s17 =	simm.s32 $0x7D0;
	[smem:$0x7DC] =	sst s16  }
0x53: {  	s23 =	simm.s32 $0xEB0;
	[smem:$0x7DD] =	sst s17;
	s4 =	simm.s32 $0x5AF0  }
0x54: {  	s24 =	simm.s32 $0x8570;
	s6 =	simm.s32 $0x9B0;
	[smem:$0x7E8] =	sst s4  }
0x55: {  	s25 =	simm.s32 $0xF00;
	s15 =	simm.s32 $0x69F0;
	[smem:$0x7E9] =	sst s6  }
0x56: {  	s3 =	sadd.s32 $0x9F8600, s5;
	s16 =	simm.s32 $0xB90;
	[smem:$0x7F2] =	sst s15  }
0x57: {  	s17 =	simm.s32 $0x6C70;
	s4 =	sadd.s32 $0x436200, s5;
	[smem:$0x7F3] =	sst s16  }
0x58: {  	s26 =	simm.s32 $0x87F0;
	s5 =	sadd.s32 $0x186C00, s5;
	[smem:$0x7F4] =	sst s17  }
0x59: {  	s6 =	smax.u32 s1, $0x1;
	s17 =	simm.s32 $0xDC0;
	s1 =	simm.s32 $0x1  }
.LBB2_1:
0x5a: {  	s0 =	rddreg [dreg:$0x2]  }
0x5b: {  	[tilespmem:s2], [sflag:$0x2] =	stream.linear.gather [hbm4b:s0+s2], $0x550, $0x38;
	[tilespmem:$0x8F70] =	vst v63  }
0x5c: {  	_ =	swait.ge [sflag:s7], $0x550  }
0x5d: {  	[sflag:s7] =	ssyncset.done $0x0  }
0x5e: {  	s14 =	rddreg [dreg:$0x3];
	[sflag:s7] =	ssyncadd.s32 $0xFFFFFAB0  }
0x5f: {  	[tilespmem:s8], [sflag:$0x2] =	stream.linear.gather [hbm4b:s14+s2], $0x550, $0x38;
	[tilespmem:$0x8F70] =	vst v63  }
0x60: {  	_ =	swait.ge [sflag:s7], $0x550  }
0x61: {  	[sflag:s7] =	ssyncset.done $0x0  }
0x62: {  	s15 =	rddreg [dreg:$0x4];
	[sflag:s7] =	ssyncadd.s32 $0xFFFFFAB0  }
0x63: {  	[tilespmem:s9], [sflag:$0x2] =	stream.linear.gather [hbm4b:s15+s2], $0x550, $0x38;
	[tilespmem:$0x8F70] =	vst v63  }
0x64: {  	_ =	swait.ge [sflag:s7], $0x550  }
0x65: {  	s16 =	rddreg [dreg:$0x8]  }
0x66: {  	[sflag:s7] =	ssyncset.done $0x0;
	s14 =	rddreg [dreg:$0x9]  }
0x67: {  	s15 =	rddreg [dreg:$0xa];
	[sflag:s7] =	ssyncadd.s32 $0xFFFFFAB0  }
0x68: {  	[tilespmem:s11], [sflag:$0x1] =	stream.indirect.gather [hbm4b:s3+s10], $0x8, s2, s10, $0xb8;
	[tilespmem:$0x8F70] =	vst v63  }
0x69: {  	s0 =	rddreg [dreg:$0xb]  }
0x6a: {  	[tilespmem:s16], [sflag:$0x1] =	stream.indirect.gather [hbm4b:s3+s10], $0x8, s10, s10, $0xb8;
	[tilespmem:$0x8F70] =	vst v63  }
0x6b: {  	s16 =	rddreg [dreg:$0xe]  }
0x6c: {  	[tilespmem:s15], [sflag:$0x1] =	stream.indirect.gather [hbm4b:s3+s10], $0x8, s14, s10, $0xb8;
	[tilespmem:$0x8F70] =	vst v63  }
0x6d: {  	s14 =	rddreg [dreg:$0xc]  }
0x6e: {  	s15 =	rddreg [dreg:$0xd]  }
0x6f: {  	[tilespmem:s14], [sflag:$0x1] =	stream.indirect.gather [hbm4b:s3+s10], $0x8, s0, s10, $0xb8;
	[tilespmem:$0x8F70] =	vst v63  }
0x70: {  	s0 =	rddreg [dreg:$0xf]  }
0x71: {  	s14 =	rddreg [dreg:$0x10]  }
0x72: {  	[tilespmem:s16], [sflag:$0x1] =	stream.indirect.gather [hbm4b:s3+s10], $0x8, s15, s10, $0xb8;
	[tilespmem:$0x8F70] =	vst v63  }
0x73: {  	s15 =	rddreg [dreg:$0x11]  }
0x74: {  	s16 =	rddreg [dreg:$0x12]  }
0x75: {  	[tilespmem:s14], [sflag:$0x1] =	stream.indirect.gather [hbm4b:s3+s10], $0x8, s0, s10, $0xb8;
	[tilespmem:$0x8F70] =	vst v63  }
0x76: {  	s0 =	rddreg [dreg:$0x13]  }
0x77: {  	s14 =	rddreg [dreg:$0x14]  }
0x78: {  	[tilespmem:s16], [sflag:$0x1] =	stream.indirect.gather [hbm4b:s3+s10], $0x8, s15, s10, $0xb8;
	[tilespmem:$0x8F70] =	vst v63  }
0x79: {  	s15 =	rddreg [dreg:$0x15]  }
0x7a: {  	s16 =	rddreg [dreg:$0x16]  }
0x7b: {  	[tilespmem:s14], [sflag:$0x1] =	stream.indirect.gather [hbm4b:s3+s10], $0x8, s0, s10, $0xb8;
	[tilespmem:$0x8F70] =	vst v63  }
0x7c: {  	s0 =	rddreg [dreg:$0x17]  }
0x7d: {  	s14 =	rddreg [dreg:$0x18]  }
0x7e: {  	[tilespmem:s16], [sflag:$0x1] =	stream.indirect.gather [hbm4b:s3+s10], $0x8, s15, s10, $0xb8;
	[tilespmem:$0x8F70] =	vst v63  }
0x7f: {  	s15 =	rddreg [dreg:$0x19]  }
0x80: {  	s16 =	rddreg [dreg:$0x1a]  }
0x81: {  	[tilespmem:s14], [sflag:$0x1] =	stream.indirect.gather [hbm4b:s3+s10], $0x8, s0, s10, $0xb8;
	[tilespmem:$0x8F70] =	vst v63  }
0x82: {  	s0 =	rddreg [dreg:$0x1b]  }
0x83: {  	s14 =	rddreg [dreg:$0x1c]  }
0x84: {  	[tilespmem:s16], [sflag:$0x1] =	stream.indirect.gather [hbm4b:s3+s10], $0x8, s15, s10, $0xb8;
	[tilespmem:$0x8F70] =	vst v63  }
0x85: {  	s15 =	rddreg [dreg:$0x1d]  }
0x86: {  	s16 =	rddreg [dreg:$0x1e]  }
0x87: {  	[tilespmem:s14], [sflag:$0x1] =	stream.indirect.gather [hbm4b:s3+s10], $0x8, s0, s10, $0xb8;
	[tilespmem:$0x8F70] =	vst v63  }
0x88: {  	s0 =	rddreg [dreg:$0x1f]  }
0x89: {  	s14 =	sld [smem:$0x7C8]  }
0x8a: {  	[tilespmem:s16], [sflag:$0x1] =	stream.indirect.gather [hbm4b:s3+s10], $0x8, s15, s10, $0xb8;
	[tilespmem:$0x8F70] =	vst v63  }
0x8b: {  	s15 =	sld [smem:$0x7C9]  }
0x8c: {  	s16 =	sld [smem:$0x7CA]  }
0x8d: {  	[tilespmem:s14], [sflag:$0x1] =	stream.indirect.gather [hbm4b:s3+s10], $0x8, s0, s10, $0xb8;
	[tilespmem:$0x8F70] =	vst v63  }
0x8e: {  	s0 =	sld [smem:$0x7CB]  }
0x8f: {  	s14 =	sld [smem:$0x7CC]  }
0x90: {  	[tilespmem:s16], [sflag:$0x1] =	stream.indirect.gather [hbm4b:s3+s10], $0x8, s15, s10, $0xb8;
	[tilespmem:$0x8F70] =	vst v63  }
0x91: {  	s15 =	sld [smem:$0x7CD]  }
0x92: {  	s16 =	sld [smem:$0x7CE]  }
0x93: {  	[tilespmem:s14], [sflag:$0x1] =	stream.indirect.gather [hbm4b:s3+s10], $0x8, s0, s10, $0xb8;
	[tilespmem:$0x8F70] =	vst v63  }
0x94: {  	s0 =	sld [smem:$0x7CF]  }
0x95: {  	s14 =	sld [smem:$0x7D0]  }
0x96: {  	[tilespmem:s16], [sflag:$0x1] =	stream.indirect.gather [hbm4b:s3+s10], $0x8, s15, s10, $0xb8;
	[tilespmem:$0x8F70] =	vst v63  }
0x97: {  	s15 =	sld [smem:$0x7D1]  }
0x98: {  	[tilespmem:s12], [sflag:$0x1] =	stream.indirect.gather [hbm4b:s4+s10], $0x8, s8, s10, $0xb8;
	[tilespmem:$0x8F70] =	vst v63  }
0x99: {  	s16 =	sld [smem:$0x7D2]  }
0x9a: {  	[tilespmem:s14], [sflag:$0x1] =	stream.indirect.gather [hbm4b:s4+s10], $0x8, s0, s10, $0xb8;
	[tilespmem:$0x8F70] =	vst v63  }
0x9b: {  	s0 =	sld [smem:$0x7D3]  }
0x9c: {  	s14 =	sld [smem:$0x7D4]  }
0x9d: {  	[tilespmem:s16], [sflag:$0x1] =	stream.indirect.gather [hbm4b:s4+s10], $0x8, s15, s10, $0xb8;
	[tilespmem:$0x8F70] =	vst v63  }
0x9e: {  	s15 =	sld [smem:$0x7D5]  }
0x9f: {  	s16 =	sld [smem:$0x7D6]  }
0xa0: {  	[tilespmem:s14], [sflag:$0x1] =	stream.indirect.gather [hbm4b:s4+s10], $0x8, s0, s10, $0xb8;
	[tilespmem:$0x8F70] =	vst v63  }
0xa1: {  	s0 =	sld [smem:$0x7D7]  }
0xa2: {  	s14 =	sld [smem:$0x7D8]  }
0xa3: {  	[tilespmem:s16], [sflag:$0x1] =	stream.indirect.gather [hbm4b:s4+s10], $0x8, s15, s10, $0xb8;
	[tilespmem:$0x8F70] =	vst v63  }
0xa4: {  	s15 =	sld [smem:$0x7D9]  }
0xa5: {  	s16 =	sld [smem:$0x7DA]  }
0xa6: {  	[tilespmem:s14], [sflag:$0x1] =	stream.indirect.gather [hbm4b:s4+s10], $0x8, s0, s10, $0xb8;
	[tilespmem:$0x8F70] =	vst v63  }
0xa7: {  	s0 =	sld [smem:$0x7DB]  }
0xa8: {  	s14 =	sld [smem:$0x7DC]  }
0xa9: {  	[tilespmem:s16], [sflag:$0x1] =	stream.indirect.gather [hbm4b:s4+s10], $0x8, s15, s10, $0xb8;
	[tilespmem:$0x8F70] =	vst v63  }
0xaa: {  	s15 =	sld [smem:$0x7DD]  }
0xab: {  	s16 =	sld [smem:$0x7DE]  }
0xac: {  	[tilespmem:s14], [sflag:$0x1] =	stream.indirect.gather [hbm4b:s4+s10], $0x8, s0, s10, $0xb8;
	[tilespmem:$0x8F70] =	vst v63  }
0xad: {  	s0 =	sld [smem:$0x7DF]  }
0xae: {  	s14 =	sld [smem:$0x7E0]  }
0xaf: {  	[tilespmem:s16], [sflag:$0x1] =	stream.indirect.gather [hbm4b:s4+s10], $0x8, s15, s10, $0xb8;
	[tilespmem:$0x8F70] =	vst v63  }
0xb0: {  	s15 =	sld [smem:$0x7E1]  }
0xb1: {  	s16 =	sld [smem:$0x7E2]  }
0xb2: {  	[tilespmem:s14], [sflag:$0x1] =	stream.indirect.gather [hbm4b:s4+s10], $0x8, s0, s10, $0xb8;
	[tilespmem:$0x8F70] =	vst v63  }
0xb3: {  	s0 =	sld [smem:$0x7E3]  }
0xb4: {  	s14 =	sld [smem:$0x7E4]  }
0xb5: {  	[tilespmem:s16], [sflag:$0x1] =	stream.indirect.gather [hbm4b:s4+s10], $0x8, s15, s10, $0xb8;
	[tilespmem:$0x8F70] =	vst v63  }
0xb6: {  	s15 =	sld [smem:$0x7E5]  }
0xb7: {  	s16 =	sld [smem:$0x7E6]  }
0xb8: {  	[tilespmem:s14], [sflag:$0x1] =	stream.indirect.gather [hbm4b:s4+s10], $0x8, s0, s10, $0xb8;
	[tilespmem:$0x8F70] =	vst v63  }
0xb9: {  	s0 =	sld [smem:$0x7E7]  }
0xba: {  	s14 =	sld [smem:$0x7E8]  }
0xbb: {  	[tilespmem:s16], [sflag:$0x1] =	stream.indirect.gather [hbm4b:s4+s10], $0x8, s15, s10, $0xb8;
	[tilespmem:$0x8F70] =	vst v63  }
0xbc: {  	s15 =	sld [smem:$0x7E9]  }
0xbd: {  	s16 =	sld [smem:$0x7EA]  }
0xbe: {  	[tilespmem:s14], [sflag:$0x1] =	stream.indirect.gather [hbm4b:s4+s10], $0x8, s0, s10, $0xb8;
	[tilespmem:$0x8F70] =	vst v63  }
0xbf: {  	s0 =	sld [smem:$0x7EB]  }
0xc0: {  	s14 =	sld [smem:$0x7EC]  }
0xc1: {  	[tilespmem:s16], [sflag:$0x1] =	stream.indirect.gather [hbm4b:s4+s10], $0x8, s15, s10, $0xb8;
	[tilespmem:$0x8F70] =	vst v63  }
0xc2: {  	s15 =	sld [smem:$0x7ED]  }
0xc3: {  	s16 =	sld [smem:$0x7EE]  }
0xc4: {  	[tilespmem:s14], [sflag:$0x1] =	stream.indirect.gather [hbm4b:s4+s10], $0x8, s0, s10, $0xb8;
	[tilespmem:$0x8F70] =	vst v63  }
0xc5: {  	s0 =	sld [smem:$0x7F1]  }
0xc6: {  	[tilespmem:s16], [sflag:$0x1] =	stream.indirect.gather [hbm4b:s4+s10], $0x8, s15, s10, $0xb8;
	[tilespmem:$0x8F70] =	vst v63  }
0xc7: {  	s15 =	sld [smem:$0x7EF]  }
0xc8: {  	s16 =	sld [smem:$0x7F0]  }
0xc9: {  	[tilespmem:s13], [sflag:$0x1] =	stream.indirect.gather [hbm4b:s5+s10], $0x8, s9, s10, $0xb8;
	[tilespmem:$0x8F70] =	vst v63  }
0xca: {  	s14 =	sld [smem:$0x7F2]  }
0xcb: {  	[tilespmem:s16], [sflag:$0x1] =	stream.indirect.gather [hbm4b:s5+s10], $0x8, s15, s10, $0xb8;
	[tilespmem:$0x8F70] =	vst v63  }
0xcc: {  	s15 =	sld [smem:$0x7F3]  }
0xcd: {  	s16 =	sld [smem:$0x7F4]  }
0xce: {  	[tilespmem:s14], [sflag:$0x1] =	stream.indirect.gather [hbm4b:s5+s10], $0x8, s0, s10, $0xb8;
	[tilespmem:$0x8F70] =	vst v63  }
0xcf: {  	s0 =	sld [smem:$0x7F5]  }
0xd0: {  	s14 =	sld [smem:$0x7F6]  }
0xd1: {  	[tilespmem:s16], [sflag:$0x1] =	stream.indirect.gather [hbm4b:s5+s10], $0x8, s15, s10, $0xb8;
	[tilespmem:$0x8F70] =	vst v63  }
0xd2: {  	s15 =	sld [smem:$0x7F7]  }
0xd3: {  	s16 =	sld [smem:$0x7F8]  }
0xd4: {  	[tilespmem:s14], [sflag:$0x1] =	stream.indirect.gather [hbm4b:s5+s10], $0x8, s0, s10, $0xb8;
	[tilespmem:$0x8F70] =	vst v63  }
0xd5: {  	s0 =	sld [smem:$0x7F9]  }
0xd6: {  	s14 =	sld [smem:$0x7FA]  }
0xd7: {  	[tilespmem:s16], [sflag:$0x1] =	stream.indirect.gather [hbm4b:s5+s10], $0x8, s15, s10, $0xb8;
	[tilespmem:$0x8F70] =	vst v63  }
0xd8: {  	s15 =	sld [smem:$0x7FB]  }
0xd9: {  	s16 =	sld [smem:$0x7FC]  }
0xda: {  	[tilespmem:s14], [sflag:$0x1] =	stream.indirect.gather [hbm4b:s5+s10], $0x8, s0, s10, $0xb8;
	[tilespmem:$0x8F70] =	vst v63  }
0xdb: {  	s14 =	sld [smem:$0x7FD]  }
0xdc: {  	[tilespmem:s16], [sflag:$0x1] =	stream.indirect.gather [hbm4b:s5+s10], $0x8, s15, s10, $0xb8;
	[tilespmem:$0x8F70] =	vst v63  }
0xdd: {  	s16 =	simm.s32 $0x78F0  }
0xde: {  	[tilespmem:s16], [sflag:$0x1] =	stream.indirect.gather [hbm4b:s5+s10], $0x8, s14, s10, $0xb8;
	[tilespmem:$0x8F70] =	vst v63  }
0xdf: {  	s15 =	simm.s32 $0xD70;
	s16 =	simm.s32 $0x7B70  }
0xe0: {  	[tilespmem:s16], [sflag:$0x1] =	stream.indirect.gather [hbm4b:s5+s10], $0x8, s15, s10, $0xb8;
	[tilespmem:$0x8F70] =	vst v63  }
0xe1: {  	_ = 	snop  }
0xe2: {  	[tilespmem:s18], [sflag:$0x1] =	stream.indirect.gather [hbm4b:s5+s10], $0x8, s17, s10, $0xb8;
	[tilespmem:$0x8F70] =	vst v63  }
0xe3: {  	_ = 	snop  }
0xe4: {  	[tilespmem:s20], [sflag:$0x1] =	stream.indirect.gather [hbm4b:s5+s10], $0x8, s19, s10, $0xb8;
	[tilespmem:$0x8F70] =	vst v63  }
0xe5: {  	_ = 	snop  }
0xe6: {  	[tilespmem:s22], [sflag:$0x1] =	stream.indirect.gather [hbm4b:s5+s10], $0x8, s21, s10, $0xb8;
	[tilespmem:$0x8F70] =	vst v63  }
0xe7: {  	_ = 	snop  }
0xe8: {  	[tilespmem:s24], [sflag:$0x1] =	stream.indirect.gather [hbm4b:s5+s10], $0x8, s23, s10, $0xb8;
	[tilespmem:$0x8F70] =	vst v63  }
0xe9: {  	_ = 	snop  }
0xea: {  	[tilespmem:s26], [sflag:$0x1] =	stream.indirect.gather [hbm4b:s5+s10], $0x8, s25, s10, $0xb8;
	[tilespmem:$0x8F70] =	vst v63  }
0xeb: {  	_ = 	snop  }
0xec: {  	[tilespmem:s29], [sflag:$0x1] =	stream.indirect.gather [hbm4b:s5+s10], $0x8, s28, s10, $0xb8;
	[tilespmem:$0x8F70] =	vst v63  }
0xed: {  	_ = 	snop  }
0xee: {  	[tilespmem:s31], [sflag:$0x1] =	stream.indirect.gather [hbm4b:s5+s10], $0x8, s30, s10, $0xb8;
	[tilespmem:$0x8F70] =	vst v63  }
0xef: {  	_ =	swait.ge [sflag:s1], $0x280  }
0xf0: {  	[sflag:s1] =	ssyncset.done $0x0  }
0xf1: {  	[sflag:s1] =	ssyncadd.s32 $0xFFFFFD80  }
0xf2: {  	_ =	swait.ge [sflag:s1], $0x280  }
0xf3: {  	[sflag:s1] =	ssyncset.done $0x0  }
0xf4: {  	[sflag:s1] =	ssyncadd.s32 $0xFFFFFD80  }
0xf5: {  	_ =	swait.ge [sflag:s1], $0x280  }
0xf6: {  	[sflag:s1] =	ssyncset.done $0x0  }
0xf7: {  	[sflag:s1] =	ssyncadd.s32 $0xFFFFFD80  }
0xf8: {  	_ =	swait.ge [sflag:s1], $0x280  }
0xf9: {  	[sflag:s1] =	ssyncset.done $0x0  }
0xfa: {  	[sflag:s1] =	ssyncadd.s32 $0xFFFFFD80  }
0xfb: {  	_ =	swait.ge [sflag:s1], $0x280  }
0xfc: {  	[sflag:s1] =	ssyncset.done $0x0  }
0xfd: {  	[sflag:s1] =	ssyncadd.s32 $0xFFFFFD80  }
0xfe: {  	_ =	swait.ge [sflag:s1], $0x280  }
0xff: {  	[sflag:s1] =	ssyncset.done $0x0  }
0x100: {  	[sflag:s1] =	ssyncadd.s32 $0xFFFFFD80  }
0x101: {  	_ =	swait.ge [sflag:s1], $0x280  }
0x102: {  	[sflag:s1] =	ssyncset.done $0x0  }
0x103: {  	[sflag:s1] =	ssyncadd.s32 $0xFFFFFD80  }
0x104: {  	_ =	swait.ge [sflag:s1], $0x280  }
0x105: {  	[sflag:s1] =	ssyncset.done $0x0  }
0x106: {  	[sflag:s1] =	ssyncadd.s32 $0xFFFFFD80  }
0x107: {  	_ =	swait.ge [sflag:s1], $0x280  }
0x108: {  	[sflag:s1] =	ssyncset.done $0x0  }
0x109: {  	[sflag:s1] =	ssyncadd.s32 $0xFFFFFD80  }
0x10a: {  	_ =	swait.ge [sflag:s1], $0x280  }
0x10b: {  	[sflag:s1] =	ssyncset.done $0x0  }
0x10c: {  	[sflag:s1] =	ssyncadd.s32 $0xFFFFFD80  }
0x10d: {  	_ =	swait.ge [sflag:s1], $0x280  }
0x10e: {  	[sflag:s1] =	ssyncset.done $0x0  }
0x10f: {  	[sflag:s1] =	ssyncadd.s32 $0xFFFFFD80  }
0x110: {  	_ =	swait.ge [sflag:s1], $0x280  }
0x111: {  	[sflag:s1] =	ssyncset.done $0x0  }
0x112: {  	[sflag:s1] =	ssyncadd.s32 $0xFFFFFD80  }
0x113: {  	_ =	swait.ge [sflag:s1], $0x280  }
0x114: {  	[sflag:s1] =	ssyncset.done $0x0  }
0x115: {  	[sflag:s1] =	ssyncadd.s32 $0xFFFFFD80  }
0x116: {  	_ =	swait.ge [sflag:s1], $0x280  }
0x117: {  	[sflag:s1] =	ssyncset.done $0x0  }
0x118: {  	[sflag:s1] =	ssyncadd.s32 $0xFFFFFD80  }
0x119: {  	_ =	swait.ge [sflag:s1], $0x280  }
0x11a: {  	[sflag:s1] =	ssyncset.done $0x0  }
0x11b: {  	[sflag:s1] =	ssyncadd.s32 $0xFFFFFD80  }
0x11c: {  	_ =	swait.ge [sflag:s1], $0x280  }
0x11d: {  	[sflag:s1] =	ssyncset.done $0x0  }
0x11e: {  	[sflag:s1] =	ssyncadd.s32 $0xFFFFFD80  }
0x11f: {  	_ =	swait.ge [sflag:s1], $0x280  }
0x120: {  	[sflag:s1] =	ssyncset.done $0x0  }
0x121: {  	[sflag:s1] =	ssyncadd.s32 $0xFFFFFD80  }
0x122: {  	_ =	swait.ge [sflag:s1], $0x280  }
0x123: {  	[sflag:s1] =	ssyncset.done $0x0  }
0x124: {  	[sflag:s1] =	ssyncadd.s32 $0xFFFFFD80  }
0x125: {  	_ =	swait.ge [sflag:s1], $0x280  }
0x126: {  	[sflag:s1] =	ssyncset.done $0x0  }
0x127: {  	[sflag:s1] =	ssyncadd.s32 $0xFFFFFD80  }
0x128: {  	_ =	swait.ge [sflag:s1], $0x280  }
0x129: {  	[sflag:s1] =	ssyncset.done $0x0  }
0x12a: {  	[sflag:s1] =	ssyncadd.s32 $0xFFFFFD80  }
0x12b: {  	_ =	swait.ge [sflag:s1], $0x280  }
0x12c: {  	[sflag:s1] =	ssyncset.done $0x0  }
0x12d: {  	[sflag:s1] =	ssyncadd.s32 $0xFFFFFD80  }
0x12e: {  	_ =	swait.ge [sflag:s1], $0x280  }
0x12f: {  	[sflag:s1] =	ssyncset.done $0x0  }
0x130: {  	[sflag:s1] =	ssyncadd.s32 $0xFFFFFD80  }
0x131: {  	_ =	swait.ge [sflag:s1], $0x280  }
0x132: {  	[sflag:s1] =	ssyncset.done $0x0  }
0x133: {  	[sflag:s1] =	ssyncadd.s32 $0xFFFFFD80  }
0x134: {  	_ =	swait.ge [sflag:s1], $0x280  }
0x135: {  	[sflag:s1] =	ssyncset.done $0x0  }
0x136: {  	[sflag:s1] =	ssyncadd.s32 $0xFFFFFD80  }
0x137: {  	_ =	swait.ge [sflag:s1], $0x280  }
0x138: {  	[sflag:s1] =	ssyncset.done $0x0  }
0x139: {  	[sflag:s1] =	ssyncadd.s32 $0xFFFFFD80  }
0x13a: {  	_ =	swait.ge [sflag:s1], $0x280  }
0x13b: {  	[sflag:s1] =	ssyncset.done $0x0  }
0x13c: {  	[sflag:s1] =	ssyncadd.s32 $0xFFFFFD80  }
0x13d: {  	_ =	swait.ge [sflag:s1], $0x280  }
0x13e: {  	[sflag:s1] =	ssyncset.done $0x0  }
0x13f: {  	[sflag:s1] =	ssyncadd.s32 $0xFFFFFD80  }
0x140: {  	_ =	swait.ge [sflag:s1], $0x280  }
0x141: {  	[sflag:s1] =	ssyncset.done $0x0  }
0x142: {  	[sflag:s1] =	ssyncadd.s32 $0xFFFFFD80  }
0x143: {  	_ =	swait.ge [sflag:s1], $0x280  }
0x144: {  	[sflag:s1] =	ssyncset.done $0x0  }
0x145: {  	[sflag:s1] =	ssyncadd.s32 $0xFFFFFD80  }
0x146: {  	_ =	swait.ge [sflag:s1], $0x280  }
0x147: {  	[sflag:s1] =	ssyncset.done $0x0  }
0x148: {  	[sflag:s1] =	ssyncadd.s32 $0xFFFFFD80  }
0x149: {  	_ =	swait.ge [sflag:s1], $0x280  }
0x14a: {  	[sflag:s1] =	ssyncset.done $0x0  }
0x14b: {  	[sflag:s1] =	ssyncadd.s32 $0xFFFFFD80  }
0x14c: {  	_ =	swait.ge [sflag:s1], $0x280  }
0x14d: {  	[sflag:s1] =	ssyncset.done $0x0  }
0x14e: {  	[sflag:s1] =	ssyncadd.s32 $0xFFFFFD80  }
0x14f: {  	_ =	swait.ge [sflag:s1], $0x280  }
0x150: {  	[sflag:s1] =	ssyncset.done $0x0  }
0x151: {  	[sflag:s1] =	ssyncadd.s32 $0xFFFFFD80  }
0x152: {  	_ =	swait.ge [sflag:s1], $0x280  }
0x153: {  	[sflag:s1] =	ssyncset.done $0x0  }
0x154: {  	[sflag:s1] =	ssyncadd.s32 $0xFFFFFD80  }
0x155: {  	_ =	swait.ge [sflag:s1], $0x280  }
0x156: {  	[sflag:s1] =	ssyncset.done $0x0  }
0x157: {  	[sflag:s1] =	ssyncadd.s32 $0xFFFFFD80  }
0x158: {  	_ =	swait.ge [sflag:s1], $0x280  }
0x159: {  	[sflag:s1] =	ssyncset.done $0x0  }
0x15a: {  	[sflag:s1] =	ssyncadd.s32 $0xFFFFFD80  }
0x15b: {  	_ =	swait.ge [sflag:s1], $0x280  }
0x15c: {  	[sflag:s1] =	ssyncset.done $0x0  }
0x15d: {  	[sflag:s1] =	ssyncadd.s32 $0xFFFFFD80  }
0x15e: {  	_ =	swait.ge [sflag:s1], $0x280  }
0x15f: {  	[sflag:s1] =	ssyncset.done $0x0  }
0x160: {  	[sflag:s1] =	ssyncadd.s32 $0xFFFFFD80  }
0x161: {  	_ =	swait.ge [sflag:s1], $0x280  }
0x162: {  	[sflag:s1] =	ssyncset.done $0x0  }
0x163: {  	[sflag:s1] =	ssyncadd.s32 $0xFFFFFD80  }
0x164: {  	_ =	swait.ge [sflag:s1], $0x280  }
0x165: {  	[sflag:s1] =	ssyncset.done $0x0  }
0x166: {  	[sflag:s1] =	ssyncadd.s32 $0xFFFFFD80  }
0x167: {  	_ =	swait.ge [sflag:s1], $0x280  }
0x168: {  	[sflag:s1] =	ssyncset.done $0x0  }
0x169: {  	[sflag:s1] =	ssyncadd.s32 $0xFFFFFD80  }
0x16a: {  	_ =	swait.ge [sflag:s1], $0x280  }
0x16b: {  	[sflag:s1] =	ssyncset.done $0x0  }
0x16c: {  	[sflag:s1] =	ssyncadd.s32 $0xFFFFFD80  }
0x16d: {  	_ =	swait.ge [sflag:s1], $0x280  }
0x16e: {  	[sflag:s1] =	ssyncset.done $0x0  }
0x16f: {  	[sflag:s1] =	ssyncadd.s32 $0xFFFFFD80  }
0x170: {  	_ =	swait.ge [sflag:s1], $0x280  }
0x171: {  	[sflag:s1] =	ssyncset.done $0x0  }
0x172: {  	[sflag:s1] =	ssyncadd.s32 $0xFFFFFD80  }
0x173: {  	_ =	swait.ge [sflag:s1], $0x280  }
0x174: {  	[sflag:s1] =	ssyncset.done $0x0  }
0x175: {  	[sflag:s1] =	ssyncadd.s32 $0xFFFFFD80  }
0x176: {  	_ =	swait.ge [sflag:s1], $0x280  }
0x177: {  	[sflag:s1] =	ssyncset.done $0x0  }
0x178: {  	[sflag:s1] =	ssyncadd.s32 $0xFFFFFD80  }
0x179: {  	_ =	swait.ge [sflag:s1], $0x280  }
0x17a: {  	[sflag:s1] =	ssyncset.done $0x0  }
0x17b: {  	[sflag:s1] =	ssyncadd.s32 $0xFFFFFD80  }
0x17c: {  	_ =	swait.ge [sflag:s1], $0x280  }
0x17d: {  	[sflag:s1] =	ssyncset.done $0x0  }
0x17e: {  	[sflag:s1] =	ssyncadd.s32 $0xFFFFFD80  }
0x17f: {  	_ =	swait.ge [sflag:s1], $0x280  }
0x180: {  	[sflag:s1] =	ssyncset.done $0x0  }
0x181: {  	[sflag:s1] =	ssyncadd.s32 $0xFFFFFD80  }
0x182: {  	_ =	swait.ge [sflag:s1], $0x280  }
0x183: {  	[sflag:s1] =	ssyncset.done $0x0  }
0x184: {  	[sflag:s1] =	ssyncadd.s32 $0xFFFFFD80  }
0x185: {  	_ =	swait.ge [sflag:s1], $0x280  }
0x186: {  	[sflag:s1] =	ssyncset.done $0x0  }
0x187: {  	s14 =	rddreg [dreg:$0x5];
	[sflag:s1] =	ssyncadd.s32 $0xFFFFFD80  }
0x188: {  	[hbm4b:s14+s2] =	stream.linear.scatter [tilespmem:s11], [sflag:$0x2], $0x2A80, $0x38;
	[tilespmem:$0x8F70] =	vst v63  }
0x189: {  	_ =	swait.ge [sflag:s7], $0x2A80  }
0x18a: {  	[sflag:s7] =	ssyncset.done $0x0  }
0x18b: {  	s15 =	rddreg [dreg:$0x6];
	[sflag:s7] =	ssyncadd.s32 $0xFFFFD580  }
0x18c: {  	[hbm4b:s15+s2] =	stream.linear.scatter [tilespmem:s12], [sflag:$0x2], $0x2A80, $0x38;
	[tilespmem:$0x8F70] =	vst v63  }
0x18d: {  	_ =	swait.ge [sflag:s7], $0x2A80  }
0x18e: {  	p0 =	sne.s32 s6, $0x1;
	[sflag:s7] =	ssyncset.done $0x0  }
.Ltmp0:
0x18f: {  	s16 =	rddreg [dreg:$0x7];
	[sflag:s7] =	ssyncadd.s32 $0xFFFFD580;
	(pc) =	sbr.rel @p0 .LBB2_1-.Ltmp0, $4  }
0x190: {  	[hbm4b:s16+s2] =	stream.linear.scatter [tilespmem:s13], [sflag:$0x2], $0x2A80, $0x38;
	[tilespmem:$0x8F70] =	vst v63  }
0x191: {  	_ =	swait.ge [sflag:s7], $0x2A80  }
0x192: {  	[sflag:s7] =	ssyncset.done $0x0  }
0x193: {  	s6 =	sadd.s32 $0xFFFFFFFF, s6;
	[sflag:s7] =	ssyncadd.s32 $0xFFFFD580  }
0x194: {  	_ =	sfence.sel $0x180000  }
0x195: {  	[bflag:$0x0] =	sbarrier.arrive $0xFFFF  }
0x196: {  	_ =	strace $0x90000047  }
0x197: {  	s0 =	stileid.u32;
	[bflag:$0x2] =	sbarrier.arrive $0xFFFF  }
0x198: {  	p0 =	sne.s32 s0, $0x0;
	s0 =	rddreg [dreg:$0x1]  }
0x199: {  	s0 =	sadd.s32 @!p0 $0x100000, s0  }
0x19a: {  	[sflag:s0] =	ssyncadd.tile.s32 @!p0 $0x1;
	_ =	shalt  }
.Lfunc_end2:
_tile_overlayer_lowered:
.L_overlay_start_2:
0x19b: {  	(tag) =	ssettag $0x2  }
0x19c: {  	s0 =	rddreg [dreg:$0x0];
	s2 =	stileid.u32  }
0x19d: {  	s1 =	rddreg [dreg:$0x1];
	p0 =	sne.s32 s2, $0x0  }
0x19e: {  	s3 =	rddreg [dreg:$0x2];
	[bflag:$0x3] =	sbarrier.arrive $0xFFFF;
	s2 =	simm.s32 @!p0 $0x1C02  }
0x19f: {  	[timem:s3], [sflag:s2] =	dma.local @!p0 [hbm:s0], s1  }
0x1a0: {  	s0 =	simm.s32 @!p0 $0x2  }
0x1a1: {  	_ =	swait.ge @!p0 [sflag:s0], s1  }
0x1a2: {  	s1 =	ssub.s32 @!p0 $0x0, s1;
	[sflag:s0] =	ssyncset.done @!p0 $0x0  }
0x1a3: {  	[sflag:s0] =	ssyncadd.s32 @!p0 s1  }
0x1a4: {  	[bflag:$0x3] =	sbarrier.arrive $0xFFFF  }
0x1a5: {  	_ =	shalt  }

</sc_bundles>
